<compile_context>
chip_gen: v7x
topology: tpu7x:2x2x1
jax: 0.10.2.dev20260603
libtpu: 0.0.44.dev20260713+nightly
codegen_flags: <defaults>
</compile_context>

<pallas_src>
import functools

import jax
import jax.numpy as jnp
from jax import lax
from jax.experimental import pallas as pl
from jax.experimental.pallas import tpu as pltpu
from jax.experimental.pallas import tpu_sc as plsc

B, N, M = 8, 2048, 2048
_INV = 1.0 / (B * N)


_SB = 2
_NC, _NS, _L = 2, 16, 16
_NW = _NC * _NS
_WPB = _NW // _SB
_PPW = N * _SB // _NW
_PB = 8
_GV = M // _L
_BIG = 3.0e38


_GPW = M // _NS
_GVW = _GPW // _L


def _sc_body(px_hbm, py_hbm, gx_hbm, gy_hbm, psums_hbm, gtsums_hbm,
             pxv, pyv, gxv, gyv, gtmv, redv, zredv, outv, shared):
    c = lax.axis_index("c")
    s = lax.axis_index("s")
    wid = c * _NS + s
    b = wid // _WPB
    chunk = wid % _WPB
    pbase = b * N + chunk * _PPW
    gbase = b * M
    pltpu.sync_copy(px_hbm.at[pl.ds(pbase, _PPW)], pxv)
    pltpu.sync_copy(py_hbm.at[pl.ds(pbase, _PPW)], pyv)
    pltpu.sync_copy(gx_hbm.at[pl.ds(gbase, M)], gxv)
    pltpu.sync_copy(gy_hbm.at[pl.ds(gbase, M)], gyv)

    big = jnp.full((_L,), _BIG, jnp.float32)

    def init_j(j, carry):
        gtmv[pl.ds(j * _L, _L)] = big
        return carry

    lax.fori_loop(0, _GV, init_j, 0)

    for t in range(_PB):
        redv[pl.ds(t * 2 * _L + _L, _L)] = big
    zredv[pl.ds(_L, _L)] = jnp.zeros((_L,), jnp.float32)

    def outer(pg, sacc):
        pvx = pxv[pl.ds(pg * _L, _L)]
        pvy = pyv[pl.ds(pg * _L, _L)]
        for h in range(_L // _PB):
            bxs = []
            bys = []
            dnums = lax.GatherDimensionNumbers(
                offset_dims=(), collapsed_slice_dims=(0,),
                start_index_map=(0,))
            for t in range(_PB):
                idx = jnp.full((_L, 1), h * _PB + t, jnp.int32)
                bxs.append(lax.gather(
                    pvx, idx, dnums, (1,),
                    mode=lax.GatherScatterMode.PROMISE_IN_BOUNDS))
                bys.append(lax.gather(
                    pvy, idx, dnums, (1,),
                    mode=lax.GatherScatterMode.PROMISE_IN_BOUNDS))

            def inner(j, ms):
                off = j * _L
                gxr = gxv[pl.ds(off, _L)]
                gyr = gyv[pl.ds(off, _L)]
                gtm = gtmv[pl.ds(off, _L)]
                out_ms = []
                for t in range(_PB):
                    dx = bxs[t] - gxr
                    dy = bys[t] - gyr
                    d = dx * dx + dy * dy
                    out_ms.append(jnp.minimum(ms[t], d))
                    gtm = jnp.minimum(gtm, d)
                gtmv[pl.ds(off, _L)] = gtm
                return tuple(out_ms)

            ms = lax.fori_loop(0, _GV, inner, (big,) * _PB, unroll=2)
            for t in range(_PB):
                m = ms[t]
                for sh in (8, 4, 2, 1):
                    redv[pl.ds(t * 2 * _L, _L)] = m
                    m = jnp.minimum(m, redv[pl.ds(t * 2 * _L + sh, _L)])
                sacc = sacc + m
        return sacc

    sacc = lax.fori_loop(0, _PPW // _L, outer, jnp.zeros((_L,), jnp.float32))
    outv[...] = sacc
    pltpu.sync_copy(outv, psums_hbm.at[wid])

    pltpu.sync_copy(gtmv, shared.at[s])
    plsc.subcore_barrier()
    for k in range(_NS):
        pltpu.sync_copy(shared.at[k, pl.ds(s * _GPW, _GPW)],
                        gtmv.at[pl.ds(k * _GPW, _GPW)])
    gsum = jnp.zeros((_L,), jnp.float32)
    for j2 in range(_GVW):
        red = gtmv[pl.ds(j2 * _L, _L)]
        for k in range(1, _NS):
            red = jnp.minimum(red, gtmv[pl.ds(k * _GPW + j2 * _L, _L)])
        gsum = gsum + red
    for sh in (8, 4, 2, 1):
        zredv[pl.ds(0, _L)] = gsum
        gsum = gsum + zredv[pl.ds(sh, _L)]
    outv[...] = gsum
    pltpu.sync_copy(outv, gtsums_hbm.at[wid])


def _chamfer_sc_partial(px, py, gx, gy):
    mesh = plsc.VectorSubcoreMesh(core_axis_name="c", subcore_axis_name="s")
    kfn = pl.kernel(
        _sc_body,
        out_type=[
            jax.ShapeDtypeStruct((_NW, _L), jnp.float32),
            jax.ShapeDtypeStruct((_NW, _L), jnp.float32),
        ],
        mesh=mesh,
        scratch_types=[
            pltpu.VMEM((_PPW,), jnp.float32),
            pltpu.VMEM((_PPW,), jnp.float32),
            pltpu.VMEM((M,), jnp.float32),
            pltpu.VMEM((M,), jnp.float32),
            pltpu.VMEM((M,), jnp.float32),
            pltpu.VMEM((_PB * 2 * _L,), jnp.float32),
            pltpu.VMEM((2 * _L,), jnp.float32),
            pltpu.VMEM((_L,), jnp.float32),
            pltpu.VMEM_SHARED((_NS, M), jnp.float32),
        ],
    )
    return kfn(px, py, gx, gy)



_TB = B - _SB
TN = 2048
NI = N // TN


def _chamfer_tc_body(pxt_ref, pyt_ref, gx_ref, gy_ref, acc_ref, gtmin_ref):
    i = pl.program_id(0)

    psum = jnp.float32(0.0)
    for b in range(_TB):
        pxc = pxt_ref[:, b : b + 1]
        pyc = pyt_ref[:, b : b + 1]
        gxr = gx_ref[b : b + 1, :]
        gyr = gy_ref[b : b + 1, :]
        dx = pxc - gxr
        dy = pyc - gyr
        dist = dx * dx + dy * dy
        psum = psum + jnp.sum(jnp.min(dist, axis=1))
        gt_part = jnp.min(dist, axis=0, keepdims=True)

        @pl.when(i == 0)
        def _init_gt():
            gtmin_ref[b : b + 1, :] = gt_part

        @pl.when(i != 0)
        def _acc_gt():
            gtmin_ref[b : b + 1, :] = jnp.minimum(gtmin_ref[b : b + 1, :], gt_part)

    @pl.when(i == 0)
    def _init_acc():
        acc_ref[0, 0] = 0.0

    acc_ref[0, 0] += psum * _INV

    @pl.when(i == NI - 1)
    def _flush_gt():
        acc_ref[0, 0] += jnp.sum(gtmin_ref[:, :]) * _INV


def _chamfer_tc_partial(pxt, pyt, gx, gy):
    out = pl.pallas_call(
        _chamfer_tc_body,
        grid=(NI,),
        in_specs=[
            pl.BlockSpec((TN, _TB), lambda i: (i, 0)),
            pl.BlockSpec((TN, _TB), lambda i: (i, 0)),
            pl.BlockSpec((_TB, M), lambda i: (0, 0)),
            pl.BlockSpec((_TB, M), lambda i: (0, 0)),
        ],
        out_specs=pl.BlockSpec((1, 1), lambda i: (0, 0), memory_space=pltpu.SMEM),
        out_shape=jax.ShapeDtypeStruct((1, 1), jnp.float32),
        scratch_shapes=[pltpu.VMEM((_TB, M), jnp.float32)],
    )(pxt, pyt, gx, gy)
    return out[0, 0]




@jax.jit
def _chamfer(pred_points, gt_points):
    spx = pred_points[:_SB, :, 0].reshape(-1)
    spy = pred_points[:_SB, :, 1].reshape(-1)
    sgx = gt_points[:_SB, :, 0].reshape(-1)
    sgy = gt_points[:_SB, :, 1].reshape(-1)
    psums, gtsums = _chamfer_sc_partial(spx, spy, sgx, sgy)

    pxt = pred_points[_SB:, :, 0].T
    pyt = pred_points[_SB:, :, 1].T
    tgx = gt_points[_SB:, :, 0]
    tgy = gt_points[_SB:, :, 1]
    tc_out = _chamfer_tc_partial(pxt, pyt, tgx, tgy)

    sc_part = (jnp.sum(psums[:, 0]) + jnp.sum(gtsums[:, 0])) * _INV
    return tc_out + sc_part


def kernel(pred_points, gt_points):
    return _chamfer(pred_points, gt_points)

# --- scband reference (transcript-rebuilt; emitter-appended) ---
"""Pipeline reference for scband-chamfer-loss-28595892257476 (READ-ONLY COPY).

The authoritative reference and input builder live on the scoring server;
editing this copy changes nothing except your own understanding.
"""

import jax, jax.numpy as jnp
import numpy as np


def setup_inputs(seed: int = 0) -> dict:
    key = jax.random.key(seed)
    k1, k2 = jax.random.split(key)
    pred_points = jax.random.normal(k1, (8, 2048, 2), dtype=jnp.float32)
    gt_points = jax.random.normal(k2, (8, 2048, 2), dtype=jnp.float32)
    return {"pred_points": pred_points, "gt_points": gt_points}


def reference(pred_points, gt_points):
    # x: [B, N, 1, 2], y: [B, 1, M, 2]
    x = pred_points[:, :, None, :]
    y = gt_points[:, None, :, :]
    dist = jnp.sum(jnp.square(x - y), axis=-1)  # [B, N, M]
    min_dist_pred = jnp.min(dist, axis=2)  # [B, N] pred -> gt
    min_dist_gt = jnp.min(dist, axis=1)    # [B, M] gt -> pred
    chamfer = jnp.mean(min_dist_pred) + jnp.mean(min_dist_gt)
    return chamfer

if __name__ == "__main__":
    import jax
    _d = setup_inputs()
    print(jax.jit(kernel)(*tuple(_d.values())))

</pallas_src>

<mosaic_0001>
#map = affine_map<(d0, d1) -> (0)>
#map1 = affine_map<(d0, d1) -> (0, 0)>
module attributes {stable_mosaic.version = 14 : i64} {
  func.func @_sc_body(%arg0: i32, %arg1: i32, %arg2: memref<4096xf32, #tpu.memory_space<hbm>>, %arg3: memref<4096xf32, #tpu.memory_space<hbm>>, %arg4: memref<4096xf32, #tpu.memory_space<hbm>>, %arg5: memref<4096xf32, #tpu.memory_space<hbm>>, %arg6: memref<32x16xf32, #tpu.memory_space<hbm>>, %arg7: memref<32x16xf32, #tpu.memory_space<hbm>>, %arg8: memref<128xf32, #tpu.memory_space<vmem>>, %arg9: memref<128xf32, #tpu.memory_space<vmem>>, %arg10: memref<2048xf32, #tpu.memory_space<vmem>>, %arg11: memref<2048xf32, #tpu.memory_space<vmem>>, %arg12: memref<2048xf32, #tpu.memory_space<vmem>>, %arg13: memref<256xf32, #tpu.memory_space<vmem>>, %arg14: memref<32xf32, #tpu.memory_space<vmem>>, %arg15: memref<16xf32, #tpu.memory_space<vmem>>, %arg16: memref<16x2048xf32, #tpu.memory_space<vmem_shared>>) attributes {dimension_semantics = [#tpu.dimension_semantics<core_parallel>, #tpu.dimension_semantics<subcore_parallel>], iteration_bounds = array<i64: 2, 16>, scalar_prefetch = 0 : i64, scratch_operands = 9 : i64, tpu.core_type = #tpu.core_type<sc_vector_subcore>, window_params = [{transform_indices = #map}, {transform_indices = #map}, {transform_indices = #map}, {transform_indices = #map}, {transform_indices = #map1}, {transform_indices = #map1}]} {
    %mul3A = arith.constant 16 : i32
    %mul3A_0 = arith.muli %arg0, %mul3A : i32
    %add3A = arith.addi %mul3A_0, %arg1 : i32
    %jit3A = arith.constant 16 : i32
    %div3A = arith.divsi %add3A, %jit3A : i32
    %sign3A = arith.constant 0 : i32
    %sign3A_1 = arith.cmpi sgt, %add3A, %sign3A : i32
    %sign3A_2 = arith.extui %sign3A_1 : i1 to i32
    %sign3A_3 = arith.constant 0 : i32
    %sign3A_4 = arith.cmpi slt, %add3A, %sign3A_3 : i32
    %sign3A_5 = arith.extui %sign3A_4 : i1 to i32
    %sign3A_6 = arith.subi %sign3A_2, %sign3A_5 : i32
    %sign3A_7 = arith.constant 0 : i32
    %sign3A_8 = arith.cmpi sgt, %jit3A, %sign3A_7 : i32
    %sign3A_9 = arith.extui %sign3A_8 : i1 to i32
    %sign3A_10 = arith.constant 0 : i32
    %sign3A_11 = arith.cmpi slt, %jit3A, %sign3A_10 : i32
    %sign3A_12 = arith.extui %sign3A_11 : i1 to i32
    %sign3A_13 = arith.subi %sign3A_9, %sign3A_12 : i32
    %ne3A = arith.cmpi ne, %sign3A_6, %sign3A_13 : i32
    %rem3A = arith.remsi %add3A, %jit3A : i32
    %ne3A_14 = arith.constant 0 : i32
    %ne3A_15 = arith.cmpi ne, %rem3A, %ne3A_14 : i32
    %and3A = arith.andi %ne3A, %ne3A_15 : i1
    %sub3A = arith.constant 1 : i32
    %sub3A_16 = arith.subi %div3A, %sub3A : i32
    %select_n3A = arith.select %and3A, %sub3A_16, %div3A : i32
    %jit3A_17 = arith.constant 16 : i32
    %eq3A = arith.constant 0 : i32
    %eq3A_18 = arith.cmpi eq, %jit3A_17, %eq3A : i32
    %jit3A_19 = arith.constant 1 : i32
    %select_n3A_20 = arith.select %eq3A_18, %jit3A_19, %jit3A_17 : i32
    %rem3A_21 = arith.remsi %add3A, %select_n3A_20 : i32
    %ne3A_22 = arith.constant 0 : i32
    %ne3A_23 = arith.cmpi ne, %rem3A_21, %ne3A_22 : i32
    %lt3A = arith.constant 0 : i32
    %lt3A_24 = arith.cmpi slt, %rem3A_21, %lt3A : i32
    %lt3A_25 = arith.constant 0 : i32
    %lt3A_26 = arith.cmpi slt, %select_n3A_20, %lt3A_25 : i32
    %ne3A_27 = arith.xori %lt3A_24, %lt3A_26 : i1
    %and3A_28 = arith.andi %ne3A_27, %ne3A_23 : i1
    %add3A_29 = arith.addi %rem3A_21, %select_n3A_20 : i32
    %select_n3A_30 = arith.select %and3A_28, %add3A_29, %rem3A_21 : i32
    %mul3A_31 = arith.constant 2048 : i32
    %mul3A_32 = arith.muli %select_n3A, %mul3A_31 : i32
    %mul3A_33 = arith.constant 128 : i32
    %mul3A_34 = arith.muli %select_n3A_30, %mul3A_33 : i32
    %add3A_35 = arith.addi %mul3A_32, %mul3A_34 : i32
    %mul3A_36 = arith.constant 2048 : i32
    %mul3A_37 = arith.muli %select_n3A, %mul3A_36 : i32
    "tpu.region"() ({
      %run_scoped3A_688 = tpu.sem_alloc : memref<!tpu.dma_semaphore, #tpu.memory_space<semaphore_mem>>
      %dma_start3A = tpu.memref_slice %arg2[%add3A_35] : memref<4096xf32, #tpu.memory_space<hbm>> -> memref<128xf32, #tpu.memory_space<hbm>>
      %dma_start3A_689 = tpu.memref_slice %arg2[%add3A_35] : memref<4096xf32, #tpu.memory_space<hbm>> -> memref<128xf32, #tpu.memory_space<hbm>>
      tpu.enqueue_dma source(%dma_start3A_689 : memref<128xf32, #tpu.memory_space<hbm>>) target(%arg8 : memref<128xf32, #tpu.memory_space<vmem>>) target_semaphore(%run_scoped3A_688 : memref<!tpu.dma_semaphore, #tpu.memory_space<semaphore_mem>>)
      %dma_wait3A = tpu.memref_slice %arg2[%add3A_35] : memref<4096xf32, #tpu.memory_space<hbm>> -> memref<128xf32, #tpu.memory_space<hbm>>
      %dma_wait3A_690 = tpu.memref_slice %arg2[%add3A_35] : memref<4096xf32, #tpu.memory_space<hbm>> -> memref<128xf32, #tpu.memory_space<hbm>>
      tpu.wait_dma2 semaphore(%run_scoped3A_688 : memref<!tpu.dma_semaphore, #tpu.memory_space<semaphore_mem>>) src(%dma_wait3A_690 : memref<128xf32, #tpu.memory_space<hbm>>) dst(%arg8 : memref<128xf32, #tpu.memory_space<vmem>>)
      tpu.yield
    }) : () -> ()
    "tpu.region"() ({
      %run_scoped3A_688 = tpu.sem_alloc : memref<!tpu.dma_semaphore, #tpu.memory_space<semaphore_mem>>
      %dma_start3A = tpu.memref_slice %arg3[%add3A_35] : memref<4096xf32, #tpu.memory_space<hbm>> -> memref<128xf32, #tpu.memory_space<hbm>>
      %dma_start3A_689 = tpu.memref_slice %arg3[%add3A_35] : memref<4096xf32, #tpu.memory_space<hbm>> -> memref<128xf32, #tpu.memory_space<hbm>>
      tpu.enqueue_dma source(%dma_start3A_689 : memref<128xf32, #tpu.memory_space<hbm>>) target(%arg9 : memref<128xf32, #tpu.memory_space<vmem>>) target_semaphore(%run_scoped3A_688 : memref<!tpu.dma_semaphore, #tpu.memory_space<semaphore_mem>>)
      %dma_wait3A = tpu.memref_slice %arg3[%add3A_35] : memref<4096xf32, #tpu.memory_space<hbm>> -> memref<128xf32, #tpu.memory_space<hbm>>
      %dma_wait3A_690 = tpu.memref_slice %arg3[%add3A_35] : memref<4096xf32, #tpu.memory_space<hbm>> -> memref<128xf32, #tpu.memory_space<hbm>>
      tpu.wait_dma2 semaphore(%run_scoped3A_688 : memref<!tpu.dma_semaphore, #tpu.memory_space<semaphore_mem>>) src(%dma_wait3A_690 : memref<128xf32, #tpu.memory_space<hbm>>) dst(%arg9 : memref<128xf32, #tpu.memory_space<vmem>>)
      tpu.yield
    }) : () -> ()
    "tpu.region"() ({
      %run_scoped3A_688 = tpu.sem_alloc : memref<!tpu.dma_semaphore, #tpu.memory_space<semaphore_mem>>
      %dma_start3A = tpu.memref_slice %arg4[%mul3A_37] : memref<4096xf32, #tpu.memory_space<hbm>> -> memref<2048xf32, #tpu.memory_space<hbm>>
      %dma_start3A_689 = tpu.memref_slice %arg4[%mul3A_37] : memref<4096xf32, #tpu.memory_space<hbm>> -> memref<2048xf32, #tpu.memory_space<hbm>>
      tpu.enqueue_dma source(%dma_start3A_689 : memref<2048xf32, #tpu.memory_space<hbm>>) target(%arg10 : memref<2048xf32, #tpu.memory_space<vmem>>) target_semaphore(%run_scoped3A_688 : memref<!tpu.dma_semaphore, #tpu.memory_space<semaphore_mem>>)
      %dma_wait3A = tpu.memref_slice %arg4[%mul3A_37] : memref<4096xf32, #tpu.memory_space<hbm>> -> memref<2048xf32, #tpu.memory_space<hbm>>
      %dma_wait3A_690 = tpu.memref_slice %arg4[%mul3A_37] : memref<4096xf32, #tpu.memory_space<hbm>> -> memref<2048xf32, #tpu.memory_space<hbm>>
      tpu.wait_dma2 semaphore(%run_scoped3A_688 : memref<!tpu.dma_semaphore, #tpu.memory_space<semaphore_mem>>) src(%dma_wait3A_690 : memref<2048xf32, #tpu.memory_space<hbm>>) dst(%arg10 : memref<2048xf32, #tpu.memory_space<vmem>>)
      tpu.yield
    }) : () -> ()
    "tpu.region"() ({
      %run_scoped3A_688 = tpu.sem_alloc : memref<!tpu.dma_semaphore, #tpu.memory_space<semaphore_mem>>
      %dma_start3A = tpu.memref_slice %arg5[%mul3A_37] : memref<4096xf32, #tpu.memory_space<hbm>> -> memref<2048xf32, #tpu.memory_space<hbm>>
      %dma_start3A_689 = tpu.memref_slice %arg5[%mul3A_37] : memref<4096xf32, #tpu.memory_space<hbm>> -> memref<2048xf32, #tpu.memory_space<hbm>>
      tpu.enqueue_dma source(%dma_start3A_689 : memref<2048xf32, #tpu.memory_space<hbm>>) target(%arg11 : memref<2048xf32, #tpu.memory_space<vmem>>) target_semaphore(%run_scoped3A_688 : memref<!tpu.dma_semaphore, #tpu.memory_space<semaphore_mem>>)
      %dma_wait3A = tpu.memref_slice %arg5[%mul3A_37] : memref<4096xf32, #tpu.memory_space<hbm>> -> memref<2048xf32, #tpu.memory_space<hbm>>
      %dma_wait3A_690 = tpu.memref_slice %arg5[%mul3A_37] : memref<4096xf32, #tpu.memory_space<hbm>> -> memref<2048xf32, #tpu.memory_space<hbm>>
      tpu.wait_dma2 semaphore(%run_scoped3A_688 : memref<!tpu.dma_semaphore, #tpu.memory_space<semaphore_mem>>) src(%dma_wait3A_690 : memref<2048xf32, #tpu.memory_space<hbm>>) dst(%arg11 : memref<2048xf32, #tpu.memory_space<vmem>>)
      tpu.yield
    }) : () -> ()
    %broadcast_in_dim3A = arith.constant 3.000000e+38 : f32
    %broadcast_in_dim3A_38 = vector.broadcast %broadcast_in_dim3A : f32 to vector<16xf32>
    %scan3A = arith.constant 0 : i32
    %scan3A_39 = arith.constant 0 : i32
    %scan3A_40 = arith.constant 128 : i32
    %scan3A_41 = arith.addi %scan3A_39, %scan3A_40 : i32
    %scan3A_42 = arith.constant 1 : i32
    scf.for %scan3A_688 = %scan3A_39 to %scan3A_41 step %scan3A_42  : i32 {
      %mul3A_689 = arith.constant 16 : i32
      %mul3A_690 = arith.muli %scan3A_688, %mul3A_689 : i32
      %swap3A_691 = arith.index_cast %mul3A_690 : i32 to index
      %swap3A_692 = tpu.vector_load %arg12[%swap3A_691] {strides = array<i32>} : memref<2048xf32, #tpu.memory_space<vmem>>, vector<16xf32>,
      %swap3A_693 = vector.shape_cast %swap3A_692 : vector<16xf32> to vector<16xf32>
      %swap3A_694 = vector.shape_cast %broadcast_in_dim3A_38 : vector<16xf32> to vector<16xf32>
      tpu.vector_store %arg12[%swap3A_691], %swap3A_694 {strides = array<i32>} : memref<2048xf32, #tpu.memory_space<vmem>>, vector<16xf32>,
    }
    %scan3A_43 = arith.constant 128 : i32
    %swap3A = arith.constant 16 : index
    %swap3A_44 = tpu.vector_load %arg13[%swap3A] {strides = array<i32>} : memref<256xf32, #tpu.memory_space<vmem>>, vector<16xf32>,
    %swap3A_45 = vector.shape_cast %swap3A_44 : vector<16xf32> to vector<16xf32>
    %swap3A_46 = vector.shape_cast %broadcast_in_dim3A_38 : vector<16xf32> to vector<16xf32>
    tpu.vector_store %arg13[%swap3A], %swap3A_46 {strides = array<i32>} : memref<256xf32, #tpu.memory_space<vmem>>, vector<16xf32>,
    %swap3A_47 = arith.constant 48 : index
    %swap3A_48 = tpu.vector_load %arg13[%swap3A_47] {strides = array<i32>} : memref<256xf32, #tpu.memory_space<vmem>>, vector<16xf32>,
    %swap3A_49 = vector.shape_cast %swap3A_48 : vector<16xf32> to vector<16xf32>
    %swap3A_50 = vector.shape_cast %broadcast_in_dim3A_38 : vector<16xf32> to vector<16xf32>
    tpu.vector_store %arg13[%swap3A_47], %swap3A_50 {strides = array<i32>} : memref<256xf32, #tpu.memory_space<vmem>>, vector<16xf32>,
    %swap3A_51 = arith.constant 80 : index
    %swap3A_52 = tpu.vector_load %arg13[%swap3A_51] {strides = array<i32>} : memref<256xf32, #tpu.memory_space<vmem>>, vector<16xf32>,
    %swap3A_53 = vector.shape_cast %swap3A_52 : vector<16xf32> to vector<16xf32>
    %swap3A_54 = vector.shape_cast %broadcast_in_dim3A_38 : vector<16xf32> to vector<16xf32>
    tpu.vector_store %arg13[%swap3A_51], %swap3A_54 {strides = array<i32>} : memref<256xf32, #tpu.memory_space<vmem>>, vector<16xf32>,
    %swap3A_55 = arith.constant 112 : index
    %swap3A_56 = tpu.vector_load %arg13[%swap3A_55] {strides = array<i32>} : memref<256xf32, #tpu.memory_space<vmem>>, vector<16xf32>,
    %swap3A_57 = vector.shape_cast %swap3A_56 : vector<16xf32> to vector<16xf32>
    %swap3A_58 = vector.shape_cast %broadcast_in_dim3A_38 : vector<16xf32> to vector<16xf32>
    tpu.vector_store %arg13[%swap3A_55], %swap3A_58 {strides = array<i32>} : memref<256xf32, #tpu.memory_space<vmem>>, vector<16xf32>,
    %swap3A_59 = arith.constant 144 : index
    %swap3A_60 = tpu.vector_load %arg13[%swap3A_59] {strides = array<i32>} : memref<256xf32, #tpu.memory_space<vmem>>, vector<16xf32>,
    %swap3A_61 = vector.shape_cast %swap3A_60 : vector<16xf32> to vector<16xf32>
    %swap3A_62 = vector.shape_cast %broadcast_in_dim3A_38 : vector<16xf32> to vector<16xf32>
    tpu.vector_store %arg13[%swap3A_59], %swap3A_62 {strides = array<i32>} : memref<256xf32, #tpu.memory_space<vmem>>, vector<16xf32>,
    %swap3A_63 = arith.constant 176 : index
    %swap3A_64 = tpu.vector_load %arg13[%swap3A_63] {strides = array<i32>} : memref<256xf32, #tpu.memory_space<vmem>>, vector<16xf32>,
    %swap3A_65 = vector.shape_cast %swap3A_64 : vector<16xf32> to vector<16xf32>
    %swap3A_66 = vector.shape_cast %broadcast_in_dim3A_38 : vector<16xf32> to vector<16xf32>
    tpu.vector_store %arg13[%swap3A_63], %swap3A_66 {strides = array<i32>} : memref<256xf32, #tpu.memory_space<vmem>>, vector<16xf32>,
    %swap3A_67 = arith.constant 208 : index
    %swap3A_68 = tpu.vector_load %arg13[%swap3A_67] {strides = array<i32>} : memref<256xf32, #tpu.memory_space<vmem>>, vector<16xf32>,
    %swap3A_69 = vector.shape_cast %swap3A_68 : vector<16xf32> to vector<16xf32>
    %swap3A_70 = vector.shape_cast %broadcast_in_dim3A_38 : vector<16xf32> to vector<16xf32>
    tpu.vector_store %arg13[%swap3A_67], %swap3A_70 {strides = array<i32>} : memref<256xf32, #tpu.memory_space<vmem>>, vector<16xf32>,
    %swap3A_71 = arith.constant 240 : index
    %swap3A_72 = tpu.vector_load %arg13[%swap3A_71] {strides = array<i32>} : memref<256xf32, #tpu.memory_space<vmem>>, vector<16xf32>,
    %swap3A_73 = vector.shape_cast %swap3A_72 : vector<16xf32> to vector<16xf32>
    %swap3A_74 = vector.shape_cast %broadcast_in_dim3A_38 : vector<16xf32> to vector<16xf32>
    tpu.vector_store %arg13[%swap3A_71], %swap3A_74 {strides = array<i32>} : memref<256xf32, #tpu.memory_space<vmem>>, vector<16xf32>,
    %broadcast_in_dim3A_75 = arith.constant 0.000000e+00 : f32
    %broadcast_in_dim3A_76 = vector.broadcast %broadcast_in_dim3A_75 : f32 to vector<16xf32>
    %swap3A_77 = arith.constant 16 : index
    %swap3A_78 = tpu.vector_load %arg14[%swap3A_77] {strides = array<i32>} : memref<32xf32, #tpu.memory_space<vmem>>, vector<16xf32>,
    %swap3A_79 = vector.shape_cast %swap3A_78 : vector<16xf32> to vector<16xf32>
    %swap3A_80 = vector.shape_cast %broadcast_in_dim3A_76 : vector<16xf32> to vector<16xf32>
    tpu.vector_store %arg14[%swap3A_77], %swap3A_80 {strides = array<i32>} : memref<32xf32, #tpu.memory_space<vmem>>, vector<16xf32>,
    %broadcast_in_dim3A_81 = arith.constant 0.000000e+00 : f32
    %broadcast_in_dim3A_82 = vector.broadcast %broadcast_in_dim3A_81 : f32 to vector<16xf32>
    %scan3A_83 = arith.constant 0 : i32
    %scan3A_84 = arith.constant 8 : i32
    %scan3A_85 = arith.addi %scan3A_83, %scan3A_84 : i32
    %scan3A_86 = arith.constant 1 : i32
    %scan3A_87 = scf.for %scan3A_688 = %scan3A_83 to %scan3A_85 step %scan3A_86 iter_args(%scan3A_689 = %broadcast_in_dim3A_82) -> (vector<16xf32>)  : i32 {
      %mul3A_690 = arith.constant 16 : i32
      %mul3A_691 = arith.muli %scan3A_688, %mul3A_690 : i32
      %get3A_692 = arith.index_cast %mul3A_691 : i32 to index
      %get3A_693 = tpu.vector_load %arg8[%get3A_692] {strides = array<i32>} : memref<128xf32, #tpu.memory_space<vmem>>, vector<16xf32>,
      %get3A_694 = vector.shape_cast %get3A_693 : vector<16xf32> to vector<16xf32>
      %mul3A_695 = arith.constant 16 : i32
      %mul3A_696 = arith.muli %scan3A_688, %mul3A_695 : i32
      %get3A_697 = arith.index_cast %mul3A_696 : i32 to index
      %get3A_698 = tpu.vector_load %arg9[%get3A_697] {strides = array<i32>} : memref<128xf32, #tpu.memory_space<vmem>>, vector<16xf32>,
      %get3A_699 = vector.shape_cast %get3A_698 : vector<16xf32> to vector<16xf32>
      %broadcast_in_dim3A_700 = arith.constant 0 : i32
      %broadcast_in_dim3A_701 = vector.broadcast %broadcast_in_dim3A_700 : i32 to vector<16x1xi32>
      %gather3A = vector.shape_cast %broadcast_in_dim3A_701 : vector<16x1xi32> to vector<16xi32>
      %gather3A_702 = tpu.dynamic_gather %get3A_694[%gather3A] in [0] : vector<16xf32>, vector<16xi32> -> vector<16xf32>
      %gather3A_703 = vector.shape_cast %broadcast_in_dim3A_701 : vector<16x1xi32> to vector<16xi32>
      %gather3A_704 = tpu.dynamic_gather %get3A_699[%gather3A_703] in [0] : vector<16xf32>, vector<16xi32> -> vector<16xf32>
      %broadcast_in_dim3A_705 = arith.constant 1 : i32
      %broadcast_in_dim3A_706 = vector.broadcast %broadcast_in_dim3A_705 : i32 to vector<16x1xi32>
      %gather3A_707 = vector.shape_cast %broadcast_in_dim3A_706 : vector<16x1xi32> to vector<16xi32>
      %gather3A_708 = tpu.dynamic_gather %get3A_694[%gather3A_707] in [0] : vector<16xf32>, vector<16xi32> -> vector<16xf32>
      %gather3A_709 = vector.shape_cast %broadcast_in_dim3A_706 : vector<16x1xi32> to vector<16xi32>
      %gather3A_710 = tpu.dynamic_gather %get3A_699[%gather3A_709] in [0] : vector<16xf32>, vector<16xi32> -> vector<16xf32>
      %broadcast_in_dim3A_711 = arith.constant 2 : i32
      %broadcast_in_dim3A_712 = vector.broadcast %broadcast_in_dim3A_711 : i32 to vector<16x1xi32>
      %gather3A_713 = vector.shape_cast %broadcast_in_dim3A_712 : vector<16x1xi32> to vector<16xi32>
      %gather3A_714 = tpu.dynamic_gather %get3A_694[%gather3A_713] in [0] : vector<16xf32>, vector<16xi32> -> vector<16xf32>
      %gather3A_715 = vector.shape_cast %broadcast_in_dim3A_712 : vector<16x1xi32> to vector<16xi32>
      %gather3A_716 = tpu.dynamic_gather %get3A_699[%gather3A_715] in [0] : vector<16xf32>, vector<16xi32> -> vector<16xf32>
      %broadcast_in_dim3A_717 = arith.constant 3 : i32
      %broadcast_in_dim3A_718 = vector.broadcast %broadcast_in_dim3A_717 : i32 to vector<16x1xi32>
      %gather3A_719 = vector.shape_cast %broadcast_in_dim3A_718 : vector<16x1xi32> to vector<16xi32>
      %gather3A_720 = tpu.dynamic_gather %get3A_694[%gather3A_719] in [0] : vector<16xf32>, vector<16xi32> -> vector<16xf32>
      %gather3A_721 = vector.shape_cast %broadcast_in_dim3A_718 : vector<16x1xi32> to vector<16xi32>
      %gather3A_722 = tpu.dynamic_gather %get3A_699[%gather3A_721] in [0] : vector<16xf32>, vector<16xi32> -> vector<16xf32>
      %broadcast_in_dim3A_723 = arith.constant 4 : i32
      %broadcast_in_dim3A_724 = vector.broadcast %broadcast_in_dim3A_723 : i32 to vector<16x1xi32>
      %gather3A_725 = vector.shape_cast %broadcast_in_dim3A_724 : vector<16x1xi32> to vector<16xi32>
      %gather3A_726 = tpu.dynamic_gather %get3A_694[%gather3A_725] in [0] : vector<16xf32>, vector<16xi32> -> vector<16xf32>
      %gather3A_727 = vector.shape_cast %broadcast_in_dim3A_724 : vector<16x1xi32> to vector<16xi32>
      %gather3A_728 = tpu.dynamic_gather %get3A_699[%gather3A_727] in [0] : vector<16xf32>, vector<16xi32> -> vector<16xf32>
      %broadcast_in_dim3A_729 = arith.constant 5 : i32
      %broadcast_in_dim3A_730 = vector.broadcast %broadcast_in_dim3A_729 : i32 to vector<16x1xi32>
      %gather3A_731 = vector.shape_cast %broadcast_in_dim3A_730 : vector<16x1xi32> to vector<16xi32>
      %gather3A_732 = tpu.dynamic_gather %get3A_694[%gather3A_731] in [0] : vector<16xf32>, vector<16xi32> -> vector<16xf32>
      %gather3A_733 = vector.shape_cast %broadcast_in_dim3A_730 : vector<16x1xi32> to vector<16xi32>
      %gather3A_734 = tpu.dynamic_gather %get3A_699[%gather3A_733] in [0] : vector<16xf32>, vector<16xi32> -> vector<16xf32>
      %broadcast_in_dim3A_735 = arith.constant 6 : i32
      %broadcast_in_dim3A_736 = vector.broadcast %broadcast_in_dim3A_735 : i32 to vector<16x1xi32>
      %gather3A_737 = vector.shape_cast %broadcast_in_dim3A_736 : vector<16x1xi32> to vector<16xi32>
      %gather3A_738 = tpu.dynamic_gather %get3A_694[%gather3A_737] in [0] : vector<16xf32>, vector<16xi32> -> vector<16xf32>
      %gather3A_739 = vector.shape_cast %broadcast_in_dim3A_736 : vector<16x1xi32> to vector<16xi32>
      %gather3A_740 = tpu.dynamic_gather %get3A_699[%gather3A_739] in [0] : vector<16xf32>, vector<16xi32> -> vector<16xf32>
      %broadcast_in_dim3A_741 = arith.constant 7 : i32
      %broadcast_in_dim3A_742 = vector.broadcast %broadcast_in_dim3A_741 : i32 to vector<16x1xi32>
      %gather3A_743 = vector.shape_cast %broadcast_in_dim3A_742 : vector<16x1xi32> to vector<16xi32>
      %gather3A_744 = tpu.dynamic_gather %get3A_694[%gather3A_743] in [0] : vector<16xf32>, vector<16xi32> -> vector<16xf32>
      %gather3A_745 = vector.shape_cast %broadcast_in_dim3A_742 : vector<16x1xi32> to vector<16xi32>
      %gather3A_746 = tpu.dynamic_gather %get3A_699[%gather3A_745] in [0] : vector<16xf32>, vector<16xi32> -> vector<16xf32>
      %scan3A_747 = arith.constant 0 : i32
      %scan3A_748 = arith.constant 128 : i32
      %scan3A_749 = arith.addi %scan3A_747, %scan3A_748 : i32
      %scan3A_750 = arith.constant 2 : i32
      %scan3A_751:8 = scf.for %scan3A_1335 = %scan3A_747 to %scan3A_749 step %scan3A_750 iter_args(%scan3A_1336 = %broadcast_in_dim3A_38, %scan3A_1337 = %broadcast_in_dim3A_38, %scan3A_1338 = %broadcast_in_dim3A_38, %scan3A_1339 = %broadcast_in_dim3A_38, %scan3A_1340 = %broadcast_in_dim3A_38, %scan3A_1341 = %broadcast_in_dim3A_38, %scan3A_1342 = %broadcast_in_dim3A_38, %scan3A_1343 = %broadcast_in_dim3A_38) -> (vector<16xf32>, vector<16xf32>, vector<16xf32>, vector<16xf32>, vector<16xf32>, vector<16xf32>, vector<16xf32>, vector<16xf32>)  : i32 {
        %mul3A_1344 = arith.constant 16 : i32
        %mul3A_1345 = arith.muli %scan3A_1335, %mul3A_1344 : i32
        %get3A_1346 = arith.index_cast %mul3A_1345 : i32 to index
        %get3A_1347 = tpu.vector_load %arg10[%get3A_1346] {strides = array<i32>} : memref<2048xf32, #tpu.memory_space<vmem>>, vector<16xf32>,
        %get3A_1348 = vector.shape_cast %get3A_1347 : vector<16xf32> to vector<16xf32>
        %get3A_1349 = arith.index_cast %mul3A_1345 : i32 to index
        %get3A_1350 = tpu.vector_load %arg11[%get3A_1349] {strides = array<i32>} : memref<2048xf32, #tpu.memory_space<vmem>>, vector<16xf32>,
        %get3A_1351 = vector.shape_cast %get3A_1350 : vector<16xf32> to vector<16xf32>
        %get3A_1352 = arith.index_cast %mul3A_1345 : i32 to index
        %get3A_1353 = tpu.vector_load %arg12[%get3A_1352] {strides = array<i32>} : memref<2048xf32, #tpu.memory_space<vmem>>, vector<16xf32>,
        %get3A_1354 = vector.shape_cast %get3A_1353 : vector<16xf32> to vector<16xf32>
        %sub3A_1355 = arith.subf %gather3A_702, %get3A_1348 : vector<16xf32>
        %sub3A_1356 = arith.subf %gather3A_704, %get3A_1351 : vector<16xf32>
        %mul3A_1357 = arith.mulf %sub3A_1355, %sub3A_1355 : vector<16xf32>
        %mul3A_1358 = arith.mulf %sub3A_1356, %sub3A_1356 : vector<16xf32>
        %add3A_1359 = arith.addf %mul3A_1357, %mul3A_1358 : vector<16xf32>
        %min3A_1360 = arith.minimumf %scan3A_1336, %add3A_1359 : vector<16xf32>
        %min3A_1361 = arith.minimumf %get3A_1354, %add3A_1359 : vector<16xf32>
        %sub3A_1362 = arith.subf %gather3A_708, %get3A_1348 : vector<16xf32>
        %sub3A_1363 = arith.subf %gather3A_710, %get3A_1351 : vector<16xf32>
        %mul3A_1364 = arith.mulf %sub3A_1362, %sub3A_1362 : vector<16xf32>
        %mul3A_1365 = arith.mulf %sub3A_1363, %sub3A_1363 : vector<16xf32>
        %add3A_1366 = arith.addf %mul3A_1364, %mul3A_1365 : vector<16xf32>
        %min3A_1367 = arith.minimumf %scan3A_1337, %add3A_1366 : vector<16xf32>
        %min3A_1368 = arith.minimumf %min3A_1361, %add3A_1366 : vector<16xf32>
        %sub3A_1369 = arith.subf %gather3A_714, %get3A_1348 : vector<16xf32>
        %sub3A_1370 = arith.subf %gather3A_716, %get3A_1351 : vector<16xf32>
        %mul3A_1371 = arith.mulf %sub3A_1369, %sub3A_1369 : vector<16xf32>
        %mul3A_1372 = arith.mulf %sub3A_1370, %sub3A_1370 : vector<16xf32>
        %add3A_1373 = arith.addf %mul3A_1371, %mul3A_1372 : vector<16xf32>
        %min3A_1374 = arith.minimumf %scan3A_1338, %add3A_1373 : vector<16xf32>
        %min3A_1375 = arith.minimumf %min3A_1368, %add3A_1373 : vector<16xf32>
        %sub3A_1376 = arith.subf %gather3A_720, %get3A_1348 : vector<16xf32>
        %sub3A_1377 = arith.subf %gather3A_722, %get3A_1351 : vector<16xf32>
        %mul3A_1378 = arith.mulf %sub3A_1376, %sub3A_1376 : vector<16xf32>
        %mul3A_1379 = arith.mulf %sub3A_1377, %sub3A_1377 : vector<16xf32>
        %add3A_1380 = arith.addf %mul3A_1378, %mul3A_1379 : vector<16xf32>
        %min3A_1381 = arith.minimumf %scan3A_1339, %add3A_1380 : vector<16xf32>
        %min3A_1382 = arith.minimumf %min3A_1375, %add3A_1380 : vector<16xf32>
        %sub3A_1383 = arith.subf %gather3A_726, %get3A_1348 : vector<16xf32>
        %sub3A_1384 = arith.subf %gather3A_728, %get3A_1351 : vector<16xf32>
        %mul3A_1385 = arith.mulf %sub3A_1383, %sub3A_1383 : vector<16xf32>
        %mul3A_1386 = arith.mulf %sub3A_1384, %sub3A_1384 : vector<16xf32>
        %add3A_1387 = arith.addf %mul3A_1385, %mul3A_1386 : vector<16xf32>
        %min3A_1388 = arith.minimumf %scan3A_1340, %add3A_1387 : vector<16xf32>
        %min3A_1389 = arith.minimumf %min3A_1382, %add3A_1387 : vector<16xf32>
        %sub3A_1390 = arith.subf %gather3A_732, %get3A_1348 : vector<16xf32>
        %sub3A_1391 = arith.subf %gather3A_734, %get3A_1351 : vector<16xf32>
        %mul3A_1392 = arith.mulf %sub3A_1390, %sub3A_1390 : vector<16xf32>
        %mul3A_1393 = arith.mulf %sub3A_1391, %sub3A_1391 : vector<16xf32>
        %add3A_1394 = arith.addf %mul3A_1392, %mul3A_1393 : vector<16xf32>
        %min3A_1395 = arith.minimumf %scan3A_1341, %add3A_1394 : vector<16xf32>
        %min3A_1396 = arith.minimumf %min3A_1389, %add3A_1394 : vector<16xf32>
        %sub3A_1397 = arith.subf %gather3A_738, %get3A_1348 : vector<16xf32>
        %sub3A_1398 = arith.subf %gather3A_740, %get3A_1351 : vector<16xf32>
        %mul3A_1399 = arith.mulf %sub3A_1397, %sub3A_1397 : vector<16xf32>
        %mul3A_1400 = arith.mulf %sub3A_1398, %sub3A_1398 : vector<16xf32>
        %add3A_1401 = arith.addf %mul3A_1399, %mul3A_1400 : vector<16xf32>
        %min3A_1402 = arith.minimumf %scan3A_1342, %add3A_1401 : vector<16xf32>
        %min3A_1403 = arith.minimumf %min3A_1396, %add3A_1401 : vector<16xf32>
        %sub3A_1404 = arith.subf %gather3A_744, %get3A_1348 : vector<16xf32>
        %sub3A_1405 = arith.subf %gather3A_746, %get3A_1351 : vector<16xf32>
        %mul3A_1406 = arith.mulf %sub3A_1404, %sub3A_1404 : vector<16xf32>
        %mul3A_1407 = arith.mulf %sub3A_1405, %sub3A_1405 : vector<16xf32>
        %add3A_1408 = arith.addf %mul3A_1406, %mul3A_1407 : vector<16xf32>
        %min3A_1409 = arith.minimumf %scan3A_1343, %add3A_1408 : vector<16xf32>
        %min3A_1410 = arith.minimumf %min3A_1403, %add3A_1408 : vector<16xf32>
        %swap3A_1411 = arith.index_cast %mul3A_1345 : i32 to index
        %swap3A_1412 = tpu.vector_load %arg12[%swap3A_1411] {strides = array<i32>} : memref<2048xf32, #tpu.memory_space<vmem>>, vector<16xf32>,
        %swap3A_1413 = vector.shape_cast %swap3A_1412 : vector<16xf32> to vector<16xf32>
        %swap3A_1414 = vector.shape_cast %min3A_1410 : vector<16xf32> to vector<16xf32>
        tpu.vector_store %arg12[%swap3A_1411], %swap3A_1414 {strides = array<i32>} : memref<2048xf32, #tpu.memory_space<vmem>>, vector<16xf32>,
        %scan3A_1415 = arith.constant 1 : i32
        %scan3A_1416 = arith.addi %scan3A_1335, %scan3A_1415 : i32
        %mul3A_1417 = arith.constant 16 : i32
        %mul3A_1418 = arith.muli %scan3A_1416, %mul3A_1417 : i32
        %get3A_1419 = arith.index_cast %mul3A_1418 : i32 to index
        %get3A_1420 = tpu.vector_load %arg10[%get3A_1419] {strides = array<i32>} : memref<2048xf32, #tpu.memory_space<vmem>>, vector<16xf32>,
        %get3A_1421 = vector.shape_cast %get3A_1420 : vector<16xf32> to vector<16xf32>
        %get3A_1422 = arith.index_cast %mul3A_1418 : i32 to index
        %get3A_1423 = tpu.vector_load %arg11[%get3A_1422] {strides = array<i32>} : memref<2048xf32, #tpu.memory_space<vmem>>, vector<16xf32>,
        %get3A_1424 = vector.shape_cast %get3A_1423 : vector<16xf32> to vector<16xf32>
        %get3A_1425 = arith.index_cast %mul3A_1418 : i32 to index
        %get3A_1426 = tpu.vector_load %arg12[%get3A_1425] {strides = array<i32>} : memref<2048xf32, #tpu.memory_space<vmem>>, vector<16xf32>,
        %get3A_1427 = vector.shape_cast %get3A_1426 : vector<16xf32> to vector<16xf32>
        %sub3A_1428 = arith.subf %gather3A_702, %get3A_1421 : vector<16xf32>
        %sub3A_1429 = arith.subf %gather3A_704, %get3A_1424 : vector<16xf32>
        %mul3A_1430 = arith.mulf %sub3A_1428, %sub3A_1428 : vector<16xf32>
        %mul3A_1431 = arith.mulf %sub3A_1429, %sub3A_1429 : vector<16xf32>
        %add3A_1432 = arith.addf %mul3A_1430, %mul3A_1431 : vector<16xf32>
        %min3A_1433 = arith.minimumf %min3A_1360, %add3A_1432 : vector<16xf32>
        %min3A_1434 = arith.minimumf %get3A_1427, %add3A_1432 : vector<16xf32>
        %sub3A_1435 = arith.subf %gather3A_708, %get3A_1421 : vector<16xf32>
        %sub3A_1436 = arith.subf %gather3A_710, %get3A_1424 : vector<16xf32>
        %mul3A_1437 = arith.mulf %sub3A_1435, %sub3A_1435 : vector<16xf32>
        %mul3A_1438 = arith.mulf %sub3A_1436, %sub3A_1436 : vector<16xf32>
        %add3A_1439 = arith.addf %mul3A_1437, %mul3A_1438 : vector<16xf32>
        %min3A_1440 = arith.minimumf %min3A_1367, %add3A_1439 : vector<16xf32>
        %min3A_1441 = arith.minimumf %min3A_1434, %add3A_1439 : vector<16xf32>
        %sub3A_1442 = arith.subf %gather3A_714, %get3A_1421 : vector<16xf32>
        %sub3A_1443 = arith.subf %gather3A_716, %get3A_1424 : vector<16xf32>
        %mul3A_1444 = arith.mulf %sub3A_1442, %sub3A_1442 : vector<16xf32>
        %mul3A_1445 = arith.mulf %sub3A_1443, %sub3A_1443 : vector<16xf32>
        %add3A_1446 = arith.addf %mul3A_1444, %mul3A_1445 : vector<16xf32>
        %min3A_1447 = arith.minimumf %min3A_1374, %add3A_1446 : vector<16xf32>
        %min3A_1448 = arith.minimumf %min3A_1441, %add3A_1446 : vector<16xf32>
        %sub3A_1449 = arith.subf %gather3A_720, %get3A_1421 : vector<16xf32>
        %sub3A_1450 = arith.subf %gather3A_722, %get3A_1424 : vector<16xf32>
        %mul3A_1451 = arith.mulf %sub3A_1449, %sub3A_1449 : vector<16xf32>
        %mul3A_1452 = arith.mulf %sub3A_1450, %sub3A_1450 : vector<16xf32>
        %add3A_1453 = arith.addf %mul3A_1451, %mul3A_1452 : vector<16xf32>
        %min3A_1454 = arith.minimumf %min3A_1381, %add3A_1453 : vector<16xf32>
        %min3A_1455 = arith.minimumf %min3A_1448, %add3A_1453 : vector<16xf32>
        %sub3A_1456 = arith.subf %gather3A_726, %get3A_1421 : vector<16xf32>
        %sub3A_1457 = arith.subf %gather3A_728, %get3A_1424 : vector<16xf32>
        %mul3A_1458 = arith.mulf %sub3A_1456, %sub3A_1456 : vector<16xf32>
        %mul3A_1459 = arith.mulf %sub3A_1457, %sub3A_1457 : vector<16xf32>
        %add3A_1460 = arith.addf %mul3A_1458, %mul3A_1459 : vector<16xf32>
        %min3A_1461 = arith.minimumf %min3A_1388, %add3A_1460 : vector<16xf32>
        %min3A_1462 = arith.minimumf %min3A_1455, %add3A_1460 : vector<16xf32>
        %sub3A_1463 = arith.subf %gather3A_732, %get3A_1421 : vector<16xf32>
        %sub3A_1464 = arith.subf %gather3A_734, %get3A_1424 : vector<16xf32>
        %mul3A_1465 = arith.mulf %sub3A_1463, %sub3A_1463 : vector<16xf32>
        %mul3A_1466 = arith.mulf %sub3A_1464, %sub3A_1464 : vector<16xf32>
        %add3A_1467 = arith.addf %mul3A_1465, %mul3A_1466 : vector<16xf32>
        %min3A_1468 = arith.minimumf %min3A_1395, %add3A_1467 : vector<16xf32>
        %min3A_1469 = arith.minimumf %min3A_1462, %add3A_1467 : vector<16xf32>
        %sub3A_1470 = arith.subf %gather3A_738, %get3A_1421 : vector<16xf32>
        %sub3A_1471 = arith.subf %gather3A_740, %get3A_1424 : vector<16xf32>
        %mul3A_1472 = arith.mulf %sub3A_1470, %sub3A_1470 : vector<16xf32>
        %mul3A_1473 = arith.mulf %sub3A_1471, %sub3A_1471 : vector<16xf32>
        %add3A_1474 = arith.addf %mul3A_1472, %mul3A_1473 : vector<16xf32>
        %min3A_1475 = arith.minimumf %min3A_1402, %add3A_1474 : vector<16xf32>
        %min3A_1476 = arith.minimumf %min3A_1469, %add3A_1474 : vector<16xf32>
        %sub3A_1477 = arith.subf %gather3A_744, %get3A_1421 : vector<16xf32>
        %sub3A_1478 = arith.subf %gather3A_746, %get3A_1424 : vector<16xf32>
        %mul3A_1479 = arith.mulf %sub3A_1477, %sub3A_1477 : vector<16xf32>
        %mul3A_1480 = arith.mulf %sub3A_1478, %sub3A_1478 : vector<16xf32>
        %add3A_1481 = arith.addf %mul3A_1479, %mul3A_1480 : vector<16xf32>
        %min3A_1482 = arith.minimumf %min3A_1409, %add3A_1481 : vector<16xf32>
        %min3A_1483 = arith.minimumf %min3A_1476, %add3A_1481 : vector<16xf32>
        %swap3A_1484 = arith.index_cast %mul3A_1418 : i32 to index
        %swap3A_1485 = tpu.vector_load %arg12[%swap3A_1484] {strides = array<i32>} : memref<2048xf32, #tpu.memory_space<vmem>>, vector<16xf32>,
        %swap3A_1486 = vector.shape_cast %swap3A_1485 : vector<16xf32> to vector<16xf32>
        %swap3A_1487 = vector.shape_cast %min3A_1483 : vector<16xf32> to vector<16xf32>
        tpu.vector_store %arg12[%swap3A_1484], %swap3A_1487 {strides = array<i32>} : memref<2048xf32, #tpu.memory_space<vmem>>, vector<16xf32>,
        scf.yield %min3A_1433, %min3A_1440, %min3A_1447, %min3A_1454, %min3A_1461, %min3A_1468, %min3A_1475, %min3A_1482 : vector<16xf32>, vector<16xf32>, vector<16xf32>, vector<16xf32>, vector<16xf32>, vector<16xf32>, vector<16xf32>, vector<16xf32>
      }
      %scan3A_752 = arith.constant 128 : i32
      %swap3A_753 = arith.constant 0 : index
      %swap3A_754 = tpu.vector_load %arg13[%swap3A_753] {strides = array<i32>} : memref<256xf32, #tpu.memory_space<vmem>>, vector<16xf32>,
      %swap3A_755 = vector.shape_cast %swap3A_754 : vector<16xf32> to vector<16xf32>
      %swap3A_756 = vector.shape_cast %scan3A_751#0 : vector<16xf32> to vector<16xf32>
      tpu.vector_store %arg13[%swap3A_753], %swap3A_756 {strides = array<i32>} : memref<256xf32, #tpu.memory_space<vmem>>, vector<16xf32>,
      %get3A_757 = arith.constant 8 : index
      %get3A_758 = tpu.vector_load %arg13[%get3A_757] {strides = array<i32>} : memref<256xf32, #tpu.memory_space<vmem>>, vector<16xf32>,
      %get3A_759 = vector.shape_cast %get3A_758 : vector<16xf32> to vector<16xf32>
      %min3A_760 = arith.minimumf %scan3A_751#0, %get3A_759 : vector<16xf32>
      %swap3A_761 = arith.constant 0 : index
      %swap3A_762 = tpu.vector_load %arg13[%swap3A_761] {strides = array<i32>} : memref<256xf32, #tpu.memory_space<vmem>>, vector<16xf32>,
      %swap3A_763 = vector.shape_cast %swap3A_762 : vector<16xf32> to vector<16xf32>
      %swap3A_764 = vector.shape_cast %min3A_760 : vector<16xf32> to vector<16xf32>
      tpu.vector_store %arg13[%swap3A_761], %swap3A_764 {strides = array<i32>} : memref<256xf32, #tpu.memory_space<vmem>>, vector<16xf32>,
      %get3A_765 = arith.constant 4 : index
      %get3A_766 = tpu.vector_load %arg13[%get3A_765] {strides = array<i32>} : memref<256xf32, #tpu.memory_space<vmem>>, vector<16xf32>,
      %get3A_767 = vector.shape_cast %get3A_766 : vector<16xf32> to vector<16xf32>
      %min3A_768 = arith.minimumf %min3A_760, %get3A_767 : vector<16xf32>
      %swap3A_769 = arith.constant 0 : index
      %swap3A_770 = tpu.vector_load %arg13[%swap3A_769] {strides = array<i32>} : memref<256xf32, #tpu.memory_space<vmem>>, vector<16xf32>,
      %swap3A_771 = vector.shape_cast %swap3A_770 : vector<16xf32> to vector<16xf32>
      %swap3A_772 = vector.shape_cast %min3A_768 : vector<16xf32> to vector<16xf32>
      tpu.vector_store %arg13[%swap3A_769], %swap3A_772 {strides = array<i32>} : memref<256xf32, #tpu.memory_space<vmem>>, vector<16xf32>,
      %get3A_773 = arith.constant 2 : index
      %get3A_774 = tpu.vector_load %arg13[%get3A_773] {strides = array<i32>} : memref<256xf32, #tpu.memory_space<vmem>>, vector<16xf32>,
      %get3A_775 = vector.shape_cast %get3A_774 : vector<16xf32> to vector<16xf32>
      %min3A_776 = arith.minimumf %min3A_768, %get3A_775 : vector<16xf32>
      %swap3A_777 = arith.constant 0 : index
      %swap3A_778 = tpu.vector_load %arg13[%swap3A_777] {strides = array<i32>} : memref<256xf32, #tpu.memory_space<vmem>>, vector<16xf32>,
      %swap3A_779 = vector.shape_cast %swap3A_778 : vector<16xf32> to vector<16xf32>
      %swap3A_780 = vector.shape_cast %min3A_776 : vector<16xf32> to vector<16xf32>
      tpu.vector_store %arg13[%swap3A_777], %swap3A_780 {strides = array<i32>} : memref<256xf32, #tpu.memory_space<vmem>>, vector<16xf32>,
      %get3A_781 = arith.constant 1 : index
      %get3A_782 = tpu.vector_load %arg13[%get3A_781] {strides = array<i32>} : memref<256xf32, #tpu.memory_space<vmem>>, vector<16xf32>,
      %get3A_783 = vector.shape_cast %get3A_782 : vector<16xf32> to vector<16xf32>
      %min3A_784 = arith.minimumf %min3A_776, %get3A_783 : vector<16xf32>
      %add3A_785 = arith.addf %scan3A_689, %min3A_784 : vector<16xf32>
      %swap3A_786 = arith.constant 32 : index
      %swap3A_787 = tpu.vector_load %arg13[%swap3A_786] {strides = array<i32>} : memref<256xf32, #tpu.memory_space<vmem>>, vector<16xf32>,
      %swap3A_788 = vector.shape_cast %swap3A_787 : vector<16xf32> to vector<16xf32>
      %swap3A_789 = vector.shape_cast %scan3A_751#1 : vector<16xf32> to vector<16xf32>
      tpu.vector_store %arg13[%swap3A_786], %swap3A_789 {strides = array<i32>} : memref<256xf32, #tpu.memory_space<vmem>>, vector<16xf32>,
      %get3A_790 = arith.constant 40 : index
      %get3A_791 = tpu.vector_load %arg13[%get3A_790] {strides = array<i32>} : memref<256xf32, #tpu.memory_space<vmem>>, vector<16xf32>,
      %get3A_792 = vector.shape_cast %get3A_791 : vector<16xf32> to vector<16xf32>
      %min3A_793 = arith.minimumf %scan3A_751#1, %get3A_792 : vector<16xf32>
      %swap3A_794 = arith.constant 32 : index
      %swap3A_795 = tpu.vector_load %arg13[%swap3A_794] {strides = array<i32>} : memref<256xf32, #tpu.memory_space<vmem>>, vector<16xf32>,
      %swap3A_796 = vector.shape_cast %swap3A_795 : vector<16xf32> to vector<16xf32>
      %swap3A_797 = vector.shape_cast %min3A_793 : vector<16xf32> to vector<16xf32>
      tpu.vector_store %arg13[%swap3A_794], %swap3A_797 {strides = array<i32>} : memref<256xf32, #tpu.memory_space<vmem>>, vector<16xf32>,
      %get3A_798 = arith.constant 36 : index
      %get3A_799 = tpu.vector_load %arg13[%get3A_798] {strides = array<i32>} : memref<256xf32, #tpu.memory_space<vmem>>, vector<16xf32>,
      %get3A_800 = vector.shape_cast %get3A_799 : vector<16xf32> to vector<16xf32>
      %min3A_801 = arith.minimumf %min3A_793, %get3A_800 : vector<16xf32>
      %swap3A_802 = arith.constant 32 : index
      %swap3A_803 = tpu.vector_load %arg13[%swap3A_802] {strides = array<i32>} : memref<256xf32, #tpu.memory_space<vmem>>, vector<16xf32>,
      %swap3A_804 = vector.shape_cast %swap3A_803 : vector<16xf32> to vector<16xf32>
      %swap3A_805 = vector.shape_cast %min3A_801 : vector<16xf32> to vector<16xf32>
      tpu.vector_store %arg13[%swap3A_802], %swap3A_805 {strides = array<i32>} : memref<256xf32, #tpu.memory_space<vmem>>, vector<16xf32>,
      %get3A_806 = arith.constant 34 : index
      %get3A_807 = tpu.vector_load %arg13[%get3A_806] {strides = array<i32>} : memref<256xf32, #tpu.memory_space<vmem>>, vector<16xf32>,
      %get3A_808 = vector.shape_cast %get3A_807 : vector<16xf32> to vector<16xf32>
      %min3A_809 = arith.minimumf %min3A_801, %get3A_808 : vector<16xf32>
      %swap3A_810 = arith.constant 32 : index
      %swap3A_811 = tpu.vector_load %arg13[%swap3A_810] {strides = array<i32>} : memref<256xf32, #tpu.memory_space<vmem>>, vector<16xf32>,
      %swap3A_812 = vector.shape_cast %swap3A_811 : vector<16xf32> to vector<16xf32>
      %swap3A_813 = vector.shape_cast %min3A_809 : vector<16xf32> to vector<16xf32>
      tpu.vector_store %arg13[%swap3A_810], %swap3A_813 {strides = array<i32>} : memref<256xf32, #tpu.memory_space<vmem>>, vector<16xf32>,
      %get3A_814 = arith.constant 33 : index
      %get3A_815 = tpu.vector_load %arg13[%get3A_814] {strides = array<i32>} : memref<256xf32, #tpu.memory_space<vmem>>, vector<16xf32>,
      %get3A_816 = vector.shape_cast %get3A_815 : vector<16xf32> to vector<16xf32>
      %min3A_817 = arith.minimumf %min3A_809, %get3A_816 : vector<16xf32>
      %add3A_818 = arith.addf %add3A_785, %min3A_817 : vector<16xf32>
      %swap3A_819 = arith.constant 64 : index
      %swap3A_820 = tpu.vector_load %arg13[%swap3A_819] {strides = array<i32>} : memref<256xf32, #tpu.memory_space<vmem>>, vector<16xf32>,
      %swap3A_821 = vector.shape_cast %swap3A_820 : vector<16xf32> to vector<16xf32>
      %swap3A_822 = vector.shape_cast %scan3A_751#2 : vector<16xf32> to vector<16xf32>
      tpu.vector_store %arg13[%swap3A_819], %swap3A_822 {strides = array<i32>} : memref<256xf32, #tpu.memory_space<vmem>>, vector<16xf32>,
      %get3A_823 = arith.constant 72 : index
      %get3A_824 = tpu.vector_load %arg13[%get3A_823] {strides = array<i32>} : memref<256xf32, #tpu.memory_space<vmem>>, vector<16xf32>,
      %get3A_825 = vector.shape_cast %get3A_824 : vector<16xf32> to vector<16xf32>
      %min3A_826 = arith.minimumf %scan3A_751#2, %get3A_825 : vector<16xf32>
      %swap3A_827 = arith.constant 64 : index
      %swap3A_828 = tpu.vector_load %arg13[%swap3A_827] {strides = array<i32>} : memref<256xf32, #tpu.memory_space<vmem>>, vector<16xf32>,
      %swap3A_829 = vector.shape_cast %swap3A_828 : vector<16xf32> to vector<16xf32>
      %swap3A_830 = vector.shape_cast %min3A_826 : vector<16xf32> to vector<16xf32>
      tpu.vector_store %arg13[%swap3A_827], %swap3A_830 {strides = array<i32>} : memref<256xf32, #tpu.memory_space<vmem>>, vector<16xf32>,
      %get3A_831 = arith.constant 68 : index
      %get3A_832 = tpu.vector_load %arg13[%get3A_831] {strides = array<i32>} : memref<256xf32, #tpu.memory_space<vmem>>, vector<16xf32>,
      %get3A_833 = vector.shape_cast %get3A_832 : vector<16xf32> to vector<16xf32>
      %min3A_834 = arith.minimumf %min3A_826, %get3A_833 : vector<16xf32>
      %swap3A_835 = arith.constant 64 : index
      %swap3A_836 = tpu.vector_load %arg13[%swap3A_835] {strides = array<i32>} : memref<256xf32, #tpu.memory_space<vmem>>, vector<16xf32>,
      %swap3A_837 = vector.shape_cast %swap3A_836 : vector<16xf32> to vector<16xf32>
      %swap3A_838 = vector.shape_cast %min3A_834 : vector<16xf32> to vector<16xf32>
      tpu.vector_store %arg13[%swap3A_835], %swap3A_838 {strides = array<i32>} : memref<256xf32, #tpu.memory_space<vmem>>, vector<16xf32>,
      %get3A_839 = arith.constant 66 : index
      %get3A_840 = tpu.vector_load %arg13[%get3A_839] {strides = array<i32>} : memref<256xf32, #tpu.memory_space<vmem>>, vector<16xf32>,
      %get3A_841 = vector.shape_cast %get3A_840 : vector<16xf32> to vector<16xf32>
      %min3A_842 = arith.minimumf %min3A_834, %get3A_841 : vector<16xf32>
      %swap3A_843 = arith.constant 64 : index
      %swap3A_844 = tpu.vector_load %arg13[%swap3A_843] {strides = array<i32>} : memref<256xf32, #tpu.memory_space<vmem>>, vector<16xf32>,
      %swap3A_845 = vector.shape_cast %swap3A_844 : vector<16xf32> to vector<16xf32>
      %swap3A_846 = vector.shape_cast %min3A_842 : vector<16xf32> to vector<16xf32>
      tpu.vector_store %arg13[%swap3A_843], %swap3A_846 {strides = array<i32>} : memref<256xf32, #tpu.memory_space<vmem>>, vector<16xf32>,
      %get3A_847 = arith.constant 65 : index
      %get3A_848 = tpu.vector_load %arg13[%get3A_847] {strides = array<i32>} : memref<256xf32, #tpu.memory_space<vmem>>, vector<16xf32>,
      %get3A_849 = vector.shape_cast %get3A_848 : vector<16xf32> to vector<16xf32>
      %min3A_850 = arith.minimumf %min3A_842, %get3A_849 : vector<16xf32>
      %add3A_851 = arith.addf %add3A_818, %min3A_850 : vector<16xf32>
      %swap3A_852 = arith.constant 96 : index
      %swap3A_853 = tpu.vector_load %arg13[%swap3A_852] {strides = array<i32>} : memref<256xf32, #tpu.memory_space<vmem>>, vector<16xf32>,
      %swap3A_854 = vector.shape_cast %swap3A_853 : vector<16xf32> to vector<16xf32>
      %swap3A_855 = vector.shape_cast %scan3A_751#3 : vector<16xf32> to vector<16xf32>
      tpu.vector_store %arg13[%swap3A_852], %swap3A_855 {strides = array<i32>} : memref<256xf32, #tpu.memory_space<vmem>>, vector<16xf32>,
      %get3A_856 = arith.constant 104 : index
      %get3A_857 = tpu.vector_load %arg13[%get3A_856] {strides = array<i32>} : memref<256xf32, #tpu.memory_space<vmem>>, vector<16xf32>,
      %get3A_858 = vector.shape_cast %get3A_857 : vector<16xf32> to vector<16xf32>
      %min3A_859 = arith.minimumf %scan3A_751#3, %get3A_858 : vector<16xf32>
      %swap3A_860 = arith.constant 96 : index
      %swap3A_861 = tpu.vector_load %arg13[%swap3A_860] {strides = array<i32>} : memref<256xf32, #tpu.memory_space<vmem>>, vector<16xf32>,
      %swap3A_862 = vector.shape_cast %swap3A_861 : vector<16xf32> to vector<16xf32>
      %swap3A_863 = vector.shape_cast %min3A_859 : vector<16xf32> to vector<16xf32>
      tpu.vector_store %arg13[%swap3A_860], %swap3A_863 {strides = array<i32>} : memref<256xf32, #tpu.memory_space<vmem>>, vector<16xf32>,
      %get3A_864 = arith.constant 100 : index
      %get3A_865 = tpu.vector_load %arg13[%get3A_864] {strides = array<i32>} : memref<256xf32, #tpu.memory_space<vmem>>, vector<16xf32>,
      %get3A_866 = vector.shape_cast %get3A_865 : vector<16xf32> to vector<16xf32>
      %min3A_867 = arith.minimumf %min3A_859, %get3A_866 : vector<16xf32>
      %swap3A_868 = arith.constant 96 : index
      %swap3A_869 = tpu.vector_load %arg13[%swap3A_868] {strides = array<i32>} : memref<256xf32, #tpu.memory_space<vmem>>, vector<16xf32>,
      %swap3A_870 = vector.shape_cast %swap3A_869 : vector<16xf32> to vector<16xf32>
      %swap3A_871 = vector.shape_cast %min3A_867 : vector<16xf32> to vector<16xf32>
      tpu.vector_store %arg13[%swap3A_868], %swap3A_871 {strides = array<i32>} : memref<256xf32, #tpu.memory_space<vmem>>, vector<16xf32>,
      %get3A_872 = arith.constant 98 : index
      %get3A_873 = tpu.vector_load %arg13[%get3A_872] {strides = array<i32>} : memref<256xf32, #tpu.memory_space<vmem>>, vector<16xf32>,
      %get3A_874 = vector.shape_cast %get3A_873 : vector<16xf32> to vector<16xf32>
      %min3A_875 = arith.minimumf %min3A_867, %get3A_874 : vector<16xf32>
      %swap3A_876 = arith.constant 96 : index
      %swap3A_877 = tpu.vector_load %arg13[%swap3A_876] {strides = array<i32>} : memref<256xf32, #tpu.memory_space<vmem>>, vector<16xf32>,
      %swap3A_878 = vector.shape_cast %swap3A_877 : vector<16xf32> to vector<16xf32>
      %swap3A_879 = vector.shape_cast %min3A_875 : vector<16xf32> to vector<16xf32>
      tpu.vector_store %arg13[%swap3A_876], %swap3A_879 {strides = array<i32>} : memref<256xf32, #tpu.memory_space<vmem>>, vector<16xf32>,
      %get3A_880 = arith.constant 97 : index
      %get3A_881 = tpu.vector_load %arg13[%get3A_880] {strides = array<i32>} : memref<256xf32, #tpu.memory_space<vmem>>, vector<16xf32>,
      %get3A_882 = vector.shape_cast %get3A_881 : vector<16xf32> to vector<16xf32>
      %min3A_883 = arith.minimumf %min3A_875, %get3A_882 : vector<16xf32>
      %add3A_884 = arith.addf %add3A_851, %min3A_883 : vector<16xf32>
      %swap3A_885 = arith.constant 128 : index
      %swap3A_886 = tpu.vector_load %arg13[%swap3A_885] {strides = array<i32>} : memref<256xf32, #tpu.memory_space<vmem>>, vector<16xf32>,
      %swap3A_887 = vector.shape_cast %swap3A_886 : vector<16xf32> to vector<16xf32>
      %swap3A_888 = vector.shape_cast %scan3A_751#4 : vector<16xf32> to vector<16xf32>
      tpu.vector_store %arg13[%swap3A_885], %swap3A_888 {strides = array<i32>} : memref<256xf32, #tpu.memory_space<vmem>>, vector<16xf32>,
      %get3A_889 = arith.constant 136 : index
      %get3A_890 = tpu.vector_load %arg13[%get3A_889] {strides = array<i32>} : memref<256xf32, #tpu.memory_space<vmem>>, vector<16xf32>,
      %get3A_891 = vector.shape_cast %get3A_890 : vector<16xf32> to vector<16xf32>
      %min3A_892 = arith.minimumf %scan3A_751#4, %get3A_891 : vector<16xf32>
      %swap3A_893 = arith.constant 128 : index
      %swap3A_894 = tpu.vector_load %arg13[%swap3A_893] {strides = array<i32>} : memref<256xf32, #tpu.memory_space<vmem>>, vector<16xf32>,
      %swap3A_895 = vector.shape_cast %swap3A_894 : vector<16xf32> to vector<16xf32>
      %swap3A_896 = vector.shape_cast %min3A_892 : vector<16xf32> to vector<16xf32>
      tpu.vector_store %arg13[%swap3A_893], %swap3A_896 {strides = array<i32>} : memref<256xf32, #tpu.memory_space<vmem>>, vector<16xf32>,
      %get3A_897 = arith.constant 132 : index
      %get3A_898 = tpu.vector_load %arg13[%get3A_897] {strides = array<i32>} : memref<256xf32, #tpu.memory_space<vmem>>, vector<16xf32>,
      %get3A_899 = vector.shape_cast %get3A_898 : vector<16xf32> to vector<16xf32>
      %min3A_900 = arith.minimumf %min3A_892, %get3A_899 : vector<16xf32>
      %swap3A_901 = arith.constant 128 : index
      %swap3A_902 = tpu.vector_load %arg13[%swap3A_901] {strides = array<i32>} : memref<256xf32, #tpu.memory_space<vmem>>, vector<16xf32>,
      %swap3A_903 = vector.shape_cast %swap3A_902 : vector<16xf32> to vector<16xf32>
      %swap3A_904 = vector.shape_cast %min3A_900 : vector<16xf32> to vector<16xf32>
      tpu.vector_store %arg13[%swap3A_901], %swap3A_904 {strides = array<i32>} : memref<256xf32, #tpu.memory_space<vmem>>, vector<16xf32>,
      %get3A_905 = arith.constant 130 : index
      %get3A_906 = tpu.vector_load %arg13[%get3A_905] {strides = array<i32>} : memref<256xf32, #tpu.memory_space<vmem>>, vector<16xf32>,
      %get3A_907 = vector.shape_cast %get3A_906 : vector<16xf32> to vector<16xf32>
      %min3A_908 = arith.minimumf %min3A_900, %get3A_907 : vector<16xf32>
      %swap3A_909 = arith.constant 128 : index
      %swap3A_910 = tpu.vector_load %arg13[%swap3A_909] {strides = array<i32>} : memref<256xf32, #tpu.memory_space<vmem>>, vector<16xf32>,
      %swap3A_911 = vector.shape_cast %swap3A_910 : vector<16xf32> to vector<16xf32>
      %swap3A_912 = vector.shape_cast %min3A_908 : vector<16xf32> to vector<16xf32>
      tpu.vector_store %arg13[%swap3A_909], %swap3A_912 {strides = array<i32>} : memref<256xf32, #tpu.memory_space<vmem>>, vector<16xf32>,
      %get3A_913 = arith.constant 129 : index
      %get3A_914 = tpu.vector_load %arg13[%get3A_913] {strides = array<i32>} : memref<256xf32, #tpu.memory_space<vmem>>, vector<16xf32>,
      %get3A_915 = vector.shape_cast %get3A_914 : vector<16xf32> to vector<16xf32>
      %min3A_916 = arith.minimumf %min3A_908, %get3A_915 : vector<16xf32>
      %add3A_917 = arith.addf %add3A_884, %min3A_916 : vector<16xf32>
      %swap3A_918 = arith.constant 160 : index
      %swap3A_919 = tpu.vector_load %arg13[%swap3A_918] {strides = array<i32>} : memref<256xf32, #tpu.memory_space<vmem>>, vector<16xf32>,
      %swap3A_920 = vector.shape_cast %swap3A_919 : vector<16xf32> to vector<16xf32>
      %swap3A_921 = vector.shape_cast %scan3A_751#5 : vector<16xf32> to vector<16xf32>
      tpu.vector_store %arg13[%swap3A_918], %swap3A_921 {strides = array<i32>} : memref<256xf32, #tpu.memory_space<vmem>>, vector<16xf32>,
      %get3A_922 = arith.constant 168 : index
      %get3A_923 = tpu.vector_load %arg13[%get3A_922] {strides = array<i32>} : memref<256xf32, #tpu.memory_space<vmem>>, vector<16xf32>,
      %get3A_924 = vector.shape_cast %get3A_923 : vector<16xf32> to vector<16xf32>
      %min3A_925 = arith.minimumf %scan3A_751#5, %get3A_924 : vector<16xf32>
      %swap3A_926 = arith.constant 160 : index
      %swap3A_927 = tpu.vector_load %arg13[%swap3A_926] {strides = array<i32>} : memref<256xf32, #tpu.memory_space<vmem>>, vector<16xf32>,
      %swap3A_928 = vector.shape_cast %swap3A_927 : vector<16xf32> to vector<16xf32>
      %swap3A_929 = vector.shape_cast %min3A_925 : vector<16xf32> to vector<16xf32>
      tpu.vector_store %arg13[%swap3A_926], %swap3A_929 {strides = array<i32>} : memref<256xf32, #tpu.memory_space<vmem>>, vector<16xf32>,
      %get3A_930 = arith.constant 164 : index
      %get3A_931 = tpu.vector_load %arg13[%get3A_930] {strides = array<i32>} : memref<256xf32, #tpu.memory_space<vmem>>, vector<16xf32>,
      %get3A_932 = vector.shape_cast %get3A_931 : vector<16xf32> to vector<16xf32>
      %min3A_933 = arith.minimumf %min3A_925, %get3A_932 : vector<16xf32>
      %swap3A_934 = arith.constant 160 : index
      %swap3A_935 = tpu.vector_load %arg13[%swap3A_934] {strides = array<i32>} : memref<256xf32, #tpu.memory_space<vmem>>, vector<16xf32>,
      %swap3A_936 = vector.shape_cast %swap3A_935 : vector<16xf32> to vector<16xf32>
      %swap3A_937 = vector.shape_cast %min3A_933 : vector<16xf32> to vector<16xf32>
      tpu.vector_store %arg13[%swap3A_934], %swap3A_937 {strides = array<i32>} : memref<256xf32, #tpu.memory_space<vmem>>, vector<16xf32>,
      %get3A_938 = arith.constant 162 : index
      %get3A_939 = tpu.vector_load %arg13[%get3A_938] {strides = array<i32>} : memref<256xf32, #tpu.memory_space<vmem>>, vector<16xf32>,
      %get3A_940 = vector.shape_cast %get3A_939 : vector<16xf32> to vector<16xf32>
      %min3A_941 = arith.minimumf %min3A_933, %get3A_940 : vector<16xf32>
      %swap3A_942 = arith.constant 160 : index
      %swap3A_943 = tpu.vector_load %arg13[%swap3A_942] {strides = array<i32>} : memref<256xf32, #tpu.memory_space<vmem>>, vector<16xf32>,
      %swap3A_944 = vector.shape_cast %swap3A_943 : vector<16xf32> to vector<16xf32>
      %swap3A_945 = vector.shape_cast %min3A_941 : vector<16xf32> to vector<16xf32>
      tpu.vector_store %arg13[%swap3A_942], %swap3A_945 {strides = array<i32>} : memref<256xf32, #tpu.memory_space<vmem>>, vector<16xf32>,
      %get3A_946 = arith.constant 161 : index
      %get3A_947 = tpu.vector_load %arg13[%get3A_946] {strides = array<i32>} : memref<256xf32, #tpu.memory_space<vmem>>, vector<16xf32>,
      %get3A_948 = vector.shape_cast %get3A_947 : vector<16xf32> to vector<16xf32>
      %min3A_949 = arith.minimumf %min3A_941, %get3A_948 : vector<16xf32>
      %add3A_950 = arith.addf %add3A_917, %min3A_949 : vector<16xf32>
      %swap3A_951 = arith.constant 192 : index
      %swap3A_952 = tpu.vector_load %arg13[%swap3A_951] {strides = array<i32>} : memref<256xf32, #tpu.memory_space<vmem>>, vector<16xf32>,
      %swap3A_953 = vector.shape_cast %swap3A_952 : vector<16xf32> to vector<16xf32>
      %swap3A_954 = vector.shape_cast %scan3A_751#6 : vector<16xf32> to vector<16xf32>
      tpu.vector_store %arg13[%swap3A_951], %swap3A_954 {strides = array<i32>} : memref<256xf32, #tpu.memory_space<vmem>>, vector<16xf32>,
      %get3A_955 = arith.constant 200 : index
      %get3A_956 = tpu.vector_load %arg13[%get3A_955] {strides = array<i32>} : memref<256xf32, #tpu.memory_space<vmem>>, vector<16xf32>,
      %get3A_957 = vector.shape_cast %get3A_956 : vector<16xf32> to vector<16xf32>
      %min3A_958 = arith.minimumf %scan3A_751#6, %get3A_957 : vector<16xf32>
      %swap3A_959 = arith.constant 192 : index
      %swap3A_960 = tpu.vector_load %arg13[%swap3A_959] {strides = array<i32>} : memref<256xf32, #tpu.memory_space<vmem>>, vector<16xf32>,
      %swap3A_961 = vector.shape_cast %swap3A_960 : vector<16xf32> to vector<16xf32>
      %swap3A_962 = vector.shape_cast %min3A_958 : vector<16xf32> to vector<16xf32>
      tpu.vector_store %arg13[%swap3A_959], %swap3A_962 {strides = array<i32>} : memref<256xf32, #tpu.memory_space<vmem>>, vector<16xf32>,
      %get3A_963 = arith.constant 196 : index
      %get3A_964 = tpu.vector_load %arg13[%get3A_963] {strides = array<i32>} : memref<256xf32, #tpu.memory_space<vmem>>, vector<16xf32>,
      %get3A_965 = vector.shape_cast %get3A_964 : vector<16xf32> to vector<16xf32>
      %min3A_966 = arith.minimumf %min3A_958, %get3A_965 : vector<16xf32>
      %swap3A_967 = arith.constant 192 : index
      %swap3A_968 = tpu.vector_load %arg13[%swap3A_967] {strides = array<i32>} : memref<256xf32, #tpu.memory_space<vmem>>, vector<16xf32>,
      %swap3A_969 = vector.shape_cast %swap3A_968 : vector<16xf32> to vector<16xf32>
      %swap3A_970 = vector.shape_cast %min3A_966 : vector<16xf32> to vector<16xf32>
      tpu.vector_store %arg13[%swap3A_967], %swap3A_970 {strides = array<i32>} : memref<256xf32, #tpu.memory_space<vmem>>, vector<16xf32>,
      %get3A_971 = arith.constant 194 : index
      %get3A_972 = tpu.vector_load %arg13[%get3A_971] {strides = array<i32>} : memref<256xf32, #tpu.memory_space<vmem>>, vector<16xf32>,
      %get3A_973 = vector.shape_cast %get3A_972 : vector<16xf32> to vector<16xf32>
      %min3A_974 = arith.minimumf %min3A_966, %get3A_973 : vector<16xf32>
      %swap3A_975 = arith.constant 192 : index
      %swap3A_976 = tpu.vector_load %arg13[%swap3A_975] {strides = array<i32>} : memref<256xf32, #tpu.memory_space<vmem>>, vector<16xf32>,
      %swap3A_977 = vector.shape_cast %swap3A_976 : vector<16xf32> to vector<16xf32>
      %swap3A_978 = vector.shape_cast %min3A_974 : vector<16xf32> to vector<16xf32>
      tpu.vector_store %arg13[%swap3A_975], %swap3A_978 {strides = array<i32>} : memref<256xf32, #tpu.memory_space<vmem>>, vector<16xf32>,
      %get3A_979 = arith.constant 193 : index
      %get3A_980 = tpu.vector_load %arg13[%get3A_979] {strides = array<i32>} : memref<256xf32, #tpu.memory_space<vmem>>, vector<16xf32>,
      %get3A_981 = vector.shape_cast %get3A_980 : vector<16xf32> to vector<16xf32>
      %min3A_982 = arith.minimumf %min3A_974, %get3A_981 : vector<16xf32>
      %add3A_983 = arith.addf %add3A_950, %min3A_982 : vector<16xf32>
      %swap3A_984 = arith.constant 224 : index
      %swap3A_985 = tpu.vector_load %arg13[%swap3A_984] {strides = array<i32>} : memref<256xf32, #tpu.memory_space<vmem>>, vector<16xf32>,
      %swap3A_986 = vector.shape_cast %swap3A_985 : vector<16xf32> to vector<16xf32>
      %swap3A_987 = vector.shape_cast %scan3A_751#7 : vector<16xf32> to vector<16xf32>
      tpu.vector_store %arg13[%swap3A_984], %swap3A_987 {strides = array<i32>} : memref<256xf32, #tpu.memory_space<vmem>>, vector<16xf32>,
      %get3A_988 = arith.constant 232 : index
      %get3A_989 = tpu.vector_load %arg13[%get3A_988] {strides = array<i32>} : memref<256xf32, #tpu.memory_space<vmem>>, vector<16xf32>,
      %get3A_990 = vector.shape_cast %get3A_989 : vector<16xf32> to vector<16xf32>
      %min3A_991 = arith.minimumf %scan3A_751#7, %get3A_990 : vector<16xf32>
      %swap3A_992 = arith.constant 224 : index
      %swap3A_993 = tpu.vector_load %arg13[%swap3A_992] {strides = array<i32>} : memref<256xf32, #tpu.memory_space<vmem>>, vector<16xf32>,
      %swap3A_994 = vector.shape_cast %swap3A_993 : vector<16xf32> to vector<16xf32>
      %swap3A_995 = vector.shape_cast %min3A_991 : vector<16xf32> to vector<16xf32>
      tpu.vector_store %arg13[%swap3A_992], %swap3A_995 {strides = array<i32>} : memref<256xf32, #tpu.memory_space<vmem>>, vector<16xf32>,
      %get3A_996 = arith.constant 228 : index
      %get3A_997 = tpu.vector_load %arg13[%get3A_996] {strides = array<i32>} : memref<256xf32, #tpu.memory_space<vmem>>, vector<16xf32>,
      %get3A_998 = vector.shape_cast %get3A_997 : vector<16xf32> to vector<16xf32>
      %min3A_999 = arith.minimumf %min3A_991, %get3A_998 : vector<16xf32>
      %swap3A_1000 = arith.constant 224 : index
      %swap3A_1001 = tpu.vector_load %arg13[%swap3A_1000] {strides = array<i32>} : memref<256xf32, #tpu.memory_space<vmem>>, vector<16xf32>,
      %swap3A_1002 = vector.shape_cast %swap3A_1001 : vector<16xf32> to vector<16xf32>
      %swap3A_1003 = vector.shape_cast %min3A_999 : vector<16xf32> to vector<16xf32>
      tpu.vector_store %arg13[%swap3A_1000], %swap3A_1003 {strides = array<i32>} : memref<256xf32, #tpu.memory_space<vmem>>, vector<16xf32>,
      %get3A_1004 = arith.constant 226 : index
      %get3A_1005 = tpu.vector_load %arg13[%get3A_1004] {strides = array<i32>} : memref<256xf32, #tpu.memory_space<vmem>>, vector<16xf32>,
      %get3A_1006 = vector.shape_cast %get3A_1005 : vector<16xf32> to vector<16xf32>
      %min3A_1007 = arith.minimumf %min3A_999, %get3A_1006 : vector<16xf32>
      %swap3A_1008 = arith.constant 224 : index
      %swap3A_1009 = tpu.vector_load %arg13[%swap3A_1008] {strides = array<i32>} : memref<256xf32, #tpu.memory_space<vmem>>, vector<16xf32>,
      %swap3A_1010 = vector.shape_cast %swap3A_1009 : vector<16xf32> to vector<16xf32>
      %swap3A_1011 = vector.shape_cast %min3A_1007 : vector<16xf32> to vector<16xf32>
      tpu.vector_store %arg13[%swap3A_1008], %swap3A_1011 {strides = array<i32>} : memref<256xf32, #tpu.memory_space<vmem>>, vector<16xf32>,
      %get3A_1012 = arith.constant 225 : index
      %get3A_1013 = tpu.vector_load %arg13[%get3A_1012] {strides = array<i32>} : memref<256xf32, #tpu.memory_space<vmem>>, vector<16xf32>,
      %get3A_1014 = vector.shape_cast %get3A_1013 : vector<16xf32> to vector<16xf32>
      %min3A_1015 = arith.minimumf %min3A_1007, %get3A_1014 : vector<16xf32>
      %add3A_1016 = arith.addf %add3A_983, %min3A_1015 : vector<16xf32>
      %broadcast_in_dim3A_1017 = arith.constant 8 : i32
      %broadcast_in_dim3A_1018 = vector.broadcast %broadcast_in_dim3A_1017 : i32 to vector<16x1xi32>
      %gather3A_1019 = vector.shape_cast %broadcast_in_dim3A_1018 : vector<16x1xi32> to vector<16xi32>
      %gather3A_1020 = tpu.dynamic_gather %get3A_694[%gather3A_1019] in [0] : vector<16xf32>, vector<16xi32> -> vector<16xf32>
      %gather3A_1021 = vector.shape_cast %broadcast_in_dim3A_1018 : vector<16x1xi32> to vector<16xi32>
      %gather3A_1022 = tpu.dynamic_gather %get3A_699[%gather3A_1021] in [0] : vector<16xf32>, vector<16xi32> -> vector<16xf32>
      %broadcast_in_dim3A_1023 = arith.constant 9 : i32
      %broadcast_in_dim3A_1024 = vector.broadcast %broadcast_in_dim3A_1023 : i32 to vector<16x1xi32>
      %gather3A_1025 = vector.shape_cast %broadcast_in_dim3A_1024 : vector<16x1xi32> to vector<16xi32>
      %gather3A_1026 = tpu.dynamic_gather %get3A_694[%gather3A_1025] in [0] : vector<16xf32>, vector<16xi32> -> vector<16xf32>
      %gather3A_1027 = vector.shape_cast %broadcast_in_dim3A_1024 : vector<16x1xi32> to vector<16xi32>
      %gather3A_1028 = tpu.dynamic_gather %get3A_699[%gather3A_1027] in [0] : vector<16xf32>, vector<16xi32> -> vector<16xf32>
      %broadcast_in_dim3A_1029 = arith.constant 10 : i32
      %broadcast_in_dim3A_1030 = vector.broadcast %broadcast_in_dim3A_1029 : i32 to vector<16x1xi32>
      %gather3A_1031 = vector.shape_cast %broadcast_in_dim3A_1030 : vector<16x1xi32> to vector<16xi32>
      %gather3A_1032 = tpu.dynamic_gather %get3A_694[%gather3A_1031] in [0] : vector<16xf32>, vector<16xi32> -> vector<16xf32>
      %gather3A_1033 = vector.shape_cast %broadcast_in_dim3A_1030 : vector<16x1xi32> to vector<16xi32>
      %gather3A_1034 = tpu.dynamic_gather %get3A_699[%gather3A_1033] in [0] : vector<16xf32>, vector<16xi32> -> vector<16xf32>
      %broadcast_in_dim3A_1035 = arith.constant 11 : i32
      %broadcast_in_dim3A_1036 = vector.broadcast %broadcast_in_dim3A_1035 : i32 to vector<16x1xi32>
      %gather3A_1037 = vector.shape_cast %broadcast_in_dim3A_1036 : vector<16x1xi32> to vector<16xi32>
      %gather3A_1038 = tpu.dynamic_gather %get3A_694[%gather3A_1037] in [0] : vector<16xf32>, vector<16xi32> -> vector<16xf32>
      %gather3A_1039 = vector.shape_cast %broadcast_in_dim3A_1036 : vector<16x1xi32> to vector<16xi32>
      %gather3A_1040 = tpu.dynamic_gather %get3A_699[%gather3A_1039] in [0] : vector<16xf32>, vector<16xi32> -> vector<16xf32>
      %broadcast_in_dim3A_1041 = arith.constant 12 : i32
      %broadcast_in_dim3A_1042 = vector.broadcast %broadcast_in_dim3A_1041 : i32 to vector<16x1xi32>
      %gather3A_1043 = vector.shape_cast %broadcast_in_dim3A_1042 : vector<16x1xi32> to vector<16xi32>
      %gather3A_1044 = tpu.dynamic_gather %get3A_694[%gather3A_1043] in [0] : vector<16xf32>, vector<16xi32> -> vector<16xf32>
      %gather3A_1045 = vector.shape_cast %broadcast_in_dim3A_1042 : vector<16x1xi32> to vector<16xi32>
      %gather3A_1046 = tpu.dynamic_gather %get3A_699[%gather3A_1045] in [0] : vector<16xf32>, vector<16xi32> -> vector<16xf32>
      %broadcast_in_dim3A_1047 = arith.constant 13 : i32
      %broadcast_in_dim3A_1048 = vector.broadcast %broadcast_in_dim3A_1047 : i32 to vector<16x1xi32>
      %gather3A_1049 = vector.shape_cast %broadcast_in_dim3A_1048 : vector<16x1xi32> to vector<16xi32>
      %gather3A_1050 = tpu.dynamic_gather %get3A_694[%gather3A_1049] in [0] : vector<16xf32>, vector<16xi32> -> vector<16xf32>
      %gather3A_1051 = vector.shape_cast %broadcast_in_dim3A_1048 : vector<16x1xi32> to vector<16xi32>
      %gather3A_1052 = tpu.dynamic_gather %get3A_699[%gather3A_1051] in [0] : vector<16xf32>, vector<16xi32> -> vector<16xf32>
      %broadcast_in_dim3A_1053 = arith.constant 14 : i32
      %broadcast_in_dim3A_1054 = vector.broadcast %broadcast_in_dim3A_1053 : i32 to vector<16x1xi32>
      %gather3A_1055 = vector.shape_cast %broadcast_in_dim3A_1054 : vector<16x1xi32> to vector<16xi32>
      %gather3A_1056 = tpu.dynamic_gather %get3A_694[%gather3A_1055] in [0] : vector<16xf32>, vector<16xi32> -> vector<16xf32>
      %gather3A_1057 = vector.shape_cast %broadcast_in_dim3A_1054 : vector<16x1xi32> to vector<16xi32>
      %gather3A_1058 = tpu.dynamic_gather %get3A_699[%gather3A_1057] in [0] : vector<16xf32>, vector<16xi32> -> vector<16xf32>
      %broadcast_in_dim3A_1059 = arith.constant 15 : i32
      %broadcast_in_dim3A_1060 = vector.broadcast %broadcast_in_dim3A_1059 : i32 to vector<16x1xi32>
      %gather3A_1061 = vector.shape_cast %broadcast_in_dim3A_1060 : vector<16x1xi32> to vector<16xi32>
      %gather3A_1062 = tpu.dynamic_gather %get3A_694[%gather3A_1061] in [0] : vector<16xf32>, vector<16xi32> -> vector<16xf32>
      %gather3A_1063 = vector.shape_cast %broadcast_in_dim3A_1060 : vector<16x1xi32> to vector<16xi32>
      %gather3A_1064 = tpu.dynamic_gather %get3A_699[%gather3A_1063] in [0] : vector<16xf32>, vector<16xi32> -> vector<16xf32>
      %scan3A_1065 = arith.constant 0 : i32
      %scan3A_1066 = arith.constant 128 : i32
      %scan3A_1067 = arith.addi %scan3A_1065, %scan3A_1066 : i32
      %scan3A_1068 = arith.constant 2 : i32
      %scan3A_1069:8 = scf.for %scan3A_1335 = %scan3A_1065 to %scan3A_1067 step %scan3A_1068 iter_args(%scan3A_1336 = %broadcast_in_dim3A_38, %scan3A_1337 = %broadcast_in_dim3A_38, %scan3A_1338 = %broadcast_in_dim3A_38, %scan3A_1339 = %broadcast_in_dim3A_38, %scan3A_1340 = %broadcast_in_dim3A_38, %scan3A_1341 = %broadcast_in_dim3A_38, %scan3A_1342 = %broadcast_in_dim3A_38, %scan3A_1343 = %broadcast_in_dim3A_38) -> (vector<16xf32>, vector<16xf32>, vector<16xf32>, vector<16xf32>, vector<16xf32>, vector<16xf32>, vector<16xf32>, vector<16xf32>)  : i32 {
        %mul3A_1344 = arith.constant 16 : i32
        %mul3A_1345 = arith.muli %scan3A_1335, %mul3A_1344 : i32
        %get3A_1346 = arith.index_cast %mul3A_1345 : i32 to index
        %get3A_1347 = tpu.vector_load %arg10[%get3A_1346] {strides = array<i32>} : memref<2048xf32, #tpu.memory_space<vmem>>, vector<16xf32>,
        %get3A_1348 = vector.shape_cast %get3A_1347 : vector<16xf32> to vector<16xf32>
        %get3A_1349 = arith.index_cast %mul3A_1345 : i32 to index
        %get3A_1350 = tpu.vector_load %arg11[%get3A_1349] {strides = array<i32>} : memref<2048xf32, #tpu.memory_space<vmem>>, vector<16xf32>,
        %get3A_1351 = vector.shape_cast %get3A_1350 : vector<16xf32> to vector<16xf32>
        %get3A_1352 = arith.index_cast %mul3A_1345 : i32 to index
        %get3A_1353 = tpu.vector_load %arg12[%get3A_1352] {strides = array<i32>} : memref<2048xf32, #tpu.memory_space<vmem>>, vector<16xf32>,
        %get3A_1354 = vector.shape_cast %get3A_1353 : vector<16xf32> to vector<16xf32>
        %sub3A_1355 = arith.subf %gather3A_1020, %get3A_1348 : vector<16xf32>
        %sub3A_1356 = arith.subf %gather3A_1022, %get3A_1351 : vector<16xf32>
        %mul3A_1357 = arith.mulf %sub3A_1355, %sub3A_1355 : vector<16xf32>
        %mul3A_1358 = arith.mulf %sub3A_1356, %sub3A_1356 : vector<16xf32>
        %add3A_1359 = arith.addf %mul3A_1357, %mul3A_1358 : vector<16xf32>
        %min3A_1360 = arith.minimumf %scan3A_1336, %add3A_1359 : vector<16xf32>
        %min3A_1361 = arith.minimumf %get3A_1354, %add3A_1359 : vector<16xf32>
        %sub3A_1362 = arith.subf %gather3A_1026, %get3A_1348 : vector<16xf32>
        %sub3A_1363 = arith.subf %gather3A_1028, %get3A_1351 : vector<16xf32>
        %mul3A_1364 = arith.mulf %sub3A_1362, %sub3A_1362 : vector<16xf32>
        %mul3A_1365 = arith.mulf %sub3A_1363, %sub3A_1363 : vector<16xf32>
        %add3A_1366 = arith.addf %mul3A_1364, %mul3A_1365 : vector<16xf32>
        %min3A_1367 = arith.minimumf %scan3A_1337, %add3A_1366 : vector<16xf32>
        %min3A_1368 = arith.minimumf %min3A_1361, %add3A_1366 : vector<16xf32>
        %sub3A_1369 = arith.subf %gather3A_1032, %get3A_1348 : vector<16xf32>
        %sub3A_1370 = arith.subf %gather3A_1034, %get3A_1351 : vector<16xf32>
        %mul3A_1371 = arith.mulf %sub3A_1369, %sub3A_1369 : vector<16xf32>
        %mul3A_1372 = arith.mulf %sub3A_1370, %sub3A_1370 : vector<16xf32>
        %add3A_1373 = arith.addf %mul3A_1371, %mul3A_1372 : vector<16xf32>
        %min3A_1374 = arith.minimumf %scan3A_1338, %add3A_1373 : vector<16xf32>
        %min3A_1375 = arith.minimumf %min3A_1368, %add3A_1373 : vector<16xf32>
        %sub3A_1376 = arith.subf %gather3A_1038, %get3A_1348 : vector<16xf32>
        %sub3A_1377 = arith.subf %gather3A_1040, %get3A_1351 : vector<16xf32>
        %mul3A_1378 = arith.mulf %sub3A_1376, %sub3A_1376 : vector<16xf32>
        %mul3A_1379 = arith.mulf %sub3A_1377, %sub3A_1377 : vector<16xf32>
        %add3A_1380 = arith.addf %mul3A_1378, %mul3A_1379 : vector<16xf32>
        %min3A_1381 = arith.minimumf %scan3A_1339, %add3A_1380 : vector<16xf32>
        %min3A_1382 = arith.minimumf %min3A_1375, %add3A_1380 : vector<16xf32>
        %sub3A_1383 = arith.subf %gather3A_1044, %get3A_1348 : vector<16xf32>
        %sub3A_1384 = arith.subf %gather3A_1046, %get3A_1351 : vector<16xf32>
        %mul3A_1385 = arith.mulf %sub3A_1383, %sub3A_1383 : vector<16xf32>
        %mul3A_1386 = arith.mulf %sub3A_1384, %sub3A_1384 : vector<16xf32>
        %add3A_1387 = arith.addf %mul3A_1385, %mul3A_1386 : vector<16xf32>
        %min3A_1388 = arith.minimumf %scan3A_1340, %add3A_1387 : vector<16xf32>
        %min3A_1389 = arith.minimumf %min3A_1382, %add3A_1387 : vector<16xf32>
        %sub3A_1390 = arith.subf %gather3A_1050, %get3A_1348 : vector<16xf32>
        %sub3A_1391 = arith.subf %gather3A_1052, %get3A_1351 : vector<16xf32>
        %mul3A_1392 = arith.mulf %sub3A_1390, %sub3A_1390 : vector<16xf32>
        %mul3A_1393 = arith.mulf %sub3A_1391, %sub3A_1391 : vector<16xf32>
        %add3A_1394 = arith.addf %mul3A_1392, %mul3A_1393 : vector<16xf32>
        %min3A_1395 = arith.minimumf %scan3A_1341, %add3A_1394 : vector<16xf32>
        %min3A_1396 = arith.minimumf %min3A_1389, %add3A_1394 : vector<16xf32>
        %sub3A_1397 = arith.subf %gather3A_1056, %get3A_1348 : vector<16xf32>
        %sub3A_1398 = arith.subf %gather3A_1058, %get3A_1351 : vector<16xf32>
        %mul3A_1399 = arith.mulf %sub3A_1397, %sub3A_1397 : vector<16xf32>
        %mul3A_1400 = arith.mulf %sub3A_1398, %sub3A_1398 : vector<16xf32>
        %add3A_1401 = arith.addf %mul3A_1399, %mul3A_1400 : vector<16xf32>
        %min3A_1402 = arith.minimumf %scan3A_1342, %add3A_1401 : vector<16xf32>
        %min3A_1403 = arith.minimumf %min3A_1396, %add3A_1401 : vector<16xf32>
        %sub3A_1404 = arith.subf %gather3A_1062, %get3A_1348 : vector<16xf32>
        %sub3A_1405 = arith.subf %gather3A_1064, %get3A_1351 : vector<16xf32>
        %mul3A_1406 = arith.mulf %sub3A_1404, %sub3A_1404 : vector<16xf32>
        %mul3A_1407 = arith.mulf %sub3A_1405, %sub3A_1405 : vector<16xf32>
        %add3A_1408 = arith.addf %mul3A_1406, %mul3A_1407 : vector<16xf32>
        %min3A_1409 = arith.minimumf %scan3A_1343, %add3A_1408 : vector<16xf32>
        %min3A_1410 = arith.minimumf %min3A_1403, %add3A_1408 : vector<16xf32>
        %swap3A_1411 = arith.index_cast %mul3A_1345 : i32 to index
        %swap3A_1412 = tpu.vector_load %arg12[%swap3A_1411] {strides = array<i32>} : memref<2048xf32, #tpu.memory_space<vmem>>, vector<16xf32>,
        %swap3A_1413 = vector.shape_cast %swap3A_1412 : vector<16xf32> to vector<16xf32>
        %swap3A_1414 = vector.shape_cast %min3A_1410 : vector<16xf32> to vector<16xf32>
        tpu.vector_store %arg12[%swap3A_1411], %swap3A_1414 {strides = array<i32>} : memref<2048xf32, #tpu.memory_space<vmem>>, vector<16xf32>,
        %scan3A_1415 = arith.constant 1 : i32
        %scan3A_1416 = arith.addi %scan3A_1335, %scan3A_1415 : i32
        %mul3A_1417 = arith.constant 16 : i32
        %mul3A_1418 = arith.muli %scan3A_1416, %mul3A_1417 : i32
        %get3A_1419 = arith.index_cast %mul3A_1418 : i32 to index
        %get3A_1420 = tpu.vector_load %arg10[%get3A_1419] {strides = array<i32>} : memref<2048xf32, #tpu.memory_space<vmem>>, vector<16xf32>,
        %get3A_1421 = vector.shape_cast %get3A_1420 : vector<16xf32> to vector<16xf32>
        %get3A_1422 = arith.index_cast %mul3A_1418 : i32 to index
        %get3A_1423 = tpu.vector_load %arg11[%get3A_1422] {strides = array<i32>} : memref<2048xf32, #tpu.memory_space<vmem>>, vector<16xf32>,
        %get3A_1424 = vector.shape_cast %get3A_1423 : vector<16xf32> to vector<16xf32>
        %get3A_1425 = arith.index_cast %mul3A_1418 : i32 to index
        %get3A_1426 = tpu.vector_load %arg12[%get3A_1425] {strides = array<i32>} : memref<2048xf32, #tpu.memory_space<vmem>>, vector<16xf32>,
        %get3A_1427 = vector.shape_cast %get3A_1426 : vector<16xf32> to vector<16xf32>
        %sub3A_1428 = arith.subf %gather3A_1020, %get3A_1421 : vector<16xf32>
        %sub3A_1429 = arith.subf %gather3A_1022, %get3A_1424 : vector<16xf32>
        %mul3A_1430 = arith.mulf %sub3A_1428, %sub3A_1428 : vector<16xf32>
        %mul3A_1431 = arith.mulf %sub3A_1429, %sub3A_1429 : vector<16xf32>
        %add3A_1432 = arith.addf %mul3A_1430, %mul3A_1431 : vector<16xf32>
        %min3A_1433 = arith.minimumf %min3A_1360, %add3A_1432 : vector<16xf32>
        %min3A_1434 = arith.minimumf %get3A_1427, %add3A_1432 : vector<16xf32>
        %sub3A_1435 = arith.subf %gather3A_1026, %get3A_1421 : vector<16xf32>
        %sub3A_1436 = arith.subf %gather3A_1028, %get3A_1424 : vector<16xf32>
        %mul3A_1437 = arith.mulf %sub3A_1435, %sub3A_1435 : vector<16xf32>
        %mul3A_1438 = arith.mulf %sub3A_1436, %sub3A_1436 : vector<16xf32>
        %add3A_1439 = arith.addf %mul3A_1437, %mul3A_1438 : vector<16xf32>
        %min3A_1440 = arith.minimumf %min3A_1367, %add3A_1439 : vector<16xf32>
        %min3A_1441 = arith.minimumf %min3A_1434, %add3A_1439 : vector<16xf32>
        %sub3A_1442 = arith.subf %gather3A_1032, %get3A_1421 : vector<16xf32>
        %sub3A_1443 = arith.subf %gather3A_1034, %get3A_1424 : vector<16xf32>
        %mul3A_1444 = arith.mulf %sub3A_1442, %sub3A_1442 : vector<16xf32>
        %mul3A_1445 = arith.mulf %sub3A_1443, %sub3A_1443 : vector<16xf32>
        %add3A_1446 = arith.addf %mul3A_1444, %mul3A_1445 : vector<16xf32>
        %min3A_1447 = arith.minimumf %min3A_1374, %add3A_1446 : vector<16xf32>
        %min3A_1448 = arith.minimumf %min3A_1441, %add3A_1446 : vector<16xf32>
        %sub3A_1449 = arith.subf %gather3A_1038, %get3A_1421 : vector<16xf32>
        %sub3A_1450 = arith.subf %gather3A_1040, %get3A_1424 : vector<16xf32>
        %mul3A_1451 = arith.mulf %sub3A_1449, %sub3A_1449 : vector<16xf32>
        %mul3A_1452 = arith.mulf %sub3A_1450, %sub3A_1450 : vector<16xf32>
        %add3A_1453 = arith.addf %mul3A_1451, %mul3A_1452 : vector<16xf32>
        %min3A_1454 = arith.minimumf %min3A_1381, %add3A_1453 : vector<16xf32>
        %min3A_1455 = arith.minimumf %min3A_1448, %add3A_1453 : vector<16xf32>
        %sub3A_1456 = arith.subf %gather3A_1044, %get3A_1421 : vector<16xf32>
        %sub3A_1457 = arith.subf %gather3A_1046, %get3A_1424 : vector<16xf32>
        %mul3A_1458 = arith.mulf %sub3A_1456, %sub3A_1456 : vector<16xf32>
        %mul3A_1459 = arith.mulf %sub3A_1457, %sub3A_1457 : vector<16xf32>
        %add3A_1460 = arith.addf %mul3A_1458, %mul3A_1459 : vector<16xf32>
        %min3A_1461 = arith.minimumf %min3A_1388, %add3A_1460 : vector<16xf32>
        %min3A_1462 = arith.minimumf %min3A_1455, %add3A_1460 : vector<16xf32>
        %sub3A_1463 = arith.subf %gather3A_1050, %get3A_1421 : vector<16xf32>
        %sub3A_1464 = arith.subf %gather3A_1052, %get3A_1424 : vector<16xf32>
        %mul3A_1465 = arith.mulf %sub3A_1463, %sub3A_1463 : vector<16xf32>
        %mul3A_1466 = arith.mulf %sub3A_1464, %sub3A_1464 : vector<16xf32>
        %add3A_1467 = arith.addf %mul3A_1465, %mul3A_1466 : vector<16xf32>
        %min3A_1468 = arith.minimumf %min3A_1395, %add3A_1467 : vector<16xf32>
        %min3A_1469 = arith.minimumf %min3A_1462, %add3A_1467 : vector<16xf32>
        %sub3A_1470 = arith.subf %gather3A_1056, %get3A_1421 : vector<16xf32>
        %sub3A_1471 = arith.subf %gather3A_1058, %get3A_1424 : vector<16xf32>
        %mul3A_1472 = arith.mulf %sub3A_1470, %sub3A_1470 : vector<16xf32>
        %mul3A_1473 = arith.mulf %sub3A_1471, %sub3A_1471 : vector<16xf32>
        %add3A_1474 = arith.addf %mul3A_1472, %mul3A_1473 : vector<16xf32>
        %min3A_1475 = arith.minimumf %min3A_1402, %add3A_1474 : vector<16xf32>
        %min3A_1476 = arith.minimumf %min3A_1469, %add3A_1474 : vector<16xf32>
        %sub3A_1477 = arith.subf %gather3A_1062, %get3A_1421 : vector<16xf32>
        %sub3A_1478 = arith.subf %gather3A_1064, %get3A_1424 : vector<16xf32>
        %mul3A_1479 = arith.mulf %sub3A_1477, %sub3A_1477 : vector<16xf32>
        %mul3A_1480 = arith.mulf %sub3A_1478, %sub3A_1478 : vector<16xf32>
        %add3A_1481 = arith.addf %mul3A_1479, %mul3A_1480 : vector<16xf32>
        %min3A_1482 = arith.minimumf %min3A_1409, %add3A_1481 : vector<16xf32>
        %min3A_1483 = arith.minimumf %min3A_1476, %add3A_1481 : vector<16xf32>
        %swap3A_1484 = arith.index_cast %mul3A_1418 : i32 to index
        %swap3A_1485 = tpu.vector_load %arg12[%swap3A_1484] {strides = array<i32>} : memref<2048xf32, #tpu.memory_space<vmem>>, vector<16xf32>,
        %swap3A_1486 = vector.shape_cast %swap3A_1485 : vector<16xf32> to vector<16xf32>
        %swap3A_1487 = vector.shape_cast %min3A_1483 : vector<16xf32> to vector<16xf32>
        tpu.vector_store %arg12[%swap3A_1484], %swap3A_1487 {strides = array<i32>} : memref<2048xf32, #tpu.memory_space<vmem>>, vector<16xf32>,
        scf.yield %min3A_1433, %min3A_1440, %min3A_1447, %min3A_1454, %min3A_1461, %min3A_1468, %min3A_1475, %min3A_1482 : vector<16xf32>, vector<16xf32>, vector<16xf32>, vector<16xf32>, vector<16xf32>, vector<16xf32>, vector<16xf32>, vector<16xf32>
      }
      %scan3A_1070 = arith.constant 128 : i32
      %swap3A_1071 = arith.constant 0 : index
      %swap3A_1072 = tpu.vector_load %arg13[%swap3A_1071] {strides = array<i32>} : memref<256xf32, #tpu.memory_space<vmem>>, vector<16xf32>,
      %swap3A_1073 = vector.shape_cast %swap3A_1072 : vector<16xf32> to vector<16xf32>
      %swap3A_1074 = vector.shape_cast %scan3A_1069#0 : vector<16xf32> to vector<16xf32>
      tpu.vector_store %arg13[%swap3A_1071], %swap3A_1074 {strides = array<i32>} : memref<256xf32, #tpu.memory_space<vmem>>, vector<16xf32>,
      %get3A_1075 = arith.constant 8 : index
      %get3A_1076 = tpu.vector_load %arg13[%get3A_1075] {strides = array<i32>} : memref<256xf32, #tpu.memory_space<vmem>>, vector<16xf32>,
      %get3A_1077 = vector.shape_cast %get3A_1076 : vector<16xf32> to vector<16xf32>
      %min3A_1078 = arith.minimumf %scan3A_1069#0, %get3A_1077 : vector<16xf32>
      %swap3A_1079 = arith.constant 0 : index
      %swap3A_1080 = tpu.vector_load %arg13[%swap3A_1079] {strides = array<i32>} : memref<256xf32, #tpu.memory_space<vmem>>, vector<16xf32>,
      %swap3A_1081 = vector.shape_cast %swap3A_1080 : vector<16xf32> to vector<16xf32>
      %swap3A_1082 = vector.shape_cast %min3A_1078 : vector<16xf32> to vector<16xf32>
      tpu.vector_store %arg13[%swap3A_1079], %swap3A_1082 {strides = array<i32>} : memref<256xf32, #tpu.memory_space<vmem>>, vector<16xf32>,
      %get3A_1083 = arith.constant 4 : index
      %get3A_1084 = tpu.vector_load %arg13[%get3A_1083] {strides = array<i32>} : memref<256xf32, #tpu.memory_space<vmem>>, vector<16xf32>,
      %get3A_1085 = vector.shape_cast %get3A_1084 : vector<16xf32> to vector<16xf32>
      %min3A_1086 = arith.minimumf %min3A_1078, %get3A_1085 : vector<16xf32>
      %swap3A_1087 = arith.constant 0 : index
      %swap3A_1088 = tpu.vector_load %arg13[%swap3A_1087] {strides = array<i32>} : memref<256xf32, #tpu.memory_space<vmem>>, vector<16xf32>,
      %swap3A_1089 = vector.shape_cast %swap3A_1088 : vector<16xf32> to vector<16xf32>
      %swap3A_1090 = vector.shape_cast %min3A_1086 : vector<16xf32> to vector<16xf32>
      tpu.vector_store %arg13[%swap3A_1087], %swap3A_1090 {strides = array<i32>} : memref<256xf32, #tpu.memory_space<vmem>>, vector<16xf32>,
      %get3A_1091 = arith.constant 2 : index
      %get3A_1092 = tpu.vector_load %arg13[%get3A_1091] {strides = array<i32>} : memref<256xf32, #tpu.memory_space<vmem>>, vector<16xf32>,
      %get3A_1093 = vector.shape_cast %get3A_1092 : vector<16xf32> to vector<16xf32>
      %min3A_1094 = arith.minimumf %min3A_1086, %get3A_1093 : vector<16xf32>
      %swap3A_1095 = arith.constant 0 : index
      %swap3A_1096 = tpu.vector_load %arg13[%swap3A_1095] {strides = array<i32>} : memref<256xf32, #tpu.memory_space<vmem>>, vector<16xf32>,
      %swap3A_1097 = vector.shape_cast %swap3A_1096 : vector<16xf32> to vector<16xf32>
      %swap3A_1098 = vector.shape_cast %min3A_1094 : vector<16xf32> to vector<16xf32>
      tpu.vector_store %arg13[%swap3A_1095], %swap3A_1098 {strides = array<i32>} : memref<256xf32, #tpu.memory_space<vmem>>, vector<16xf32>,
      %get3A_1099 = arith.constant 1 : index
      %get3A_1100 = tpu.vector_load %arg13[%get3A_1099] {strides = array<i32>} : memref<256xf32, #tpu.memory_space<vmem>>, vector<16xf32>,
      %get3A_1101 = vector.shape_cast %get3A_1100 : vector<16xf32> to vector<16xf32>
      %min3A_1102 = arith.minimumf %min3A_1094, %get3A_1101 : vector<16xf32>
      %add3A_1103 = arith.addf %add3A_1016, %min3A_1102 : vector<16xf32>
      %swap3A_1104 = arith.constant 32 : index
      %swap3A_1105 = tpu.vector_load %arg13[%swap3A_1104] {strides = array<i32>} : memref<256xf32, #tpu.memory_space<vmem>>, vector<16xf32>,
      %swap3A_1106 = vector.shape_cast %swap3A_1105 : vector<16xf32> to vector<16xf32>
      %swap3A_1107 = vector.shape_cast %scan3A_1069#1 : vector<16xf32> to vector<16xf32>
      tpu.vector_store %arg13[%swap3A_1104], %swap3A_1107 {strides = array<i32>} : memref<256xf32, #tpu.memory_space<vmem>>, vector<16xf32>,
      %get3A_1108 = arith.constant 40 : index
      %get3A_1109 = tpu.vector_load %arg13[%get3A_1108] {strides = array<i32>} : memref<256xf32, #tpu.memory_space<vmem>>, vector<16xf32>,
      %get3A_1110 = vector.shape_cast %get3A_1109 : vector<16xf32> to vector<16xf32>
      %min3A_1111 = arith.minimumf %scan3A_1069#1, %get3A_1110 : vector<16xf32>
      %swap3A_1112 = arith.constant 32 : index
      %swap3A_1113 = tpu.vector_load %arg13[%swap3A_1112] {strides = array<i32>} : memref<256xf32, #tpu.memory_space<vmem>>, vector<16xf32>,
      %swap3A_1114 = vector.shape_cast %swap3A_1113 : vector<16xf32> to vector<16xf32>
      %swap3A_1115 = vector.shape_cast %min3A_1111 : vector<16xf32> to vector<16xf32>
      tpu.vector_store %arg13[%swap3A_1112], %swap3A_1115 {strides = array<i32>} : memref<256xf32, #tpu.memory_space<vmem>>, vector<16xf32>,
      %get3A_1116 = arith.constant 36 : index
      %get3A_1117 = tpu.vector_load %arg13[%get3A_1116] {strides = array<i32>} : memref<256xf32, #tpu.memory_space<vmem>>, vector<16xf32>,
      %get3A_1118 = vector.shape_cast %get3A_1117 : vector<16xf32> to vector<16xf32>
      %min3A_1119 = arith.minimumf %min3A_1111, %get3A_1118 : vector<16xf32>
      %swap3A_1120 = arith.constant 32 : index
      %swap3A_1121 = tpu.vector_load %arg13[%swap3A_1120] {strides = array<i32>} : memref<256xf32, #tpu.memory_space<vmem>>, vector<16xf32>,
      %swap3A_1122 = vector.shape_cast %swap3A_1121 : vector<16xf32> to vector<16xf32>
      %swap3A_1123 = vector.shape_cast %min3A_1119 : vector<16xf32> to vector<16xf32>
      tpu.vector_store %arg13[%swap3A_1120], %swap3A_1123 {strides = array<i32>} : memref<256xf32, #tpu.memory_space<vmem>>, vector<16xf32>,
      %get3A_1124 = arith.constant 34 : index
      %get3A_1125 = tpu.vector_load %arg13[%get3A_1124] {strides = array<i32>} : memref<256xf32, #tpu.memory_space<vmem>>, vector<16xf32>,
      %get3A_1126 = vector.shape_cast %get3A_1125 : vector<16xf32> to vector<16xf32>
      %min3A_1127 = arith.minimumf %min3A_1119, %get3A_1126 : vector<16xf32>
      %swap3A_1128 = arith.constant 32 : index
      %swap3A_1129 = tpu.vector_load %arg13[%swap3A_1128] {strides = array<i32>} : memref<256xf32, #tpu.memory_space<vmem>>, vector<16xf32>,
      %swap3A_1130 = vector.shape_cast %swap3A_1129 : vector<16xf32> to vector<16xf32>
      %swap3A_1131 = vector.shape_cast %min3A_1127 : vector<16xf32> to vector<16xf32>
      tpu.vector_store %arg13[%swap3A_1128], %swap3A_1131 {strides = array<i32>} : memref<256xf32, #tpu.memory_space<vmem>>, vector<16xf32>,
      %get3A_1132 = arith.constant 33 : index
      %get3A_1133 = tpu.vector_load %arg13[%get3A_1132] {strides = array<i32>} : memref<256xf32, #tpu.memory_space<vmem>>, vector<16xf32>,
      %get3A_1134 = vector.shape_cast %get3A_1133 : vector<16xf32> to vector<16xf32>
      %min3A_1135 = arith.minimumf %min3A_1127, %get3A_1134 : vector<16xf32>
      %add3A_1136 = arith.addf %add3A_1103, %min3A_1135 : vector<16xf32>
      %swap3A_1137 = arith.constant 64 : index
      %swap3A_1138 = tpu.vector_load %arg13[%swap3A_1137] {strides = array<i32>} : memref<256xf32, #tpu.memory_space<vmem>>, vector<16xf32>,
      %swap3A_1139 = vector.shape_cast %swap3A_1138 : vector<16xf32> to vector<16xf32>
      %swap3A_1140 = vector.shape_cast %scan3A_1069#2 : vector<16xf32> to vector<16xf32>
      tpu.vector_store %arg13[%swap3A_1137], %swap3A_1140 {strides = array<i32>} : memref<256xf32, #tpu.memory_space<vmem>>, vector<16xf32>,
      %get3A_1141 = arith.constant 72 : index
      %get3A_1142 = tpu.vector_load %arg13[%get3A_1141] {strides = array<i32>} : memref<256xf32, #tpu.memory_space<vmem>>, vector<16xf32>,
      %get3A_1143 = vector.shape_cast %get3A_1142 : vector<16xf32> to vector<16xf32>
      %min3A_1144 = arith.minimumf %scan3A_1069#2, %get3A_1143 : vector<16xf32>
      %swap3A_1145 = arith.constant 64 : index
      %swap3A_1146 = tpu.vector_load %arg13[%swap3A_1145] {strides = array<i32>} : memref<256xf32, #tpu.memory_space<vmem>>, vector<16xf32>,
      %swap3A_1147 = vector.shape_cast %swap3A_1146 : vector<16xf32> to vector<16xf32>
      %swap3A_1148 = vector.shape_cast %min3A_1144 : vector<16xf32> to vector<16xf32>
      tpu.vector_store %arg13[%swap3A_1145], %swap3A_1148 {strides = array<i32>} : memref<256xf32, #tpu.memory_space<vmem>>, vector<16xf32>,
      %get3A_1149 = arith.constant 68 : index
      %get3A_1150 = tpu.vector_load %arg13[%get3A_1149] {strides = array<i32>} : memref<256xf32, #tpu.memory_space<vmem>>, vector<16xf32>,
      %get3A_1151 = vector.shape_cast %get3A_1150 : vector<16xf32> to vector<16xf32>
      %min3A_1152 = arith.minimumf %min3A_1144, %get3A_1151 : vector<16xf32>
      %swap3A_1153 = arith.constant 64 : index
      %swap3A_1154 = tpu.vector_load %arg13[%swap3A_1153] {strides = array<i32>} : memref<256xf32, #tpu.memory_space<vmem>>, vector<16xf32>,
      %swap3A_1155 = vector.shape_cast %swap3A_1154 : vector<16xf32> to vector<16xf32>
      %swap3A_1156 = vector.shape_cast %min3A_1152 : vector<16xf32> to vector<16xf32>
      tpu.vector_store %arg13[%swap3A_1153], %swap3A_1156 {strides = array<i32>} : memref<256xf32, #tpu.memory_space<vmem>>, vector<16xf32>,
      %get3A_1157 = arith.constant 66 : index
      %get3A_1158 = tpu.vector_load %arg13[%get3A_1157] {strides = array<i32>} : memref<256xf32, #tpu.memory_space<vmem>>, vector<16xf32>,
      %get3A_1159 = vector.shape_cast %get3A_1158 : vector<16xf32> to vector<16xf32>
      %min3A_1160 = arith.minimumf %min3A_1152, %get3A_1159 : vector<16xf32>
      %swap3A_1161 = arith.constant 64 : index
      %swap3A_1162 = tpu.vector_load %arg13[%swap3A_1161] {strides = array<i32>} : memref<256xf32, #tpu.memory_space<vmem>>, vector<16xf32>,
      %swap3A_1163 = vector.shape_cast %swap3A_1162 : vector<16xf32> to vector<16xf32>
      %swap3A_1164 = vector.shape_cast %min3A_1160 : vector<16xf32> to vector<16xf32>
      tpu.vector_store %arg13[%swap3A_1161], %swap3A_1164 {strides = array<i32>} : memref<256xf32, #tpu.memory_space<vmem>>, vector<16xf32>,
      %get3A_1165 = arith.constant 65 : index
      %get3A_1166 = tpu.vector_load %arg13[%get3A_1165] {strides = array<i32>} : memref<256xf32, #tpu.memory_space<vmem>>, vector<16xf32>,
      %get3A_1167 = vector.shape_cast %get3A_1166 : vector<16xf32> to vector<16xf32>
      %min3A_1168 = arith.minimumf %min3A_1160, %get3A_1167 : vector<16xf32>
      %add3A_1169 = arith.addf %add3A_1136, %min3A_1168 : vector<16xf32>
      %swap3A_1170 = arith.constant 96 : index
      %swap3A_1171 = tpu.vector_load %arg13[%swap3A_1170] {strides = array<i32>} : memref<256xf32, #tpu.memory_space<vmem>>, vector<16xf32>,
      %swap3A_1172 = vector.shape_cast %swap3A_1171 : vector<16xf32> to vector<16xf32>
      %swap3A_1173 = vector.shape_cast %scan3A_1069#3 : vector<16xf32> to vector<16xf32>
      tpu.vector_store %arg13[%swap3A_1170], %swap3A_1173 {strides = array<i32>} : memref<256xf32, #tpu.memory_space<vmem>>, vector<16xf32>,
      %get3A_1174 = arith.constant 104 : index
      %get3A_1175 = tpu.vector_load %arg13[%get3A_1174] {strides = array<i32>} : memref<256xf32, #tpu.memory_space<vmem>>, vector<16xf32>,
      %get3A_1176 = vector.shape_cast %get3A_1175 : vector<16xf32> to vector<16xf32>
      %min3A_1177 = arith.minimumf %scan3A_1069#3, %get3A_1176 : vector<16xf32>
      %swap3A_1178 = arith.constant 96 : index
      %swap3A_1179 = tpu.vector_load %arg13[%swap3A_1178] {strides = array<i32>} : memref<256xf32, #tpu.memory_space<vmem>>, vector<16xf32>,
      %swap3A_1180 = vector.shape_cast %swap3A_1179 : vector<16xf32> to vector<16xf32>
      %swap3A_1181 = vector.shape_cast %min3A_1177 : vector<16xf32> to vector<16xf32>
      tpu.vector_store %arg13[%swap3A_1178], %swap3A_1181 {strides = array<i32>} : memref<256xf32, #tpu.memory_space<vmem>>, vector<16xf32>,
      %get3A_1182 = arith.constant 100 : index
      %get3A_1183 = tpu.vector_load %arg13[%get3A_1182] {strides = array<i32>} : memref<256xf32, #tpu.memory_space<vmem>>, vector<16xf32>,
      %get3A_1184 = vector.shape_cast %get3A_1183 : vector<16xf32> to vector<16xf32>
      %min3A_1185 = arith.minimumf %min3A_1177, %get3A_1184 : vector<16xf32>
      %swap3A_1186 = arith.constant 96 : index
      %swap3A_1187 = tpu.vector_load %arg13[%swap3A_1186] {strides = array<i32>} : memref<256xf32, #tpu.memory_space<vmem>>, vector<16xf32>,
      %swap3A_1188 = vector.shape_cast %swap3A_1187 : vector<16xf32> to vector<16xf32>
      %swap3A_1189 = vector.shape_cast %min3A_1185 : vector<16xf32> to vector<16xf32>
      tpu.vector_store %arg13[%swap3A_1186], %swap3A_1189 {strides = array<i32>} : memref<256xf32, #tpu.memory_space<vmem>>, vector<16xf32>,
      %get3A_1190 = arith.constant 98 : index
      %get3A_1191 = tpu.vector_load %arg13[%get3A_1190] {strides = array<i32>} : memref<256xf32, #tpu.memory_space<vmem>>, vector<16xf32>,
      %get3A_1192 = vector.shape_cast %get3A_1191 : vector<16xf32> to vector<16xf32>
      %min3A_1193 = arith.minimumf %min3A_1185, %get3A_1192 : vector<16xf32>
      %swap3A_1194 = arith.constant 96 : index
      %swap3A_1195 = tpu.vector_load %arg13[%swap3A_1194] {strides = array<i32>} : memref<256xf32, #tpu.memory_space<vmem>>, vector<16xf32>,
      %swap3A_1196 = vector.shape_cast %swap3A_1195 : vector<16xf32> to vector<16xf32>
      %swap3A_1197 = vector.shape_cast %min3A_1193 : vector<16xf32> to vector<16xf32>
      tpu.vector_store %arg13[%swap3A_1194], %swap3A_1197 {strides = array<i32>} : memref<256xf32, #tpu.memory_space<vmem>>, vector<16xf32>,
      %get3A_1198 = arith.constant 97 : index
      %get3A_1199 = tpu.vector_load %arg13[%get3A_1198] {strides = array<i32>} : memref<256xf32, #tpu.memory_space<vmem>>, vector<16xf32>,
      %get3A_1200 = vector.shape_cast %get3A_1199 : vector<16xf32> to vector<16xf32>
      %min3A_1201 = arith.minimumf %min3A_1193, %get3A_1200 : vector<16xf32>
      %add3A_1202 = arith.addf %add3A_1169, %min3A_1201 : vector<16xf32>
      %swap3A_1203 = arith.constant 128 : index
      %swap3A_1204 = tpu.vector_load %arg13[%swap3A_1203] {strides = array<i32>} : memref<256xf32, #tpu.memory_space<vmem>>, vector<16xf32>,
      %swap3A_1205 = vector.shape_cast %swap3A_1204 : vector<16xf32> to vector<16xf32>
      %swap3A_1206 = vector.shape_cast %scan3A_1069#4 : vector<16xf32> to vector<16xf32>
      tpu.vector_store %arg13[%swap3A_1203], %swap3A_1206 {strides = array<i32>} : memref<256xf32, #tpu.memory_space<vmem>>, vector<16xf32>,
      %get3A_1207 = arith.constant 136 : index
      %get3A_1208 = tpu.vector_load %arg13[%get3A_1207] {strides = array<i32>} : memref<256xf32, #tpu.memory_space<vmem>>, vector<16xf32>,
      %get3A_1209 = vector.shape_cast %get3A_1208 : vector<16xf32> to vector<16xf32>
      %min3A_1210 = arith.minimumf %scan3A_1069#4, %get3A_1209 : vector<16xf32>
      %swap3A_1211 = arith.constant 128 : index
      %swap3A_1212 = tpu.vector_load %arg13[%swap3A_1211] {strides = array<i32>} : memref<256xf32, #tpu.memory_space<vmem>>, vector<16xf32>,
      %swap3A_1213 = vector.shape_cast %swap3A_1212 : vector<16xf32> to vector<16xf32>
      %swap3A_1214 = vector.shape_cast %min3A_1210 : vector<16xf32> to vector<16xf32>
      tpu.vector_store %arg13[%swap3A_1211], %swap3A_1214 {strides = array<i32>} : memref<256xf32, #tpu.memory_space<vmem>>, vector<16xf32>,
      %get3A_1215 = arith.constant 132 : index
      %get3A_1216 = tpu.vector_load %arg13[%get3A_1215] {strides = array<i32>} : memref<256xf32, #tpu.memory_space<vmem>>, vector<16xf32>,
      %get3A_1217 = vector.shape_cast %get3A_1216 : vector<16xf32> to vector<16xf32>
      %min3A_1218 = arith.minimumf %min3A_1210, %get3A_1217 : vector<16xf32>
      %swap3A_1219 = arith.constant 128 : index
      %swap3A_1220 = tpu.vector_load %arg13[%swap3A_1219] {strides = array<i32>} : memref<256xf32, #tpu.memory_space<vmem>>, vector<16xf32>,
      %swap3A_1221 = vector.shape_cast %swap3A_1220 : vector<16xf32> to vector<16xf32>
      %swap3A_1222 = vector.shape_cast %min3A_1218 : vector<16xf32> to vector<16xf32>
      tpu.vector_store %arg13[%swap3A_1219], %swap3A_1222 {strides = array<i32>} : memref<256xf32, #tpu.memory_space<vmem>>, vector<16xf32>,
      %get3A_1223 = arith.constant 130 : index
      %get3A_1224 = tpu.vector_load %arg13[%get3A_1223] {strides = array<i32>} : memref<256xf32, #tpu.memory_space<vmem>>, vector<16xf32>,
      %get3A_1225 = vector.shape_cast %get3A_1224 : vector<16xf32> to vector<16xf32>
      %min3A_1226 = arith.minimumf %min3A_1218, %get3A_1225 : vector<16xf32>
      %swap3A_1227 = arith.constant 128 : index
      %swap3A_1228 = tpu.vector_load %arg13[%swap3A_1227] {strides = array<i32>} : memref<256xf32, #tpu.memory_space<vmem>>, vector<16xf32>,
      %swap3A_1229 = vector.shape_cast %swap3A_1228 : vector<16xf32> to vector<16xf32>
      %swap3A_1230 = vector.shape_cast %min3A_1226 : vector<16xf32> to vector<16xf32>
      tpu.vector_store %arg13[%swap3A_1227], %swap3A_1230 {strides = array<i32>} : memref<256xf32, #tpu.memory_space<vmem>>, vector<16xf32>,
      %get3A_1231 = arith.constant 129 : index
      %get3A_1232 = tpu.vector_load %arg13[%get3A_1231] {strides = array<i32>} : memref<256xf32, #tpu.memory_space<vmem>>, vector<16xf32>,
      %get3A_1233 = vector.shape_cast %get3A_1232 : vector<16xf32> to vector<16xf32>
      %min3A_1234 = arith.minimumf %min3A_1226, %get3A_1233 : vector<16xf32>
      %add3A_1235 = arith.addf %add3A_1202, %min3A_1234 : vector<16xf32>
      %swap3A_1236 = arith.constant 160 : index
      %swap3A_1237 = tpu.vector_load %arg13[%swap3A_1236] {strides = array<i32>} : memref<256xf32, #tpu.memory_space<vmem>>, vector<16xf32>,
      %swap3A_1238 = vector.shape_cast %swap3A_1237 : vector<16xf32> to vector<16xf32>
      %swap3A_1239 = vector.shape_cast %scan3A_1069#5 : vector<16xf32> to vector<16xf32>
      tpu.vector_store %arg13[%swap3A_1236], %swap3A_1239 {strides = array<i32>} : memref<256xf32, #tpu.memory_space<vmem>>, vector<16xf32>,
      %get3A_1240 = arith.constant 168 : index
      %get3A_1241 = tpu.vector_load %arg13[%get3A_1240] {strides = array<i32>} : memref<256xf32, #tpu.memory_space<vmem>>, vector<16xf32>,
      %get3A_1242 = vector.shape_cast %get3A_1241 : vector<16xf32> to vector<16xf32>
      %min3A_1243 = arith.minimumf %scan3A_1069#5, %get3A_1242 : vector<16xf32>
      %swap3A_1244 = arith.constant 160 : index
      %swap3A_1245 = tpu.vector_load %arg13[%swap3A_1244] {strides = array<i32>} : memref<256xf32, #tpu.memory_space<vmem>>, vector<16xf32>,
      %swap3A_1246 = vector.shape_cast %swap3A_1245 : vector<16xf32> to vector<16xf32>
      %swap3A_1247 = vector.shape_cast %min3A_1243 : vector<16xf32> to vector<16xf32>
      tpu.vector_store %arg13[%swap3A_1244], %swap3A_1247 {strides = array<i32>} : memref<256xf32, #tpu.memory_space<vmem>>, vector<16xf32>,
      %get3A_1248 = arith.constant 164 : index
      %get3A_1249 = tpu.vector_load %arg13[%get3A_1248] {strides = array<i32>} : memref<256xf32, #tpu.memory_space<vmem>>, vector<16xf32>,
      %get3A_1250 = vector.shape_cast %get3A_1249 : vector<16xf32> to vector<16xf32>
      %min3A_1251 = arith.minimumf %min3A_1243, %get3A_1250 : vector<16xf32>
      %swap3A_1252 = arith.constant 160 : index
      %swap3A_1253 = tpu.vector_load %arg13[%swap3A_1252] {strides = array<i32>} : memref<256xf32, #tpu.memory_space<vmem>>, vector<16xf32>,
      %swap3A_1254 = vector.shape_cast %swap3A_1253 : vector<16xf32> to vector<16xf32>
      %swap3A_1255 = vector.shape_cast %min3A_1251 : vector<16xf32> to vector<16xf32>
      tpu.vector_store %arg13[%swap3A_1252], %swap3A_1255 {strides = array<i32>} : memref<256xf32, #tpu.memory_space<vmem>>, vector<16xf32>,
      %get3A_1256 = arith.constant 162 : index
      %get3A_1257 = tpu.vector_load %arg13[%get3A_1256] {strides = array<i32>} : memref<256xf32, #tpu.memory_space<vmem>>, vector<16xf32>,
      %get3A_1258 = vector.shape_cast %get3A_1257 : vector<16xf32> to vector<16xf32>
      %min3A_1259 = arith.minimumf %min3A_1251, %get3A_1258 : vector<16xf32>
      %swap3A_1260 = arith.constant 160 : index
      %swap3A_1261 = tpu.vector_load %arg13[%swap3A_1260] {strides = array<i32>} : memref<256xf32, #tpu.memory_space<vmem>>, vector<16xf32>,
      %swap3A_1262 = vector.shape_cast %swap3A_1261 : vector<16xf32> to vector<16xf32>
      %swap3A_1263 = vector.shape_cast %min3A_1259 : vector<16xf32> to vector<16xf32>
      tpu.vector_store %arg13[%swap3A_1260], %swap3A_1263 {strides = array<i32>} : memref<256xf32, #tpu.memory_space<vmem>>, vector<16xf32>,
      %get3A_1264 = arith.constant 161 : index
      %get3A_1265 = tpu.vector_load %arg13[%get3A_1264] {strides = array<i32>} : memref<256xf32, #tpu.memory_space<vmem>>, vector<16xf32>,
      %get3A_1266 = vector.shape_cast %get3A_1265 : vector<16xf32> to vector<16xf32>
      %min3A_1267 = arith.minimumf %min3A_1259, %get3A_1266 : vector<16xf32>
      %add3A_1268 = arith.addf %add3A_1235, %min3A_1267 : vector<16xf32>
      %swap3A_1269 = arith.constant 192 : index
      %swap3A_1270 = tpu.vector_load %arg13[%swap3A_1269] {strides = array<i32>} : memref<256xf32, #tpu.memory_space<vmem>>, vector<16xf32>,
      %swap3A_1271 = vector.shape_cast %swap3A_1270 : vector<16xf32> to vector<16xf32>
      %swap3A_1272 = vector.shape_cast %scan3A_1069#6 : vector<16xf32> to vector<16xf32>
      tpu.vector_store %arg13[%swap3A_1269], %swap3A_1272 {strides = array<i32>} : memref<256xf32, #tpu.memory_space<vmem>>, vector<16xf32>,
      %get3A_1273 = arith.constant 200 : index
      %get3A_1274 = tpu.vector_load %arg13[%get3A_1273] {strides = array<i32>} : memref<256xf32, #tpu.memory_space<vmem>>, vector<16xf32>,
      %get3A_1275 = vector.shape_cast %get3A_1274 : vector<16xf32> to vector<16xf32>
      %min3A_1276 = arith.minimumf %scan3A_1069#6, %get3A_1275 : vector<16xf32>
      %swap3A_1277 = arith.constant 192 : index
      %swap3A_1278 = tpu.vector_load %arg13[%swap3A_1277] {strides = array<i32>} : memref<256xf32, #tpu.memory_space<vmem>>, vector<16xf32>,
      %swap3A_1279 = vector.shape_cast %swap3A_1278 : vector<16xf32> to vector<16xf32>
      %swap3A_1280 = vector.shape_cast %min3A_1276 : vector<16xf32> to vector<16xf32>
      tpu.vector_store %arg13[%swap3A_1277], %swap3A_1280 {strides = array<i32>} : memref<256xf32, #tpu.memory_space<vmem>>, vector<16xf32>,
      %get3A_1281 = arith.constant 196 : index
      %get3A_1282 = tpu.vector_load %arg13[%get3A_1281] {strides = array<i32>} : memref<256xf32, #tpu.memory_space<vmem>>, vector<16xf32>,
      %get3A_1283 = vector.shape_cast %get3A_1282 : vector<16xf32> to vector<16xf32>
      %min3A_1284 = arith.minimumf %min3A_1276, %get3A_1283 : vector<16xf32>
      %swap3A_1285 = arith.constant 192 : index
      %swap3A_1286 = tpu.vector_load %arg13[%swap3A_1285] {strides = array<i32>} : memref<256xf32, #tpu.memory_space<vmem>>, vector<16xf32>,
      %swap3A_1287 = vector.shape_cast %swap3A_1286 : vector<16xf32> to vector<16xf32>
      %swap3A_1288 = vector.shape_cast %min3A_1284 : vector<16xf32> to vector<16xf32>
      tpu.vector_store %arg13[%swap3A_1285], %swap3A_1288 {strides = array<i32>} : memref<256xf32, #tpu.memory_space<vmem>>, vector<16xf32>,
      %get3A_1289 = arith.constant 194 : index
      %get3A_1290 = tpu.vector_load %arg13[%get3A_1289] {strides = array<i32>} : memref<256xf32, #tpu.memory_space<vmem>>, vector<16xf32>,
      %get3A_1291 = vector.shape_cast %get3A_1290 : vector<16xf32> to vector<16xf32>
      %min3A_1292 = arith.minimumf %min3A_1284, %get3A_1291 : vector<16xf32>
      %swap3A_1293 = arith.constant 192 : index
      %swap3A_1294 = tpu.vector_load %arg13[%swap3A_1293] {strides = array<i32>} : memref<256xf32, #tpu.memory_space<vmem>>, vector<16xf32>,
      %swap3A_1295 = vector.shape_cast %swap3A_1294 : vector<16xf32> to vector<16xf32>
      %swap3A_1296 = vector.shape_cast %min3A_1292 : vector<16xf32> to vector<16xf32>
      tpu.vector_store %arg13[%swap3A_1293], %swap3A_1296 {strides = array<i32>} : memref<256xf32, #tpu.memory_space<vmem>>, vector<16xf32>,
      %get3A_1297 = arith.constant 193 : index
      %get3A_1298 = tpu.vector_load %arg13[%get3A_1297] {strides = array<i32>} : memref<256xf32, #tpu.memory_space<vmem>>, vector<16xf32>,
      %get3A_1299 = vector.shape_cast %get3A_1298 : vector<16xf32> to vector<16xf32>
      %min3A_1300 = arith.minimumf %min3A_1292, %get3A_1299 : vector<16xf32>
      %add3A_1301 = arith.addf %add3A_1268, %min3A_1300 : vector<16xf32>
      %swap3A_1302 = arith.constant 224 : index
      %swap3A_1303 = tpu.vector_load %arg13[%swap3A_1302] {strides = array<i32>} : memref<256xf32, #tpu.memory_space<vmem>>, vector<16xf32>,
      %swap3A_1304 = vector.shape_cast %swap3A_1303 : vector<16xf32> to vector<16xf32>
      %swap3A_1305 = vector.shape_cast %scan3A_1069#7 : vector<16xf32> to vector<16xf32>
      tpu.vector_store %arg13[%swap3A_1302], %swap3A_1305 {strides = array<i32>} : memref<256xf32, #tpu.memory_space<vmem>>, vector<16xf32>,
      %get3A_1306 = arith.constant 232 : index
      %get3A_1307 = tpu.vector_load %arg13[%get3A_1306] {strides = array<i32>} : memref<256xf32, #tpu.memory_space<vmem>>, vector<16xf32>,
      %get3A_1308 = vector.shape_cast %get3A_1307 : vector<16xf32> to vector<16xf32>
      %min3A_1309 = arith.minimumf %scan3A_1069#7, %get3A_1308 : vector<16xf32>
      %swap3A_1310 = arith.constant 224 : index
      %swap3A_1311 = tpu.vector_load %arg13[%swap3A_1310] {strides = array<i32>} : memref<256xf32, #tpu.memory_space<vmem>>, vector<16xf32>,
      %swap3A_1312 = vector.shape_cast %swap3A_1311 : vector<16xf32> to vector<16xf32>
      %swap3A_1313 = vector.shape_cast %min3A_1309 : vector<16xf32> to vector<16xf32>
      tpu.vector_store %arg13[%swap3A_1310], %swap3A_1313 {strides = array<i32>} : memref<256xf32, #tpu.memory_space<vmem>>, vector<16xf32>,
      %get3A_1314 = arith.constant 228 : index
      %get3A_1315 = tpu.vector_load %arg13[%get3A_1314] {strides = array<i32>} : memref<256xf32, #tpu.memory_space<vmem>>, vector<16xf32>,
      %get3A_1316 = vector.shape_cast %get3A_1315 : vector<16xf32> to vector<16xf32>
      %min3A_1317 = arith.minimumf %min3A_1309, %get3A_1316 : vector<16xf32>
      %swap3A_1318 = arith.constant 224 : index
      %swap3A_1319 = tpu.vector_load %arg13[%swap3A_1318] {strides = array<i32>} : memref<256xf32, #tpu.memory_space<vmem>>, vector<16xf32>,
      %swap3A_1320 = vector.shape_cast %swap3A_1319 : vector<16xf32> to vector<16xf32>
      %swap3A_1321 = vector.shape_cast %min3A_1317 : vector<16xf32> to vector<16xf32>
      tpu.vector_store %arg13[%swap3A_1318], %swap3A_1321 {strides = array<i32>} : memref<256xf32, #tpu.memory_space<vmem>>, vector<16xf32>,
      %get3A_1322 = arith.constant 226 : index
      %get3A_1323 = tpu.vector_load %arg13[%get3A_1322] {strides = array<i32>} : memref<256xf32, #tpu.memory_space<vmem>>, vector<16xf32>,
      %get3A_1324 = vector.shape_cast %get3A_1323 : vector<16xf32> to vector<16xf32>
      %min3A_1325 = arith.minimumf %min3A_1317, %get3A_1324 : vector<16xf32>
      %swap3A_1326 = arith.constant 224 : index
      %swap3A_1327 = tpu.vector_load %arg13[%swap3A_1326] {strides = array<i32>} : memref<256xf32, #tpu.memory_space<vmem>>, vector<16xf32>,
      %swap3A_1328 = vector.shape_cast %swap3A_1327 : vector<16xf32> to vector<16xf32>
      %swap3A_1329 = vector.shape_cast %min3A_1325 : vector<16xf32> to vector<16xf32>
      tpu.vector_store %arg13[%swap3A_1326], %swap3A_1329 {strides = array<i32>} : memref<256xf32, #tpu.memory_space<vmem>>, vector<16xf32>,
      %get3A_1330 = arith.constant 225 : index
      %get3A_1331 = tpu.vector_load %arg13[%get3A_1330] {strides = array<i32>} : memref<256xf32, #tpu.memory_space<vmem>>, vector<16xf32>,
      %get3A_1332 = vector.shape_cast %get3A_1331 : vector<16xf32> to vector<16xf32>
      %min3A_1333 = arith.minimumf %min3A_1325, %get3A_1332 : vector<16xf32>
      %add3A_1334 = arith.addf %add3A_1301, %min3A_1333 : vector<16xf32>
      scf.yield %add3A_1334 : vector<16xf32>
    }
    %scan3A_88 = arith.constant 8 : i32
    %swap3A_89 = arith.constant 0 : index
    %swap3A_90 = tpu.vector_load %arg15[%swap3A_89] {strides = array<i32>} : memref<16xf32, #tpu.memory_space<vmem>>, vector<16xf32>,
    %swap3A_91 = vector.shape_cast %swap3A_90 : vector<16xf32> to vector<16xf32>
    %swap3A_92 = vector.shape_cast %scan3A_87 : vector<16xf32> to vector<16xf32>
    tpu.vector_store %arg15[%swap3A_89], %swap3A_92 {strides = array<i32>} : memref<16xf32, #tpu.memory_space<vmem>>, vector<16xf32>,
    "tpu.region"() ({
      %run_scoped3A_688 = tpu.sem_alloc : memref<!tpu.dma_semaphore, #tpu.memory_space<semaphore_mem>>
      %dma_start3A = arith.constant 0 : i32
      %dma_start3A_689 = tpu.memref_slice %arg6[%add3A, %dma_start3A] : memref<32x16xf32, #tpu.memory_space<hbm>> -> memref<1x16xf32, #tpu.memory_space<hbm>>
      %dma_start3A_690 = tpu.memref_squeeze %dma_start3A_689 : memref<1x16xf32, #tpu.memory_space<hbm>> -> memref<16xf32, #tpu.memory_space<hbm>>
      %dma_start3A_691 = arith.constant 0 : i32
      %dma_start3A_692 = tpu.memref_slice %arg6[%add3A, %dma_start3A_691] : memref<32x16xf32, #tpu.memory_space<hbm>> -> memref<1x16xf32, #tpu.memory_space<hbm>>
      %dma_start3A_693 = tpu.memref_squeeze %dma_start3A_692 : memref<1x16xf32, #tpu.memory_space<hbm>> -> memref<16xf32, #tpu.memory_space<hbm>>
      tpu.enqueue_dma source(%arg15 : memref<16xf32, #tpu.memory_space<vmem>>) target(%dma_start3A_693 : memref<16xf32, #tpu.memory_space<hbm>>) target_semaphore(%run_scoped3A_688 : memref<!tpu.dma_semaphore, #tpu.memory_space<semaphore_mem>>)
      %dma_wait3A = arith.constant 0 : i32
      %dma_wait3A_694 = tpu.memref_slice %arg6[%add3A, %dma_wait3A] : memref<32x16xf32, #tpu.memory_space<hbm>> -> memref<1x16xf32, #tpu.memory_space<hbm>>
      %dma_wait3A_695 = tpu.memref_squeeze %dma_wait3A_694 : memref<1x16xf32, #tpu.memory_space<hbm>> -> memref<16xf32, #tpu.memory_space<hbm>>
      %dma_wait3A_696 = arith.constant 0 : i32
      %dma_wait3A_697 = tpu.memref_slice %arg6[%add3A, %dma_wait3A_696] : memref<32x16xf32, #tpu.memory_space<hbm>> -> memref<1x16xf32, #tpu.memory_space<hbm>>
      %dma_wait3A_698 = tpu.memref_squeeze %dma_wait3A_697 : memref<1x16xf32, #tpu.memory_space<hbm>> -> memref<16xf32, #tpu.memory_space<hbm>>
      tpu.wait_dma2 semaphore(%run_scoped3A_688 : memref<!tpu.dma_semaphore, #tpu.memory_space<semaphore_mem>>) src(%arg15 : memref<16xf32, #tpu.memory_space<vmem>>) dst(%dma_wait3A_698 : memref<16xf32, #tpu.memory_space<hbm>>)
      tpu.yield
    }) : () -> ()
    "tpu.region"() ({
      %run_scoped3A_688 = tpu.sem_alloc : memref<!tpu.dma_semaphore, #tpu.memory_space<semaphore_mem>>
      %dma_start3A = arith.constant 0 : i32
      %dma_start3A_689 = tpu.memref_slice %arg16[%arg1, %dma_start3A] : memref<16x2048xf32, #tpu.memory_space<vmem_shared>> -> memref<1x2048xf32, #tpu.memory_space<vmem_shared>>
      %dma_start3A_690 = tpu.memref_squeeze %dma_start3A_689 : memref<1x2048xf32, #tpu.memory_space<vmem_shared>> -> memref<2048xf32, #tpu.memory_space<vmem_shared>>
      %dma_start3A_691 = arith.constant 0 : i32
      %dma_start3A_692 = tpu.memref_slice %arg16[%arg1, %dma_start3A_691] : memref<16x2048xf32, #tpu.memory_space<vmem_shared>> -> memref<1x2048xf32, #tpu.memory_space<vmem_shared>>
      %dma_start3A_693 = tpu.memref_squeeze %dma_start3A_692 : memref<1x2048xf32, #tpu.memory_space<vmem_shared>> -> memref<2048xf32, #tpu.memory_space<vmem_shared>>
      tpu.enqueue_dma source(%arg12 : memref<2048xf32, #tpu.memory_space<vmem>>) target(%dma_start3A_693 : memref<2048xf32, #tpu.memory_space<vmem_shared>>) target_semaphore(%run_scoped3A_688 : memref<!tpu.dma_semaphore, #tpu.memory_space<semaphore_mem>>)
      %dma_wait3A = arith.constant 0 : i32
      %dma_wait3A_694 = tpu.memref_slice %arg16[%arg1, %dma_wait3A] : memref<16x2048xf32, #tpu.memory_space<vmem_shared>> -> memref<1x2048xf32, #tpu.memory_space<vmem_shared>>
      %dma_wait3A_695 = tpu.memref_squeeze %dma_wait3A_694 : memref<1x2048xf32, #tpu.memory_space<vmem_shared>> -> memref<2048xf32, #tpu.memory_space<vmem_shared>>
      %dma_wait3A_696 = arith.constant 0 : i32
      %dma_wait3A_697 = tpu.memref_slice %arg16[%arg1, %dma_wait3A_696] : memref<16x2048xf32, #tpu.memory_space<vmem_shared>> -> memref<1x2048xf32, #tpu.memory_space<vmem_shared>>
      %dma_wait3A_698 = tpu.memref_squeeze %dma_wait3A_697 : memref<1x2048xf32, #tpu.memory_space<vmem_shared>> -> memref<2048xf32, #tpu.memory_space<vmem_shared>>
      tpu.wait_dma2 semaphore(%run_scoped3A_688 : memref<!tpu.dma_semaphore, #tpu.memory_space<semaphore_mem>>) src(%arg12 : memref<2048xf32, #tpu.memory_space<vmem>>) dst(%dma_wait3A_698 : memref<2048xf32, #tpu.memory_space<vmem_shared>>)
      tpu.yield
    }) : () -> ()
    %barrier3A = arith.constant 0 : index
    tpu.barrier barrier_id(%barrier3A)
    %mul3A_93 = arith.constant 128 : i32
    %mul3A_94 = arith.muli %arg1, %mul3A_93 : i32
    %run_scoped3A = arith.constant 0 : i32
    "tpu.region"() ({
      %run_scoped3A_688 = tpu.sem_alloc : memref<!tpu.dma_semaphore, #tpu.memory_space<semaphore_mem>>
      %dma_start3A = arith.constant 0 : i32
      %dma_start3A_689 = tpu.memref_slice %arg12[%dma_start3A] : memref<2048xf32, #tpu.memory_space<vmem>> -> memref<128xf32, #tpu.memory_space<vmem>>
      %dma_start3A_690 = tpu.memref_slice %arg16[%run_scoped3A, %mul3A_94] : memref<16x2048xf32, #tpu.memory_space<vmem_shared>> -> memref<1x128xf32, #tpu.memory_space<vmem_shared>>
      %dma_start3A_691 = tpu.memref_squeeze %dma_start3A_690 : memref<1x128xf32, #tpu.memory_space<vmem_shared>> -> memref<128xf32, #tpu.memory_space<vmem_shared>>
      %dma_start3A_692 = arith.constant 0 : i32
      %dma_start3A_693 = tpu.memref_slice %arg12[%dma_start3A_692] : memref<2048xf32, #tpu.memory_space<vmem>> -> memref<128xf32, #tpu.memory_space<vmem>>
      %dma_start3A_694 = tpu.memref_slice %arg16[%run_scoped3A, %mul3A_94] : memref<16x2048xf32, #tpu.memory_space<vmem_shared>> -> memref<1x128xf32, #tpu.memory_space<vmem_shared>>
      %dma_start3A_695 = tpu.memref_squeeze %dma_start3A_694 : memref<1x128xf32, #tpu.memory_space<vmem_shared>> -> memref<128xf32, #tpu.memory_space<vmem_shared>>
      tpu.enqueue_dma source(%dma_start3A_695 : memref<128xf32, #tpu.memory_space<vmem_shared>>) target(%dma_start3A_693 : memref<128xf32, #tpu.memory_space<vmem>>) target_semaphore(%run_scoped3A_688 : memref<!tpu.dma_semaphore, #tpu.memory_space<semaphore_mem>>)
      %dma_wait3A = arith.constant 0 : i32
      %dma_wait3A_696 = tpu.memref_slice %arg12[%dma_wait3A] : memref<2048xf32, #tpu.memory_space<vmem>> -> memref<128xf32, #tpu.memory_space<vmem>>
      %dma_wait3A_697 = tpu.memref_slice %arg16[%run_scoped3A, %mul3A_94] : memref<16x2048xf32, #tpu.memory_space<vmem_shared>> -> memref<1x128xf32, #tpu.memory_space<vmem_shared>>
      %dma_wait3A_698 = tpu.memref_squeeze %dma_wait3A_697 : memref<1x128xf32, #tpu.memory_space<vmem_shared>> -> memref<128xf32, #tpu.memory_space<vmem_shared>>
      %dma_wait3A_699 = arith.constant 0 : i32
      %dma_wait3A_700 = tpu.memref_slice %arg12[%dma_wait3A_699] : memref<2048xf32, #tpu.memory_space<vmem>> -> memref<128xf32, #tpu.memory_space<vmem>>
      %dma_wait3A_701 = tpu.memref_slice %arg16[%run_scoped3A, %mul3A_94] : memref<16x2048xf32, #tpu.memory_space<vmem_shared>> -> memref<1x128xf32, #tpu.memory_space<vmem_shared>>
      %dma_wait3A_702 = tpu.memref_squeeze %dma_wait3A_701 : memref<1x128xf32, #tpu.memory_space<vmem_shared>> -> memref<128xf32, #tpu.memory_space<vmem_shared>>
      tpu.wait_dma2 semaphore(%run_scoped3A_688 : memref<!tpu.dma_semaphore, #tpu.memory_space<semaphore_mem>>) src(%dma_wait3A_702 : memref<128xf32, #tpu.memory_space<vmem_shared>>) dst(%dma_wait3A_700 : memref<128xf32, #tpu.memory_space<vmem>>)
      tpu.yield
    }) : () -> ()
    %mul3A_95 = arith.constant 128 : i32
    %mul3A_96 = arith.muli %arg1, %mul3A_95 : i32
    %run_scoped3A_97 = arith.constant 1 : i32
    "tpu.region"() ({
      %run_scoped3A_688 = tpu.sem_alloc : memref<!tpu.dma_semaphore, #tpu.memory_space<semaphore_mem>>
      %dma_start3A = arith.constant 128 : i32
      %dma_start3A_689 = tpu.memref_slice %arg12[%dma_start3A] : memref<2048xf32, #tpu.memory_space<vmem>> -> memref<128xf32, #tpu.memory_space<vmem>>
      %dma_start3A_690 = tpu.memref_slice %arg16[%run_scoped3A_97, %mul3A_96] : memref<16x2048xf32, #tpu.memory_space<vmem_shared>> -> memref<1x128xf32, #tpu.memory_space<vmem_shared>>
      %dma_start3A_691 = tpu.memref_squeeze %dma_start3A_690 : memref<1x128xf32, #tpu.memory_space<vmem_shared>> -> memref<128xf32, #tpu.memory_space<vmem_shared>>
      %dma_start3A_692 = arith.constant 128 : i32
      %dma_start3A_693 = tpu.memref_slice %arg12[%dma_start3A_692] : memref<2048xf32, #tpu.memory_space<vmem>> -> memref<128xf32, #tpu.memory_space<vmem>>
      %dma_start3A_694 = tpu.memref_slice %arg16[%run_scoped3A_97, %mul3A_96] : memref<16x2048xf32, #tpu.memory_space<vmem_shared>> -> memref<1x128xf32, #tpu.memory_space<vmem_shared>>
      %dma_start3A_695 = tpu.memref_squeeze %dma_start3A_694 : memref<1x128xf32, #tpu.memory_space<vmem_shared>> -> memref<128xf32, #tpu.memory_space<vmem_shared>>
      tpu.enqueue_dma source(%dma_start3A_695 : memref<128xf32, #tpu.memory_space<vmem_shared>>) target(%dma_start3A_693 : memref<128xf32, #tpu.memory_space<vmem>>) target_semaphore(%run_scoped3A_688 : memref<!tpu.dma_semaphore, #tpu.memory_space<semaphore_mem>>)
      %dma_wait3A = arith.constant 128 : i32
      %dma_wait3A_696 = tpu.memref_slice %arg12[%dma_wait3A] : memref<2048xf32, #tpu.memory_space<vmem>> -> memref<128xf32, #tpu.memory_space<vmem>>
      %dma_wait3A_697 = tpu.memref_slice %arg16[%run_scoped3A_97, %mul3A_96] : memref<16x2048xf32, #tpu.memory_space<vmem_shared>> -> memref<1x128xf32, #tpu.memory_space<vmem_shared>>
      %dma_wait3A_698 = tpu.memref_squeeze %dma_wait3A_697 : memref<1x128xf32, #tpu.memory_space<vmem_shared>> -> memref<128xf32, #tpu.memory_space<vmem_shared>>
      %dma_wait3A_699 = arith.constant 128 : i32
      %dma_wait3A_700 = tpu.memref_slice %arg12[%dma_wait3A_699] : memref<2048xf32, #tpu.memory_space<vmem>> -> memref<128xf32, #tpu.memory_space<vmem>>
      %dma_wait3A_701 = tpu.memref_slice %arg16[%run_scoped3A_97, %mul3A_96] : memref<16x2048xf32, #tpu.memory_space<vmem_shared>> -> memref<1x128xf32, #tpu.memory_space<vmem_shared>>
      %dma_wait3A_702 = tpu.memref_squeeze %dma_wait3A_701 : memref<1x128xf32, #tpu.memory_space<vmem_shared>> -> memref<128xf32, #tpu.memory_space<vmem_shared>>
      tpu.wait_dma2 semaphore(%run_scoped3A_688 : memref<!tpu.dma_semaphore, #tpu.memory_space<semaphore_mem>>) src(%dma_wait3A_702 : memref<128xf32, #tpu.memory_space<vmem_shared>>) dst(%dma_wait3A_700 : memref<128xf32, #tpu.memory_space<vmem>>)
      tpu.yield
    }) : () -> ()
    %mul3A_98 = arith.constant 128 : i32
    %mul3A_99 = arith.muli %arg1, %mul3A_98 : i32
    %run_scoped3A_100 = arith.constant 2 : i32
    "tpu.region"() ({
      %run_scoped3A_688 = tpu.sem_alloc : memref<!tpu.dma_semaphore, #tpu.memory_space<semaphore_mem>>
      %dma_start3A = arith.constant 256 : i32
      %dma_start3A_689 = tpu.memref_slice %arg12[%dma_start3A] : memref<2048xf32, #tpu.memory_space<vmem>> -> memref<128xf32, #tpu.memory_space<vmem>>
      %dma_start3A_690 = tpu.memref_slice %arg16[%run_scoped3A_100, %mul3A_99] : memref<16x2048xf32, #tpu.memory_space<vmem_shared>> -> memref<1x128xf32, #tpu.memory_space<vmem_shared>>
      %dma_start3A_691 = tpu.memref_squeeze %dma_start3A_690 : memref<1x128xf32, #tpu.memory_space<vmem_shared>> -> memref<128xf32, #tpu.memory_space<vmem_shared>>
      %dma_start3A_692 = arith.constant 256 : i32
      %dma_start3A_693 = tpu.memref_slice %arg12[%dma_start3A_692] : memref<2048xf32, #tpu.memory_space<vmem>> -> memref<128xf32, #tpu.memory_space<vmem>>
      %dma_start3A_694 = tpu.memref_slice %arg16[%run_scoped3A_100, %mul3A_99] : memref<16x2048xf32, #tpu.memory_space<vmem_shared>> -> memref<1x128xf32, #tpu.memory_space<vmem_shared>>
      %dma_start3A_695 = tpu.memref_squeeze %dma_start3A_694 : memref<1x128xf32, #tpu.memory_space<vmem_shared>> -> memref<128xf32, #tpu.memory_space<vmem_shared>>
      tpu.enqueue_dma source(%dma_start3A_695 : memref<128xf32, #tpu.memory_space<vmem_shared>>) target(%dma_start3A_693 : memref<128xf32, #tpu.memory_space<vmem>>) target_semaphore(%run_scoped3A_688 : memref<!tpu.dma_semaphore, #tpu.memory_space<semaphore_mem>>)
      %dma_wait3A = arith.constant 256 : i32
      %dma_wait3A_696 = tpu.memref_slice %arg12[%dma_wait3A] : memref<2048xf32, #tpu.memory_space<vmem>> -> memref<128xf32, #tpu.memory_space<vmem>>
      %dma_wait3A_697 = tpu.memref_slice %arg16[%run_scoped3A_100, %mul3A_99] : memref<16x2048xf32, #tpu.memory_space<vmem_shared>> -> memref<1x128xf32, #tpu.memory_space<vmem_shared>>
      %dma_wait3A_698 = tpu.memref_squeeze %dma_wait3A_697 : memref<1x128xf32, #tpu.memory_space<vmem_shared>> -> memref<128xf32, #tpu.memory_space<vmem_shared>>
      %dma_wait3A_699 = arith.constant 256 : i32
      %dma_wait3A_700 = tpu.memref_slice %arg12[%dma_wait3A_699] : memref<2048xf32, #tpu.memory_space<vmem>> -> memref<128xf32, #tpu.memory_space<vmem>>
      %dma_wait3A_701 = tpu.memref_slice %arg16[%run_scoped3A_100, %mul3A_99] : memref<16x2048xf32, #tpu.memory_space<vmem_shared>> -> memref<1x128xf32, #tpu.memory_space<vmem_shared>>
      %dma_wait3A_702 = tpu.memref_squeeze %dma_wait3A_701 : memref<1x128xf32, #tpu.memory_space<vmem_shared>> -> memref<128xf32, #tpu.memory_space<vmem_shared>>
      tpu.wait_dma2 semaphore(%run_scoped3A_688 : memref<!tpu.dma_semaphore, #tpu.memory_space<semaphore_mem>>) src(%dma_wait3A_702 : memref<128xf32, #tpu.memory_space<vmem_shared>>) dst(%dma_wait3A_700 : memref<128xf32, #tpu.memory_space<vmem>>)
      tpu.yield
    }) : () -> ()
    %mul3A_101 = arith.constant 128 : i32
    %mul3A_102 = arith.muli %arg1, %mul3A_101 : i32
    %run_scoped3A_103 = arith.constant 3 : i32
    "tpu.region"() ({
      %run_scoped3A_688 = tpu.sem_alloc : memref<!tpu.dma_semaphore, #tpu.memory_space<semaphore_mem>>
      %dma_start3A = arith.constant 384 : i32
      %dma_start3A_689 = tpu.memref_slice %arg12[%dma_start3A] : memref<2048xf32, #tpu.memory_space<vmem>> -> memref<128xf32, #tpu.memory_space<vmem>>
      %dma_start3A_690 = tpu.memref_slice %arg16[%run_scoped3A_103, %mul3A_102] : memref<16x2048xf32, #tpu.memory_space<vmem_shared>> -> memref<1x128xf32, #tpu.memory_space<vmem_shared>>
      %dma_start3A_691 = tpu.memref_squeeze %dma_start3A_690 : memref<1x128xf32, #tpu.memory_space<vmem_shared>> -> memref<128xf32, #tpu.memory_space<vmem_shared>>
      %dma_start3A_692 = arith.constant 384 : i32
      %dma_start3A_693 = tpu.memref_slice %arg12[%dma_start3A_692] : memref<2048xf32, #tpu.memory_space<vmem>> -> memref<128xf32, #tpu.memory_space<vmem>>
      %dma_start3A_694 = tpu.memref_slice %arg16[%run_scoped3A_103, %mul3A_102] : memref<16x2048xf32, #tpu.memory_space<vmem_shared>> -> memref<1x128xf32, #tpu.memory_space<vmem_shared>>
      %dma_start3A_695 = tpu.memref_squeeze %dma_start3A_694 : memref<1x128xf32, #tpu.memory_space<vmem_shared>> -> memref<128xf32, #tpu.memory_space<vmem_shared>>
      tpu.enqueue_dma source(%dma_start3A_695 : memref<128xf32, #tpu.memory_space<vmem_shared>>) target(%dma_start3A_693 : memref<128xf32, #tpu.memory_space<vmem>>) target_semaphore(%run_scoped3A_688 : memref<!tpu.dma_semaphore, #tpu.memory_space<semaphore_mem>>)
      %dma_wait3A = arith.constant 384 : i32
      %dma_wait3A_696 = tpu.memref_slice %arg12[%dma_wait3A] : memref<2048xf32, #tpu.memory_space<vmem>> -> memref<128xf32, #tpu.memory_space<vmem>>
      %dma_wait3A_697 = tpu.memref_slice %arg16[%run_scoped3A_103, %mul3A_102] : memref<16x2048xf32, #tpu.memory_space<vmem_shared>> -> memref<1x128xf32, #tpu.memory_space<vmem_shared>>
      %dma_wait3A_698 = tpu.memref_squeeze %dma_wait3A_697 : memref<1x128xf32, #tpu.memory_space<vmem_shared>> -> memref<128xf32, #tpu.memory_space<vmem_shared>>
      %dma_wait3A_699 = arith.constant 384 : i32
      %dma_wait3A_700 = tpu.memref_slice %arg12[%dma_wait3A_699] : memref<2048xf32, #tpu.memory_space<vmem>> -> memref<128xf32, #tpu.memory_space<vmem>>
      %dma_wait3A_701 = tpu.memref_slice %arg16[%run_scoped3A_103, %mul3A_102] : memref<16x2048xf32, #tpu.memory_space<vmem_shared>> -> memref<1x128xf32, #tpu.memory_space<vmem_shared>>
      %dma_wait3A_702 = tpu.memref_squeeze %dma_wait3A_701 : memref<1x128xf32, #tpu.memory_space<vmem_shared>> -> memref<128xf32, #tpu.memory_space<vmem_shared>>
      tpu.wait_dma2 semaphore(%run_scoped3A_688 : memref<!tpu.dma_semaphore, #tpu.memory_space<semaphore_mem>>) src(%dma_wait3A_702 : memref<128xf32, #tpu.memory_space<vmem_shared>>) dst(%dma_wait3A_700 : memref<128xf32, #tpu.memory_space<vmem>>)
      tpu.yield
    }) : () -> ()
    %mul3A_104 = arith.constant 128 : i32
    %mul3A_105 = arith.muli %arg1, %mul3A_104 : i32
    %run_scoped3A_106 = arith.constant 4 : i32
    "tpu.region"() ({
      %run_scoped3A_688 = tpu.sem_alloc : memref<!tpu.dma_semaphore, #tpu.memory_space<semaphore_mem>>
      %dma_start3A = arith.constant 512 : i32
      %dma_start3A_689 = tpu.memref_slice %arg12[%dma_start3A] : memref<2048xf32, #tpu.memory_space<vmem>> -> memref<128xf32, #tpu.memory_space<vmem>>
      %dma_start3A_690 = tpu.memref_slice %arg16[%run_scoped3A_106, %mul3A_105] : memref<16x2048xf32, #tpu.memory_space<vmem_shared>> -> memref<1x128xf32, #tpu.memory_space<vmem_shared>>
      %dma_start3A_691 = tpu.memref_squeeze %dma_start3A_690 : memref<1x128xf32, #tpu.memory_space<vmem_shared>> -> memref<128xf32, #tpu.memory_space<vmem_shared>>
      %dma_start3A_692 = arith.constant 512 : i32
      %dma_start3A_693 = tpu.memref_slice %arg12[%dma_start3A_692] : memref<2048xf32, #tpu.memory_space<vmem>> -> memref<128xf32, #tpu.memory_space<vmem>>
      %dma_start3A_694 = tpu.memref_slice %arg16[%run_scoped3A_106, %mul3A_105] : memref<16x2048xf32, #tpu.memory_space<vmem_shared>> -> memref<1x128xf32, #tpu.memory_space<vmem_shared>>
      %dma_start3A_695 = tpu.memref_squeeze %dma_start3A_694 : memref<1x128xf32, #tpu.memory_space<vmem_shared>> -> memref<128xf32, #tpu.memory_space<vmem_shared>>
      tpu.enqueue_dma source(%dma_start3A_695 : memref<128xf32, #tpu.memory_space<vmem_shared>>) target(%dma_start3A_693 : memref<128xf32, #tpu.memory_space<vmem>>) target_semaphore(%run_scoped3A_688 : memref<!tpu.dma_semaphore, #tpu.memory_space<semaphore_mem>>)
      %dma_wait3A = arith.constant 512 : i32
      %dma_wait3A_696 = tpu.memref_slice %arg12[%dma_wait3A] : memref<2048xf32, #tpu.memory_space<vmem>> -> memref<128xf32, #tpu.memory_space<vmem>>
      %dma_wait3A_697 = tpu.memref_slice %arg16[%run_scoped3A_106, %mul3A_105] : memref<16x2048xf32, #tpu.memory_space<vmem_shared>> -> memref<1x128xf32, #tpu.memory_space<vmem_shared>>
      %dma_wait3A_698 = tpu.memref_squeeze %dma_wait3A_697 : memref<1x128xf32, #tpu.memory_space<vmem_shared>> -> memref<128xf32, #tpu.memory_space<vmem_shared>>
      %dma_wait3A_699 = arith.constant 512 : i32
      %dma_wait3A_700 = tpu.memref_slice %arg12[%dma_wait3A_699] : memref<2048xf32, #tpu.memory_space<vmem>> -> memref<128xf32, #tpu.memory_space<vmem>>
      %dma_wait3A_701 = tpu.memref_slice %arg16[%run_scoped3A_106, %mul3A_105] : memref<16x2048xf32, #tpu.memory_space<vmem_shared>> -> memref<1x128xf32, #tpu.memory_space<vmem_shared>>
      %dma_wait3A_702 = tpu.memref_squeeze %dma_wait3A_701 : memref<1x128xf32, #tpu.memory_space<vmem_shared>> -> memref<128xf32, #tpu.memory_space<vmem_shared>>
      tpu.wait_dma2 semaphore(%run_scoped3A_688 : memref<!tpu.dma_semaphore, #tpu.memory_space<semaphore_mem>>) src(%dma_wait3A_702 : memref<128xf32, #tpu.memory_space<vmem_shared>>) dst(%dma_wait3A_700 : memref<128xf32, #tpu.memory_space<vmem>>)
      tpu.yield
    }) : () -> ()
    %mul3A_107 = arith.constant 128 : i32
    %mul3A_108 = arith.muli %arg1, %mul3A_107 : i32
    %run_scoped3A_109 = arith.constant 5 : i32
    "tpu.region"() ({
      %run_scoped3A_688 = tpu.sem_alloc : memref<!tpu.dma_semaphore, #tpu.memory_space<semaphore_mem>>
      %dma_start3A = arith.constant 640 : i32
      %dma_start3A_689 = tpu.memref_slice %arg12[%dma_start3A] : memref<2048xf32, #tpu.memory_space<vmem>> -> memref<128xf32, #tpu.memory_space<vmem>>
      %dma_start3A_690 = tpu.memref_slice %arg16[%run_scoped3A_109, %mul3A_108] : memref<16x2048xf32, #tpu.memory_space<vmem_shared>> -> memref<1x128xf32, #tpu.memory_space<vmem_shared>>
      %dma_start3A_691 = tpu.memref_squeeze %dma_start3A_690 : memref<1x128xf32, #tpu.memory_space<vmem_shared>> -> memref<128xf32, #tpu.memory_space<vmem_shared>>
      %dma_start3A_692 = arith.constant 640 : i32
      %dma_start3A_693 = tpu.memref_slice %arg12[%dma_start3A_692] : memref<2048xf32, #tpu.memory_space<vmem>> -> memref<128xf32, #tpu.memory_space<vmem>>
      %dma_start3A_694 = tpu.memref_slice %arg16[%run_scoped3A_109, %mul3A_108] : memref<16x2048xf32, #tpu.memory_space<vmem_shared>> -> memref<1x128xf32, #tpu.memory_space<vmem_shared>>
      %dma_start3A_695 = tpu.memref_squeeze %dma_start3A_694 : memref<1x128xf32, #tpu.memory_space<vmem_shared>> -> memref<128xf32, #tpu.memory_space<vmem_shared>>
      tpu.enqueue_dma source(%dma_start3A_695 : memref<128xf32, #tpu.memory_space<vmem_shared>>) target(%dma_start3A_693 : memref<128xf32, #tpu.memory_space<vmem>>) target_semaphore(%run_scoped3A_688 : memref<!tpu.dma_semaphore, #tpu.memory_space<semaphore_mem>>)
      %dma_wait3A = arith.constant 640 : i32
      %dma_wait3A_696 = tpu.memref_slice %arg12[%dma_wait3A] : memref<2048xf32, #tpu.memory_space<vmem>> -> memref<128xf32, #tpu.memory_space<vmem>>
      %dma_wait3A_697 = tpu.memref_slice %arg16[%run_scoped3A_109, %mul3A_108] : memref<16x2048xf32, #tpu.memory_space<vmem_shared>> -> memref<1x128xf32, #tpu.memory_space<vmem_shared>>
      %dma_wait3A_698 = tpu.memref_squeeze %dma_wait3A_697 : memref<1x128xf32, #tpu.memory_space<vmem_shared>> -> memref<128xf32, #tpu.memory_space<vmem_shared>>
      %dma_wait3A_699 = arith.constant 640 : i32
      %dma_wait3A_700 = tpu.memref_slice %arg12[%dma_wait3A_699] : memref<2048xf32, #tpu.memory_space<vmem>> -> memref<128xf32, #tpu.memory_space<vmem>>
      %dma_wait3A_701 = tpu.memref_slice %arg16[%run_scoped3A_109, %mul3A_108] : memref<16x2048xf32, #tpu.memory_space<vmem_shared>> -> memref<1x128xf32, #tpu.memory_space<vmem_shared>>
      %dma_wait3A_702 = tpu.memref_squeeze %dma_wait3A_701 : memref<1x128xf32, #tpu.memory_space<vmem_shared>> -> memref<128xf32, #tpu.memory_space<vmem_shared>>
      tpu.wait_dma2 semaphore(%run_scoped3A_688 : memref<!tpu.dma_semaphore, #tpu.memory_space<semaphore_mem>>) src(%dma_wait3A_702 : memref<128xf32, #tpu.memory_space<vmem_shared>>) dst(%dma_wait3A_700 : memref<128xf32, #tpu.memory_space<vmem>>)
      tpu.yield
    }) : () -> ()
    %mul3A_110 = arith.constant 128 : i32
    %mul3A_111 = arith.muli %arg1, %mul3A_110 : i32
    %run_scoped3A_112 = arith.constant 6 : i32
    "tpu.region"() ({
      %run_scoped3A_688 = tpu.sem_alloc : memref<!tpu.dma_semaphore, #tpu.memory_space<semaphore_mem>>
      %dma_start3A = arith.constant 768 : i32
      %dma_start3A_689 = tpu.memref_slice %arg12[%dma_start3A] : memref<2048xf32, #tpu.memory_space<vmem>> -> memref<128xf32, #tpu.memory_space<vmem>>
      %dma_start3A_690 = tpu.memref_slice %arg16[%run_scoped3A_112, %mul3A_111] : memref<16x2048xf32, #tpu.memory_space<vmem_shared>> -> memref<1x128xf32, #tpu.memory_space<vmem_shared>>
      %dma_start3A_691 = tpu.memref_squeeze %dma_start3A_690 : memref<1x128xf32, #tpu.memory_space<vmem_shared>> -> memref<128xf32, #tpu.memory_space<vmem_shared>>
      %dma_start3A_692 = arith.constant 768 : i32
      %dma_start3A_693 = tpu.memref_slice %arg12[%dma_start3A_692] : memref<2048xf32, #tpu.memory_space<vmem>> -> memref<128xf32, #tpu.memory_space<vmem>>
      %dma_start3A_694 = tpu.memref_slice %arg16[%run_scoped3A_112, %mul3A_111] : memref<16x2048xf32, #tpu.memory_space<vmem_shared>> -> memref<1x128xf32, #tpu.memory_space<vmem_shared>>
      %dma_start3A_695 = tpu.memref_squeeze %dma_start3A_694 : memref<1x128xf32, #tpu.memory_space<vmem_shared>> -> memref<128xf32, #tpu.memory_space<vmem_shared>>
      tpu.enqueue_dma source(%dma_start3A_695 : memref<128xf32, #tpu.memory_space<vmem_shared>>) target(%dma_start3A_693 : memref<128xf32, #tpu.memory_space<vmem>>) target_semaphore(%run_scoped3A_688 : memref<!tpu.dma_semaphore, #tpu.memory_space<semaphore_mem>>)
      %dma_wait3A = arith.constant 768 : i32
      %dma_wait3A_696 = tpu.memref_slice %arg12[%dma_wait3A] : memref<2048xf32, #tpu.memory_space<vmem>> -> memref<128xf32, #tpu.memory_space<vmem>>
      %dma_wait3A_697 = tpu.memref_slice %arg16[%run_scoped3A_112, %mul3A_111] : memref<16x2048xf32, #tpu.memory_space<vmem_shared>> -> memref<1x128xf32, #tpu.memory_space<vmem_shared>>
      %dma_wait3A_698 = tpu.memref_squeeze %dma_wait3A_697 : memref<1x128xf32, #tpu.memory_space<vmem_shared>> -> memref<128xf32, #tpu.memory_space<vmem_shared>>
      %dma_wait3A_699 = arith.constant 768 : i32
      %dma_wait3A_700 = tpu.memref_slice %arg12[%dma_wait3A_699] : memref<2048xf32, #tpu.memory_space<vmem>> -> memref<128xf32, #tpu.memory_space<vmem>>
      %dma_wait3A_701 = tpu.memref_slice %arg16[%run_scoped3A_112, %mul3A_111] : memref<16x2048xf32, #tpu.memory_space<vmem_shared>> -> memref<1x128xf32, #tpu.memory_space<vmem_shared>>
      %dma_wait3A_702 = tpu.memref_squeeze %dma_wait3A_701 : memref<1x128xf32, #tpu.memory_space<vmem_shared>> -> memref<128xf32, #tpu.memory_space<vmem_shared>>
      tpu.wait_dma2 semaphore(%run_scoped3A_688 : memref<!tpu.dma_semaphore, #tpu.memory_space<semaphore_mem>>) src(%dma_wait3A_702 : memref<128xf32, #tpu.memory_space<vmem_shared>>) dst(%dma_wait3A_700 : memref<128xf32, #tpu.memory_space<vmem>>)
      tpu.yield
    }) : () -> ()
    %mul3A_113 = arith.constant 128 : i32
    %mul3A_114 = arith.muli %arg1, %mul3A_113 : i32
    %run_scoped3A_115 = arith.constant 7 : i32
    "tpu.region"() ({
      %run_scoped3A_688 = tpu.sem_alloc : memref<!tpu.dma_semaphore, #tpu.memory_space<semaphore_mem>>
      %dma_start3A = arith.constant 896 : i32
      %dma_start3A_689 = tpu.memref_slice %arg12[%dma_start3A] : memref<2048xf32, #tpu.memory_space<vmem>> -> memref<128xf32, #tpu.memory_space<vmem>>
      %dma_start3A_690 = tpu.memref_slice %arg16[%run_scoped3A_115, %mul3A_114] : memref<16x2048xf32, #tpu.memory_space<vmem_shared>> -> memref<1x128xf32, #tpu.memory_space<vmem_shared>>
      %dma_start3A_691 = tpu.memref_squeeze %dma_start3A_690 : memref<1x128xf32, #tpu.memory_space<vmem_shared>> -> memref<128xf32, #tpu.memory_space<vmem_shared>>
      %dma_start3A_692 = arith.constant 896 : i32
      %dma_start3A_693 = tpu.memref_slice %arg12[%dma_start3A_692] : memref<2048xf32, #tpu.memory_space<vmem>> -> memref<128xf32, #tpu.memory_space<vmem>>
      %dma_start3A_694 = tpu.memref_slice %arg16[%run_scoped3A_115, %mul3A_114] : memref<16x2048xf32, #tpu.memory_space<vmem_shared>> -> memref<1x128xf32, #tpu.memory_space<vmem_shared>>
      %dma_start3A_695 = tpu.memref_squeeze %dma_start3A_694 : memref<1x128xf32, #tpu.memory_space<vmem_shared>> -> memref<128xf32, #tpu.memory_space<vmem_shared>>
      tpu.enqueue_dma source(%dma_start3A_695 : memref<128xf32, #tpu.memory_space<vmem_shared>>) target(%dma_start3A_693 : memref<128xf32, #tpu.memory_space<vmem>>) target_semaphore(%run_scoped3A_688 : memref<!tpu.dma_semaphore, #tpu.memory_space<semaphore_mem>>)
      %dma_wait3A = arith.constant 896 : i32
      %dma_wait3A_696 = tpu.memref_slice %arg12[%dma_wait3A] : memref<2048xf32, #tpu.memory_space<vmem>> -> memref<128xf32, #tpu.memory_space<vmem>>
      %dma_wait3A_697 = tpu.memref_slice %arg16[%run_scoped3A_115, %mul3A_114] : memref<16x2048xf32, #tpu.memory_space<vmem_shared>> -> memref<1x128xf32, #tpu.memory_space<vmem_shared>>
      %dma_wait3A_698 = tpu.memref_squeeze %dma_wait3A_697 : memref<1x128xf32, #tpu.memory_space<vmem_shared>> -> memref<128xf32, #tpu.memory_space<vmem_shared>>
      %dma_wait3A_699 = arith.constant 896 : i32
      %dma_wait3A_700 = tpu.memref_slice %arg12[%dma_wait3A_699] : memref<2048xf32, #tpu.memory_space<vmem>> -> memref<128xf32, #tpu.memory_space<vmem>>
      %dma_wait3A_701 = tpu.memref_slice %arg16[%run_scoped3A_115, %mul3A_114] : memref<16x2048xf32, #tpu.memory_space<vmem_shared>> -> memref<1x128xf32, #tpu.memory_space<vmem_shared>>
      %dma_wait3A_702 = tpu.memref_squeeze %dma_wait3A_701 : memref<1x128xf32, #tpu.memory_space<vmem_shared>> -> memref<128xf32, #tpu.memory_space<vmem_shared>>
      tpu.wait_dma2 semaphore(%run_scoped3A_688 : memref<!tpu.dma_semaphore, #tpu.memory_space<semaphore_mem>>) src(%dma_wait3A_702 : memref<128xf32, #tpu.memory_space<vmem_shared>>) dst(%dma_wait3A_700 : memref<128xf32, #tpu.memory_space<vmem>>)
      tpu.yield
    }) : () -> ()
    %mul3A_116 = arith.constant 128 : i32
    %mul3A_117 = arith.muli %arg1, %mul3A_116 : i32
    %run_scoped3A_118 = arith.constant 8 : i32
    "tpu.region"() ({
      %run_scoped3A_688 = tpu.sem_alloc : memref<!tpu.dma_semaphore, #tpu.memory_space<semaphore_mem>>
      %dma_start3A = arith.constant 1024 : i32
      %dma_start3A_689 = tpu.memref_slice %arg12[%dma_start3A] : memref<2048xf32, #tpu.memory_space<vmem>> -> memref<128xf32, #tpu.memory_space<vmem>>
      %dma_start3A_690 = tpu.memref_slice %arg16[%run_scoped3A_118, %mul3A_117] : memref<16x2048xf32, #tpu.memory_space<vmem_shared>> -> memref<1x128xf32, #tpu.memory_space<vmem_shared>>
      %dma_start3A_691 = tpu.memref_squeeze %dma_start3A_690 : memref<1x128xf32, #tpu.memory_space<vmem_shared>> -> memref<128xf32, #tpu.memory_space<vmem_shared>>
      %dma_start3A_692 = arith.constant 1024 : i32
      %dma_start3A_693 = tpu.memref_slice %arg12[%dma_start3A_692] : memref<2048xf32, #tpu.memory_space<vmem>> -> memref<128xf32, #tpu.memory_space<vmem>>
      %dma_start3A_694 = tpu.memref_slice %arg16[%run_scoped3A_118, %mul3A_117] : memref<16x2048xf32, #tpu.memory_space<vmem_shared>> -> memref<1x128xf32, #tpu.memory_space<vmem_shared>>
      %dma_start3A_695 = tpu.memref_squeeze %dma_start3A_694 : memref<1x128xf32, #tpu.memory_space<vmem_shared>> -> memref<128xf32, #tpu.memory_space<vmem_shared>>
      tpu.enqueue_dma source(%dma_start3A_695 : memref<128xf32, #tpu.memory_space<vmem_shared>>) target(%dma_start3A_693 : memref<128xf32, #tpu.memory_space<vmem>>) target_semaphore(%run_scoped3A_688 : memref<!tpu.dma_semaphore, #tpu.memory_space<semaphore_mem>>)
      %dma_wait3A = arith.constant 1024 : i32
      %dma_wait3A_696 = tpu.memref_slice %arg12[%dma_wait3A] : memref<2048xf32, #tpu.memory_space<vmem>> -> memref<128xf32, #tpu.memory_space<vmem>>
      %dma_wait3A_697 = tpu.memref_slice %arg16[%run_scoped3A_118, %mul3A_117] : memref<16x2048xf32, #tpu.memory_space<vmem_shared>> -> memref<1x128xf32, #tpu.memory_space<vmem_shared>>
      %dma_wait3A_698 = tpu.memref_squeeze %dma_wait3A_697 : memref<1x128xf32, #tpu.memory_space<vmem_shared>> -> memref<128xf32, #tpu.memory_space<vmem_shared>>
      %dma_wait3A_699 = arith.constant 1024 : i32
      %dma_wait3A_700 = tpu.memref_slice %arg12[%dma_wait3A_699] : memref<2048xf32, #tpu.memory_space<vmem>> -> memref<128xf32, #tpu.memory_space<vmem>>
      %dma_wait3A_701 = tpu.memref_slice %arg16[%run_scoped3A_118, %mul3A_117] : memref<16x2048xf32, #tpu.memory_space<vmem_shared>> -> memref<1x128xf32, #tpu.memory_space<vmem_shared>>
      %dma_wait3A_702 = tpu.memref_squeeze %dma_wait3A_701 : memref<1x128xf32, #tpu.memory_space<vmem_shared>> -> memref<128xf32, #tpu.memory_space<vmem_shared>>
      tpu.wait_dma2 semaphore(%run_scoped3A_688 : memref<!tpu.dma_semaphore, #tpu.memory_space<semaphore_mem>>) src(%dma_wait3A_702 : memref<128xf32, #tpu.memory_space<vmem_shared>>) dst(%dma_wait3A_700 : memref<128xf32, #tpu.memory_space<vmem>>)
      tpu.yield
    }) : () -> ()
    %mul3A_119 = arith.constant 128 : i32
    %mul3A_120 = arith.muli %arg1, %mul3A_119 : i32
    %run_scoped3A_121 = arith.constant 9 : i32
    "tpu.region"() ({
      %run_scoped3A_688 = tpu.sem_alloc : memref<!tpu.dma_semaphore, #tpu.memory_space<semaphore_mem>>
      %dma_start3A = arith.constant 1152 : i32
      %dma_start3A_689 = tpu.memref_slice %arg12[%dma_start3A] : memref<2048xf32, #tpu.memory_space<vmem>> -> memref<128xf32, #tpu.memory_space<vmem>>
      %dma_start3A_690 = tpu.memref_slice %arg16[%run_scoped3A_121, %mul3A_120] : memref<16x2048xf32, #tpu.memory_space<vmem_shared>> -> memref<1x128xf32, #tpu.memory_space<vmem_shared>>
      %dma_start3A_691 = tpu.memref_squeeze %dma_start3A_690 : memref<1x128xf32, #tpu.memory_space<vmem_shared>> -> memref<128xf32, #tpu.memory_space<vmem_shared>>
      %dma_start3A_692 = arith.constant 1152 : i32
      %dma_start3A_693 = tpu.memref_slice %arg12[%dma_start3A_692] : memref<2048xf32, #tpu.memory_space<vmem>> -> memref<128xf32, #tpu.memory_space<vmem>>
      %dma_start3A_694 = tpu.memref_slice %arg16[%run_scoped3A_121, %mul3A_120] : memref<16x2048xf32, #tpu.memory_space<vmem_shared>> -> memref<1x128xf32, #tpu.memory_space<vmem_shared>>
      %dma_start3A_695 = tpu.memref_squeeze %dma_start3A_694 : memref<1x128xf32, #tpu.memory_space<vmem_shared>> -> memref<128xf32, #tpu.memory_space<vmem_shared>>
      tpu.enqueue_dma source(%dma_start3A_695 : memref<128xf32, #tpu.memory_space<vmem_shared>>) target(%dma_start3A_693 : memref<128xf32, #tpu.memory_space<vmem>>) target_semaphore(%run_scoped3A_688 : memref<!tpu.dma_semaphore, #tpu.memory_space<semaphore_mem>>)
      %dma_wait3A = arith.constant 1152 : i32
      %dma_wait3A_696 = tpu.memref_slice %arg12[%dma_wait3A] : memref<2048xf32, #tpu.memory_space<vmem>> -> memref<128xf32, #tpu.memory_space<vmem>>
      %dma_wait3A_697 = tpu.memref_slice %arg16[%run_scoped3A_121, %mul3A_120] : memref<16x2048xf32, #tpu.memory_space<vmem_shared>> -> memref<1x128xf32, #tpu.memory_space<vmem_shared>>
      %dma_wait3A_698 = tpu.memref_squeeze %dma_wait3A_697 : memref<1x128xf32, #tpu.memory_space<vmem_shared>> -> memref<128xf32, #tpu.memory_space<vmem_shared>>
      %dma_wait3A_699 = arith.constant 1152 : i32
      %dma_wait3A_700 = tpu.memref_slice %arg12[%dma_wait3A_699] : memref<2048xf32, #tpu.memory_space<vmem>> -> memref<128xf32, #tpu.memory_space<vmem>>
      %dma_wait3A_701 = tpu.memref_slice %arg16[%run_scoped3A_121, %mul3A_120] : memref<16x2048xf32, #tpu.memory_space<vmem_shared>> -> memref<1x128xf32, #tpu.memory_space<vmem_shared>>
      %dma_wait3A_702 = tpu.memref_squeeze %dma_wait3A_701 : memref<1x128xf32, #tpu.memory_space<vmem_shared>> -> memref<128xf32, #tpu.memory_space<vmem_shared>>
      tpu.wait_dma2 semaphore(%run_scoped3A_688 : memref<!tpu.dma_semaphore, #tpu.memory_space<semaphore_mem>>) src(%dma_wait3A_702 : memref<128xf32, #tpu.memory_space<vmem_shared>>) dst(%dma_wait3A_700 : memref<128xf32, #tpu.memory_space<vmem>>)
      tpu.yield
    }) : () -> ()
    %mul3A_122 = arith.constant 128 : i32
    %mul3A_123 = arith.muli %arg1, %mul3A_122 : i32
    %run_scoped3A_124 = arith.constant 10 : i32
    "tpu.region"() ({
      %run_scoped3A_688 = tpu.sem_alloc : memref<!tpu.dma_semaphore, #tpu.memory_space<semaphore_mem>>
      %dma_start3A = arith.constant 1280 : i32
      %dma_start3A_689 = tpu.memref_slice %arg12[%dma_start3A] : memref<2048xf32, #tpu.memory_space<vmem>> -> memref<128xf32, #tpu.memory_space<vmem>>
      %dma_start3A_690 = tpu.memref_slice %arg16[%run_scoped3A_124, %mul3A_123] : memref<16x2048xf32, #tpu.memory_space<vmem_shared>> -> memref<1x128xf32, #tpu.memory_space<vmem_shared>>
      %dma_start3A_691 = tpu.memref_squeeze %dma_start3A_690 : memref<1x128xf32, #tpu.memory_space<vmem_shared>> -> memref<128xf32, #tpu.memory_space<vmem_shared>>
      %dma_start3A_692 = arith.constant 1280 : i32
      %dma_start3A_693 = tpu.memref_slice %arg12[%dma_start3A_692] : memref<2048xf32, #tpu.memory_space<vmem>> -> memref<128xf32, #tpu.memory_space<vmem>>
      %dma_start3A_694 = tpu.memref_slice %arg16[%run_scoped3A_124, %mul3A_123] : memref<16x2048xf32, #tpu.memory_space<vmem_shared>> -> memref<1x128xf32, #tpu.memory_space<vmem_shared>>
      %dma_start3A_695 = tpu.memref_squeeze %dma_start3A_694 : memref<1x128xf32, #tpu.memory_space<vmem_shared>> -> memref<128xf32, #tpu.memory_space<vmem_shared>>
      tpu.enqueue_dma source(%dma_start3A_695 : memref<128xf32, #tpu.memory_space<vmem_shared>>) target(%dma_start3A_693 : memref<128xf32, #tpu.memory_space<vmem>>) target_semaphore(%run_scoped3A_688 : memref<!tpu.dma_semaphore, #tpu.memory_space<semaphore_mem>>)
      %dma_wait3A = arith.constant 1280 : i32
      %dma_wait3A_696 = tpu.memref_slice %arg12[%dma_wait3A] : memref<2048xf32, #tpu.memory_space<vmem>> -> memref<128xf32, #tpu.memory_space<vmem>>
      %dma_wait3A_697 = tpu.memref_slice %arg16[%run_scoped3A_124, %mul3A_123] : memref<16x2048xf32, #tpu.memory_space<vmem_shared>> -> memref<1x128xf32, #tpu.memory_space<vmem_shared>>
      %dma_wait3A_698 = tpu.memref_squeeze %dma_wait3A_697 : memref<1x128xf32, #tpu.memory_space<vmem_shared>> -> memref<128xf32, #tpu.memory_space<vmem_shared>>
      %dma_wait3A_699 = arith.constant 1280 : i32
      %dma_wait3A_700 = tpu.memref_slice %arg12[%dma_wait3A_699] : memref<2048xf32, #tpu.memory_space<vmem>> -> memref<128xf32, #tpu.memory_space<vmem>>
      %dma_wait3A_701 = tpu.memref_slice %arg16[%run_scoped3A_124, %mul3A_123] : memref<16x2048xf32, #tpu.memory_space<vmem_shared>> -> memref<1x128xf32, #tpu.memory_space<vmem_shared>>
      %dma_wait3A_702 = tpu.memref_squeeze %dma_wait3A_701 : memref<1x128xf32, #tpu.memory_space<vmem_shared>> -> memref<128xf32, #tpu.memory_space<vmem_shared>>
      tpu.wait_dma2 semaphore(%run_scoped3A_688 : memref<!tpu.dma_semaphore, #tpu.memory_space<semaphore_mem>>) src(%dma_wait3A_702 : memref<128xf32, #tpu.memory_space<vmem_shared>>) dst(%dma_wait3A_700 : memref<128xf32, #tpu.memory_space<vmem>>)
      tpu.yield
    }) : () -> ()
    %mul3A_125 = arith.constant 128 : i32
    %mul3A_126 = arith.muli %arg1, %mul3A_125 : i32
    %run_scoped3A_127 = arith.constant 11 : i32
    "tpu.region"() ({
      %run_scoped3A_688 = tpu.sem_alloc : memref<!tpu.dma_semaphore, #tpu.memory_space<semaphore_mem>>
      %dma_start3A = arith.constant 1408 : i32
      %dma_start3A_689 = tpu.memref_slice %arg12[%dma_start3A] : memref<2048xf32, #tpu.memory_space<vmem>> -> memref<128xf32, #tpu.memory_space<vmem>>
      %dma_start3A_690 = tpu.memref_slice %arg16[%run_scoped3A_127, %mul3A_126] : memref<16x2048xf32, #tpu.memory_space<vmem_shared>> -> memref<1x128xf32, #tpu.memory_space<vmem_shared>>
      %dma_start3A_691 = tpu.memref_squeeze %dma_start3A_690 : memref<1x128xf32, #tpu.memory_space<vmem_shared>> -> memref<128xf32, #tpu.memory_space<vmem_shared>>
      %dma_start3A_692 = arith.constant 1408 : i32
      %dma_start3A_693 = tpu.memref_slice %arg12[%dma_start3A_692] : memref<2048xf32, #tpu.memory_space<vmem>> -> memref<128xf32, #tpu.memory_space<vmem>>
      %dma_start3A_694 = tpu.memref_slice %arg16[%run_scoped3A_127, %mul3A_126] : memref<16x2048xf32, #tpu.memory_space<vmem_shared>> -> memref<1x128xf32, #tpu.memory_space<vmem_shared>>
      %dma_start3A_695 = tpu.memref_squeeze %dma_start3A_694 : memref<1x128xf32, #tpu.memory_space<vmem_shared>> -> memref<128xf32, #tpu.memory_space<vmem_shared>>
      tpu.enqueue_dma source(%dma_start3A_695 : memref<128xf32, #tpu.memory_space<vmem_shared>>) target(%dma_start3A_693 : memref<128xf32, #tpu.memory_space<vmem>>) target_semaphore(%run_scoped3A_688 : memref<!tpu.dma_semaphore, #tpu.memory_space<semaphore_mem>>)
      %dma_wait3A = arith.constant 1408 : i32
      %dma_wait3A_696 = tpu.memref_slice %arg12[%dma_wait3A] : memref<2048xf32, #tpu.memory_space<vmem>> -> memref<128xf32, #tpu.memory_space<vmem>>
      %dma_wait3A_697 = tpu.memref_slice %arg16[%run_scoped3A_127, %mul3A_126] : memref<16x2048xf32, #tpu.memory_space<vmem_shared>> -> memref<1x128xf32, #tpu.memory_space<vmem_shared>>
      %dma_wait3A_698 = tpu.memref_squeeze %dma_wait3A_697 : memref<1x128xf32, #tpu.memory_space<vmem_shared>> -> memref<128xf32, #tpu.memory_space<vmem_shared>>
      %dma_wait3A_699 = arith.constant 1408 : i32
      %dma_wait3A_700 = tpu.memref_slice %arg12[%dma_wait3A_699] : memref<2048xf32, #tpu.memory_space<vmem>> -> memref<128xf32, #tpu.memory_space<vmem>>
      %dma_wait3A_701 = tpu.memref_slice %arg16[%run_scoped3A_127, %mul3A_126] : memref<16x2048xf32, #tpu.memory_space<vmem_shared>> -> memref<1x128xf32, #tpu.memory_space<vmem_shared>>
      %dma_wait3A_702 = tpu.memref_squeeze %dma_wait3A_701 : memref<1x128xf32, #tpu.memory_space<vmem_shared>> -> memref<128xf32, #tpu.memory_space<vmem_shared>>
      tpu.wait_dma2 semaphore(%run_scoped3A_688 : memref<!tpu.dma_semaphore, #tpu.memory_space<semaphore_mem>>) src(%dma_wait3A_702 : memref<128xf32, #tpu.memory_space<vmem_shared>>) dst(%dma_wait3A_700 : memref<128xf32, #tpu.memory_space<vmem>>)
      tpu.yield
    }) : () -> ()
    %mul3A_128 = arith.constant 128 : i32
    %mul3A_129 = arith.muli %arg1, %mul3A_128 : i32
    %run_scoped3A_130 = arith.constant 12 : i32
    "tpu.region"() ({
      %run_scoped3A_688 = tpu.sem_alloc : memref<!tpu.dma_semaphore, #tpu.memory_space<semaphore_mem>>
      %dma_start3A = arith.constant 1536 : i32
      %dma_start3A_689 = tpu.memref_slice %arg12[%dma_start3A] : memref<2048xf32, #tpu.memory_space<vmem>> -> memref<128xf32, #tpu.memory_space<vmem>>
      %dma_start3A_690 = tpu.memref_slice %arg16[%run_scoped3A_130, %mul3A_129] : memref<16x2048xf32, #tpu.memory_space<vmem_shared>> -> memref<1x128xf32, #tpu.memory_space<vmem_shared>>
      %dma_start3A_691 = tpu.memref_squeeze %dma_start3A_690 : memref<1x128xf32, #tpu.memory_space<vmem_shared>> -> memref<128xf32, #tpu.memory_space<vmem_shared>>
      %dma_start3A_692 = arith.constant 1536 : i32
      %dma_start3A_693 = tpu.memref_slice %arg12[%dma_start3A_692] : memref<2048xf32, #tpu.memory_space<vmem>> -> memref<128xf32, #tpu.memory_space<vmem>>
      %dma_start3A_694 = tpu.memref_slice %arg16[%run_scoped3A_130, %mul3A_129] : memref<16x2048xf32, #tpu.memory_space<vmem_shared>> -> memref<1x128xf32, #tpu.memory_space<vmem_shared>>
      %dma_start3A_695 = tpu.memref_squeeze %dma_start3A_694 : memref<1x128xf32, #tpu.memory_space<vmem_shared>> -> memref<128xf32, #tpu.memory_space<vmem_shared>>
      tpu.enqueue_dma source(%dma_start3A_695 : memref<128xf32, #tpu.memory_space<vmem_shared>>) target(%dma_start3A_693 : memref<128xf32, #tpu.memory_space<vmem>>) target_semaphore(%run_scoped3A_688 : memref<!tpu.dma_semaphore, #tpu.memory_space<semaphore_mem>>)
      %dma_wait3A = arith.constant 1536 : i32
      %dma_wait3A_696 = tpu.memref_slice %arg12[%dma_wait3A] : memref<2048xf32, #tpu.memory_space<vmem>> -> memref<128xf32, #tpu.memory_space<vmem>>
      %dma_wait3A_697 = tpu.memref_slice %arg16[%run_scoped3A_130, %mul3A_129] : memref<16x2048xf32, #tpu.memory_space<vmem_shared>> -> memref<1x128xf32, #tpu.memory_space<vmem_shared>>
      %dma_wait3A_698 = tpu.memref_squeeze %dma_wait3A_697 : memref<1x128xf32, #tpu.memory_space<vmem_shared>> -> memref<128xf32, #tpu.memory_space<vmem_shared>>
      %dma_wait3A_699 = arith.constant 1536 : i32
      %dma_wait3A_700 = tpu.memref_slice %arg12[%dma_wait3A_699] : memref<2048xf32, #tpu.memory_space<vmem>> -> memref<128xf32, #tpu.memory_space<vmem>>
      %dma_wait3A_701 = tpu.memref_slice %arg16[%run_scoped3A_130, %mul3A_129] : memref<16x2048xf32, #tpu.memory_space<vmem_shared>> -> memref<1x128xf32, #tpu.memory_space<vmem_shared>>
      %dma_wait3A_702 = tpu.memref_squeeze %dma_wait3A_701 : memref<1x128xf32, #tpu.memory_space<vmem_shared>> -> memref<128xf32, #tpu.memory_space<vmem_shared>>
      tpu.wait_dma2 semaphore(%run_scoped3A_688 : memref<!tpu.dma_semaphore, #tpu.memory_space<semaphore_mem>>) src(%dma_wait3A_702 : memref<128xf32, #tpu.memory_space<vmem_shared>>) dst(%dma_wait3A_700 : memref<128xf32, #tpu.memory_space<vmem>>)
      tpu.yield
    }) : () -> ()
    %mul3A_131 = arith.constant 128 : i32
    %mul3A_132 = arith.muli %arg1, %mul3A_131 : i32
    %run_scoped3A_133 = arith.constant 13 : i32
    "tpu.region"() ({
      %run_scoped3A_688 = tpu.sem_alloc : memref<!tpu.dma_semaphore, #tpu.memory_space<semaphore_mem>>
      %dma_start3A = arith.constant 1664 : i32
      %dma_start3A_689 = tpu.memref_slice %arg12[%dma_start3A] : memref<2048xf32, #tpu.memory_space<vmem>> -> memref<128xf32, #tpu.memory_space<vmem>>
      %dma_start3A_690 = tpu.memref_slice %arg16[%run_scoped3A_133, %mul3A_132] : memref<16x2048xf32, #tpu.memory_space<vmem_shared>> -> memref<1x128xf32, #tpu.memory_space<vmem_shared>>
      %dma_start3A_691 = tpu.memref_squeeze %dma_start3A_690 : memref<1x128xf32, #tpu.memory_space<vmem_shared>> -> memref<128xf32, #tpu.memory_space<vmem_shared>>
      %dma_start3A_692 = arith.constant 1664 : i32
      %dma_start3A_693 = tpu.memref_slice %arg12[%dma_start3A_692] : memref<2048xf32, #tpu.memory_space<vmem>> -> memref<128xf32, #tpu.memory_space<vmem>>
      %dma_start3A_694 = tpu.memref_slice %arg16[%run_scoped3A_133, %mul3A_132] : memref<16x2048xf32, #tpu.memory_space<vmem_shared>> -> memref<1x128xf32, #tpu.memory_space<vmem_shared>>
      %dma_start3A_695 = tpu.memref_squeeze %dma_start3A_694 : memref<1x128xf32, #tpu.memory_space<vmem_shared>> -> memref<128xf32, #tpu.memory_space<vmem_shared>>
      tpu.enqueue_dma source(%dma_start3A_695 : memref<128xf32, #tpu.memory_space<vmem_shared>>) target(%dma_start3A_693 : memref<128xf32, #tpu.memory_space<vmem>>) target_semaphore(%run_scoped3A_688 : memref<!tpu.dma_semaphore, #tpu.memory_space<semaphore_mem>>)
      %dma_wait3A = arith.constant 1664 : i32
      %dma_wait3A_696 = tpu.memref_slice %arg12[%dma_wait3A] : memref<2048xf32, #tpu.memory_space<vmem>> -> memref<128xf32, #tpu.memory_space<vmem>>
      %dma_wait3A_697 = tpu.memref_slice %arg16[%run_scoped3A_133, %mul3A_132] : memref<16x2048xf32, #tpu.memory_space<vmem_shared>> -> memref<1x128xf32, #tpu.memory_space<vmem_shared>>
      %dma_wait3A_698 = tpu.memref_squeeze %dma_wait3A_697 : memref<1x128xf32, #tpu.memory_space<vmem_shared>> -> memref<128xf32, #tpu.memory_space<vmem_shared>>
      %dma_wait3A_699 = arith.constant 1664 : i32
      %dma_wait3A_700 = tpu.memref_slice %arg12[%dma_wait3A_699] : memref<2048xf32, #tpu.memory_space<vmem>> -> memref<128xf32, #tpu.memory_space<vmem>>
      %dma_wait3A_701 = tpu.memref_slice %arg16[%run_scoped3A_133, %mul3A_132] : memref<16x2048xf32, #tpu.memory_space<vmem_shared>> -> memref<1x128xf32, #tpu.memory_space<vmem_shared>>
      %dma_wait3A_702 = tpu.memref_squeeze %dma_wait3A_701 : memref<1x128xf32, #tpu.memory_space<vmem_shared>> -> memref<128xf32, #tpu.memory_space<vmem_shared>>
      tpu.wait_dma2 semaphore(%run_scoped3A_688 : memref<!tpu.dma_semaphore, #tpu.memory_space<semaphore_mem>>) src(%dma_wait3A_702 : memref<128xf32, #tpu.memory_space<vmem_shared>>) dst(%dma_wait3A_700 : memref<128xf32, #tpu.memory_space<vmem>>)
      tpu.yield
    }) : () -> ()
    %mul3A_134 = arith.constant 128 : i32
    %mul3A_135 = arith.muli %arg1, %mul3A_134 : i32
    %run_scoped3A_136 = arith.constant 14 : i32
    "tpu.region"() ({
      %run_scoped3A_688 = tpu.sem_alloc : memref<!tpu.dma_semaphore, #tpu.memory_space<semaphore_mem>>
      %dma_start3A = arith.constant 1792 : i32
      %dma_start3A_689 = tpu.memref_slice %arg12[%dma_start3A] : memref<2048xf32, #tpu.memory_space<vmem>> -> memref<128xf32, #tpu.memory_space<vmem>>
      %dma_start3A_690 = tpu.memref_slice %arg16[%run_scoped3A_136, %mul3A_135] : memref<16x2048xf32, #tpu.memory_space<vmem_shared>> -> memref<1x128xf32, #tpu.memory_space<vmem_shared>>
      %dma_start3A_691 = tpu.memref_squeeze %dma_start3A_690 : memref<1x128xf32, #tpu.memory_space<vmem_shared>> -> memref<128xf32, #tpu.memory_space<vmem_shared>>
      %dma_start3A_692 = arith.constant 1792 : i32
      %dma_start3A_693 = tpu.memref_slice %arg12[%dma_start3A_692] : memref<2048xf32, #tpu.memory_space<vmem>> -> memref<128xf32, #tpu.memory_space<vmem>>
      %dma_start3A_694 = tpu.memref_slice %arg16[%run_scoped3A_136, %mul3A_135] : memref<16x2048xf32, #tpu.memory_space<vmem_shared>> -> memref<1x128xf32, #tpu.memory_space<vmem_shared>>
      %dma_start3A_695 = tpu.memref_squeeze %dma_start3A_694 : memref<1x128xf32, #tpu.memory_space<vmem_shared>> -> memref<128xf32, #tpu.memory_space<vmem_shared>>
      tpu.enqueue_dma source(%dma_start3A_695 : memref<128xf32, #tpu.memory_space<vmem_shared>>) target(%dma_start3A_693 : memref<128xf32, #tpu.memory_space<vmem>>) target_semaphore(%run_scoped3A_688 : memref<!tpu.dma_semaphore, #tpu.memory_space<semaphore_mem>>)
      %dma_wait3A = arith.constant 1792 : i32
      %dma_wait3A_696 = tpu.memref_slice %arg12[%dma_wait3A] : memref<2048xf32, #tpu.memory_space<vmem>> -> memref<128xf32, #tpu.memory_space<vmem>>
      %dma_wait3A_697 = tpu.memref_slice %arg16[%run_scoped3A_136, %mul3A_135] : memref<16x2048xf32, #tpu.memory_space<vmem_shared>> -> memref<1x128xf32, #tpu.memory_space<vmem_shared>>
      %dma_wait3A_698 = tpu.memref_squeeze %dma_wait3A_697 : memref<1x128xf32, #tpu.memory_space<vmem_shared>> -> memref<128xf32, #tpu.memory_space<vmem_shared>>
      %dma_wait3A_699 = arith.constant 1792 : i32
      %dma_wait3A_700 = tpu.memref_slice %arg12[%dma_wait3A_699] : memref<2048xf32, #tpu.memory_space<vmem>> -> memref<128xf32, #tpu.memory_space<vmem>>
      %dma_wait3A_701 = tpu.memref_slice %arg16[%run_scoped3A_136, %mul3A_135] : memref<16x2048xf32, #tpu.memory_space<vmem_shared>> -> memref<1x128xf32, #tpu.memory_space<vmem_shared>>
      %dma_wait3A_702 = tpu.memref_squeeze %dma_wait3A_701 : memref<1x128xf32, #tpu.memory_space<vmem_shared>> -> memref<128xf32, #tpu.memory_space<vmem_shared>>
      tpu.wait_dma2 semaphore(%run_scoped3A_688 : memref<!tpu.dma_semaphore, #tpu.memory_space<semaphore_mem>>) src(%dma_wait3A_702 : memref<128xf32, #tpu.memory_space<vmem_shared>>) dst(%dma_wait3A_700 : memref<128xf32, #tpu.memory_space<vmem>>)
      tpu.yield
    }) : () -> ()
    %mul3A_137 = arith.constant 128 : i32
    %mul3A_138 = arith.muli %arg1, %mul3A_137 : i32
    %run_scoped3A_139 = arith.constant 15 : i32
    "tpu.region"() ({
      %run_scoped3A_688 = tpu.sem_alloc : memref<!tpu.dma_semaphore, #tpu.memory_space<semaphore_mem>>
      %dma_start3A = arith.constant 1920 : i32
      %dma_start3A_689 = tpu.memref_slice %arg12[%dma_start3A] : memref<2048xf32, #tpu.memory_space<vmem>> -> memref<128xf32, #tpu.memory_space<vmem>>
      %dma_start3A_690 = tpu.memref_slice %arg16[%run_scoped3A_139, %mul3A_138] : memref<16x2048xf32, #tpu.memory_space<vmem_shared>> -> memref<1x128xf32, #tpu.memory_space<vmem_shared>>
      %dma_start3A_691 = tpu.memref_squeeze %dma_start3A_690 : memref<1x128xf32, #tpu.memory_space<vmem_shared>> -> memref<128xf32, #tpu.memory_space<vmem_shared>>
      %dma_start3A_692 = arith.constant 1920 : i32
      %dma_start3A_693 = tpu.memref_slice %arg12[%dma_start3A_692] : memref<2048xf32, #tpu.memory_space<vmem>> -> memref<128xf32, #tpu.memory_space<vmem>>
      %dma_start3A_694 = tpu.memref_slice %arg16[%run_scoped3A_139, %mul3A_138] : memref<16x2048xf32, #tpu.memory_space<vmem_shared>> -> memref<1x128xf32, #tpu.memory_space<vmem_shared>>
      %dma_start3A_695 = tpu.memref_squeeze %dma_start3A_694 : memref<1x128xf32, #tpu.memory_space<vmem_shared>> -> memref<128xf32, #tpu.memory_space<vmem_shared>>
      tpu.enqueue_dma source(%dma_start3A_695 : memref<128xf32, #tpu.memory_space<vmem_shared>>) target(%dma_start3A_693 : memref<128xf32, #tpu.memory_space<vmem>>) target_semaphore(%run_scoped3A_688 : memref<!tpu.dma_semaphore, #tpu.memory_space<semaphore_mem>>)
      %dma_wait3A = arith.constant 1920 : i32
      %dma_wait3A_696 = tpu.memref_slice %arg12[%dma_wait3A] : memref<2048xf32, #tpu.memory_space<vmem>> -> memref<128xf32, #tpu.memory_space<vmem>>
      %dma_wait3A_697 = tpu.memref_slice %arg16[%run_scoped3A_139, %mul3A_138] : memref<16x2048xf32, #tpu.memory_space<vmem_shared>> -> memref<1x128xf32, #tpu.memory_space<vmem_shared>>
      %dma_wait3A_698 = tpu.memref_squeeze %dma_wait3A_697 : memref<1x128xf32, #tpu.memory_space<vmem_shared>> -> memref<128xf32, #tpu.memory_space<vmem_shared>>
      %dma_wait3A_699 = arith.constant 1920 : i32
      %dma_wait3A_700 = tpu.memref_slice %arg12[%dma_wait3A_699] : memref<2048xf32, #tpu.memory_space<vmem>> -> memref<128xf32, #tpu.memory_space<vmem>>
      %dma_wait3A_701 = tpu.memref_slice %arg16[%run_scoped3A_139, %mul3A_138] : memref<16x2048xf32, #tpu.memory_space<vmem_shared>> -> memref<1x128xf32, #tpu.memory_space<vmem_shared>>
      %dma_wait3A_702 = tpu.memref_squeeze %dma_wait3A_701 : memref<1x128xf32, #tpu.memory_space<vmem_shared>> -> memref<128xf32, #tpu.memory_space<vmem_shared>>
      tpu.wait_dma2 semaphore(%run_scoped3A_688 : memref<!tpu.dma_semaphore, #tpu.memory_space<semaphore_mem>>) src(%dma_wait3A_702 : memref<128xf32, #tpu.memory_space<vmem_shared>>) dst(%dma_wait3A_700 : memref<128xf32, #tpu.memory_space<vmem>>)
      tpu.yield
    }) : () -> ()
    %broadcast_in_dim3A_140 = arith.constant 0.000000e+00 : f32
    %broadcast_in_dim3A_141 = vector.broadcast %broadcast_in_dim3A_140 : f32 to vector<16xf32>
    %get3A = arith.constant 0 : index
    %get3A_142 = tpu.vector_load %arg12[%get3A] {strides = array<i32>} : memref<2048xf32, #tpu.memory_space<vmem>>, vector<16xf32>,
    %get3A_143 = vector.shape_cast %get3A_142 : vector<16xf32> to vector<16xf32>
    %get3A_144 = arith.constant 128 : index
    %get3A_145 = tpu.vector_load %arg12[%get3A_144] {strides = array<i32>} : memref<2048xf32, #tpu.memory_space<vmem>>, vector<16xf32>,
    %get3A_146 = vector.shape_cast %get3A_145 : vector<16xf32> to vector<16xf32>
    %min3A = arith.minimumf %get3A_143, %get3A_146 : vector<16xf32>
    %get3A_147 = arith.constant 256 : index
    %get3A_148 = tpu.vector_load %arg12[%get3A_147] {strides = array<i32>} : memref<2048xf32, #tpu.memory_space<vmem>>, vector<16xf32>,
    %get3A_149 = vector.shape_cast %get3A_148 : vector<16xf32> to vector<16xf32>
    %min3A_150 = arith.minimumf %min3A, %get3A_149 : vector<16xf32>
    %get3A_151 = arith.constant 384 : index
    %get3A_152 = tpu.vector_load %arg12[%get3A_151] {strides = array<i32>} : memref<2048xf32, #tpu.memory_space<vmem>>, vector<16xf32>,
    %get3A_153 = vector.shape_cast %get3A_152 : vector<16xf32> to vector<16xf32>
    %min3A_154 = arith.minimumf %min3A_150, %get3A_153 : vector<16xf32>
    %get3A_155 = arith.constant 512 : index
    %get3A_156 = tpu.vector_load %arg12[%get3A_155] {strides = array<i32>} : memref<2048xf32, #tpu.memory_space<vmem>>, vector<16xf32>,
    %get3A_157 = vector.shape_cast %get3A_156 : vector<16xf32> to vector<16xf32>
    %min3A_158 = arith.minimumf %min3A_154, %get3A_157 : vector<16xf32>
    %get3A_159 = arith.constant 640 : index
    %get3A_160 = tpu.vector_load %arg12[%get3A_159] {strides = array<i32>} : memref<2048xf32, #tpu.memory_space<vmem>>, vector<16xf32>,
    %get3A_161 = vector.shape_cast %get3A_160 : vector<16xf32> to vector<16xf32>
    %min3A_162 = arith.minimumf %min3A_158, %get3A_161 : vector<16xf32>
    %get3A_163 = arith.constant 768 : index
    %get3A_164 = tpu.vector_load %arg12[%get3A_163] {strides = array<i32>} : memref<2048xf32, #tpu.memory_space<vmem>>, vector<16xf32>,
    %get3A_165 = vector.shape_cast %get3A_164 : vector<16xf32> to vector<16xf32>
    %min3A_166 = arith.minimumf %min3A_162, %get3A_165 : vector<16xf32>
    %get3A_167 = arith.constant 896 : index
    %get3A_168 = tpu.vector_load %arg12[%get3A_167] {strides = array<i32>} : memref<2048xf32, #tpu.memory_space<vmem>>, vector<16xf32>,
    %get3A_169 = vector.shape_cast %get3A_168 : vector<16xf32> to vector<16xf32>
    %min3A_170 = arith.minimumf %min3A_166, %get3A_169 : vector<16xf32>
    %get3A_171 = arith.constant 1024 : index
    %get3A_172 = tpu.vector_load %arg12[%get3A_171] {strides = array<i32>} : memref<2048xf32, #tpu.memory_space<vmem>>, vector<16xf32>,
    %get3A_173 = vector.shape_cast %get3A_172 : vector<16xf32> to vector<16xf32>
    %min3A_174 = arith.minimumf %min3A_170, %get3A_173 : vector<16xf32>
    %get3A_175 = arith.constant 1152 : index
    %get3A_176 = tpu.vector_load %arg12[%get3A_175] {strides = array<i32>} : memref<2048xf32, #tpu.memory_space<vmem>>, vector<16xf32>,
    %get3A_177 = vector.shape_cast %get3A_176 : vector<16xf32> to vector<16xf32>
    %min3A_178 = arith.minimumf %min3A_174, %get3A_177 : vector<16xf32>
    %get3A_179 = arith.constant 1280 : index
    %get3A_180 = tpu.vector_load %arg12[%get3A_179] {strides = array<i32>} : memref<2048xf32, #tpu.memory_space<vmem>>, vector<16xf32>,
    %get3A_181 = vector.shape_cast %get3A_180 : vector<16xf32> to vector<16xf32>
    %min3A_182 = arith.minimumf %min3A_178, %get3A_181 : vector<16xf32>
    %get3A_183 = arith.constant 1408 : index
    %get3A_184 = tpu.vector_load %arg12[%get3A_183] {strides = array<i32>} : memref<2048xf32, #tpu.memory_space<vmem>>, vector<16xf32>,
    %get3A_185 = vector.shape_cast %get3A_184 : vector<16xf32> to vector<16xf32>
    %min3A_186 = arith.minimumf %min3A_182, %get3A_185 : vector<16xf32>
    %get3A_187 = arith.constant 1536 : index
    %get3A_188 = tpu.vector_load %arg12[%get3A_187] {strides = array<i32>} : memref<2048xf32, #tpu.memory_space<vmem>>, vector<16xf32>,
    %get3A_189 = vector.shape_cast %get3A_188 : vector<16xf32> to vector<16xf32>
    %min3A_190 = arith.minimumf %min3A_186, %get3A_189 : vector<16xf32>
    %get3A_191 = arith.constant 1664 : index
    %get3A_192 = tpu.vector_load %arg12[%get3A_191] {strides = array<i32>} : memref<2048xf32, #tpu.memory_space<vmem>>, vector<16xf32>,
    %get3A_193 = vector.shape_cast %get3A_192 : vector<16xf32> to vector<16xf32>
    %min3A_194 = arith.minimumf %min3A_190, %get3A_193 : vector<16xf32>
    %get3A_195 = arith.constant 1792 : index
    %get3A_196 = tpu.vector_load %arg12[%get3A_195] {strides = array<i32>} : memref<2048xf32, #tpu.memory_space<vmem>>, vector<16xf32>,
    %get3A_197 = vector.shape_cast %get3A_196 : vector<16xf32> to vector<16xf32>
    %min3A_198 = arith.minimumf %min3A_194, %get3A_197 : vector<16xf32>
    %get3A_199 = arith.constant 1920 : index
    %get3A_200 = tpu.vector_load %arg12[%get3A_199] {strides = array<i32>} : memref<2048xf32, #tpu.memory_space<vmem>>, vector<16xf32>,
    %get3A_201 = vector.shape_cast %get3A_200 : vector<16xf32> to vector<16xf32>
    %min3A_202 = arith.minimumf %min3A_198, %get3A_201 : vector<16xf32>
    %add3A_203 = arith.addf %broadcast_in_dim3A_141, %min3A_202 : vector<16xf32>
    %get3A_204 = arith.constant 16 : index
    %get3A_205 = tpu.vector_load %arg12[%get3A_204] {strides = array<i32>} : memref<2048xf32, #tpu.memory_space<vmem>>, vector<16xf32>,
    %get3A_206 = vector.shape_cast %get3A_205 : vector<16xf32> to vector<16xf32>
    %get3A_207 = arith.constant 144 : index
    %get3A_208 = tpu.vector_load %arg12[%get3A_207] {strides = array<i32>} : memref<2048xf32, #tpu.memory_space<vmem>>, vector<16xf32>,
    %get3A_209 = vector.shape_cast %get3A_208 : vector<16xf32> to vector<16xf32>
    %min3A_210 = arith.minimumf %get3A_206, %get3A_209 : vector<16xf32>
    %get3A_211 = arith.constant 272 : index
    %get3A_212 = tpu.vector_load %arg12[%get3A_211] {strides = array<i32>} : memref<2048xf32, #tpu.memory_space<vmem>>, vector<16xf32>,
    %get3A_213 = vector.shape_cast %get3A_212 : vector<16xf32> to vector<16xf32>
    %min3A_214 = arith.minimumf %min3A_210, %get3A_213 : vector<16xf32>
    %get3A_215 = arith.constant 400 : index
    %get3A_216 = tpu.vector_load %arg12[%get3A_215] {strides = array<i32>} : memref<2048xf32, #tpu.memory_space<vmem>>, vector<16xf32>,
    %get3A_217 = vector.shape_cast %get3A_216 : vector<16xf32> to vector<16xf32>
    %min3A_218 = arith.minimumf %min3A_214, %get3A_217 : vector<16xf32>
    %get3A_219 = arith.constant 528 : index
    %get3A_220 = tpu.vector_load %arg12[%get3A_219] {strides = array<i32>} : memref<2048xf32, #tpu.memory_space<vmem>>, vector<16xf32>,
    %get3A_221 = vector.shape_cast %get3A_220 : vector<16xf32> to vector<16xf32>
    %min3A_222 = arith.minimumf %min3A_218, %get3A_221 : vector<16xf32>
    %get3A_223 = arith.constant 656 : index
    %get3A_224 = tpu.vector_load %arg12[%get3A_223] {strides = array<i32>} : memref<2048xf32, #tpu.memory_space<vmem>>, vector<16xf32>,
    %get3A_225 = vector.shape_cast %get3A_224 : vector<16xf32> to vector<16xf32>
    %min3A_226 = arith.minimumf %min3A_222, %get3A_225 : vector<16xf32>
    %get3A_227 = arith.constant 784 : index
    %get3A_228 = tpu.vector_load %arg12[%get3A_227] {strides = array<i32>} : memref<2048xf32, #tpu.memory_space<vmem>>, vector<16xf32>,
    %get3A_229 = vector.shape_cast %get3A_228 : vector<16xf32> to vector<16xf32>
    %min3A_230 = arith.minimumf %min3A_226, %get3A_229 : vector<16xf32>
    %get3A_231 = arith.constant 912 : index
    %get3A_232 = tpu.vector_load %arg12[%get3A_231] {strides = array<i32>} : memref<2048xf32, #tpu.memory_space<vmem>>, vector<16xf32>,
    %get3A_233 = vector.shape_cast %get3A_232 : vector<16xf32> to vector<16xf32>
    %min3A_234 = arith.minimumf %min3A_230, %get3A_233 : vector<16xf32>
    %get3A_235 = arith.constant 1040 : index
    %get3A_236 = tpu.vector_load %arg12[%get3A_235] {strides = array<i32>} : memref<2048xf32, #tpu.memory_space<vmem>>, vector<16xf32>,
    %get3A_237 = vector.shape_cast %get3A_236 : vector<16xf32> to vector<16xf32>
    %min3A_238 = arith.minimumf %min3A_234, %get3A_237 : vector<16xf32>
    %get3A_239 = arith.constant 1168 : index
    %get3A_240 = tpu.vector_load %arg12[%get3A_239] {strides = array<i32>} : memref<2048xf32, #tpu.memory_space<vmem>>, vector<16xf32>,
    %get3A_241 = vector.shape_cast %get3A_240 : vector<16xf32> to vector<16xf32>
    %min3A_242 = arith.minimumf %min3A_238, %get3A_241 : vector<16xf32>
    %get3A_243 = arith.constant 1296 : index
    %get3A_244 = tpu.vector_load %arg12[%get3A_243] {strides = array<i32>} : memref<2048xf32, #tpu.memory_space<vmem>>, vector<16xf32>,
    %get3A_245 = vector.shape_cast %get3A_244 : vector<16xf32> to vector<16xf32>
    %min3A_246 = arith.minimumf %min3A_242, %get3A_245 : vector<16xf32>
    %get3A_247 = arith.constant 1424 : index
    %get3A_248 = tpu.vector_load %arg12[%get3A_247] {strides = array<i32>} : memref<2048xf32, #tpu.memory_space<vmem>>, vector<16xf32>,
    %get3A_249 = vector.shape_cast %get3A_248 : vector<16xf32> to vector<16xf32>
    %min3A_250 = arith.minimumf %min3A_246, %get3A_249 : vector<16xf32>
    %get3A_251 = arith.constant 1552 : index
    %get3A_252 = tpu.vector_load %arg12[%get3A_251] {strides = array<i32>} : memref<2048xf32, #tpu.memory_space<vmem>>, vector<16xf32>,
    %get3A_253 = vector.shape_cast %get3A_252 : vector<16xf32> to vector<16xf32>
    %min3A_254 = arith.minimumf %min3A_250, %get3A_253 : vector<16xf32>
    %get3A_255 = arith.constant 1680 : index
    %get3A_256 = tpu.vector_load %arg12[%get3A_255] {strides = array<i32>} : memref<2048xf32, #tpu.memory_space<vmem>>, vector<16xf32>,
    %get3A_257 = vector.shape_cast %get3A_256 : vector<16xf32> to vector<16xf32>
    %min3A_258 = arith.minimumf %min3A_254, %get3A_257 : vector<16xf32>
    %get3A_259 = arith.constant 1808 : index
    %get3A_260 = tpu.vector_load %arg12[%get3A_259] {strides = array<i32>} : memref<2048xf32, #tpu.memory_space<vmem>>, vector<16xf32>,
    %get3A_261 = vector.shape_cast %get3A_260 : vector<16xf32> to vector<16xf32>
    %min3A_262 = arith.minimumf %min3A_258, %get3A_261 : vector<16xf32>
    %get3A_263 = arith.constant 1936 : index
    %get3A_264 = tpu.vector_load %arg12[%get3A_263] {strides = array<i32>} : memref<2048xf32, #tpu.memory_space<vmem>>, vector<16xf32>,
    %get3A_265 = vector.shape_cast %get3A_264 : vector<16xf32> to vector<16xf32>
    %min3A_266 = arith.minimumf %min3A_262, %get3A_265 : vector<16xf32>
    %add3A_267 = arith.addf %add3A_203, %min3A_266 : vector<16xf32>
    %get3A_268 = arith.constant 32 : index
    %get3A_269 = tpu.vector_load %arg12[%get3A_268] {strides = array<i32>} : memref<2048xf32, #tpu.memory_space<vmem>>, vector<16xf32>,
    %get3A_270 = vector.shape_cast %get3A_269 : vector<16xf32> to vector<16xf32>
    %get3A_271 = arith.constant 160 : index
    %get3A_272 = tpu.vector_load %arg12[%get3A_271] {strides = array<i32>} : memref<2048xf32, #tpu.memory_space<vmem>>, vector<16xf32>,
    %get3A_273 = vector.shape_cast %get3A_272 : vector<16xf32> to vector<16xf32>
    %min3A_274 = arith.minimumf %get3A_270, %get3A_273 : vector<16xf32>
    %get3A_275 = arith.constant 288 : index
    %get3A_276 = tpu.vector_load %arg12[%get3A_275] {strides = array<i32>} : memref<2048xf32, #tpu.memory_space<vmem>>, vector<16xf32>,
    %get3A_277 = vector.shape_cast %get3A_276 : vector<16xf32> to vector<16xf32>
    %min3A_278 = arith.minimumf %min3A_274, %get3A_277 : vector<16xf32>
    %get3A_279 = arith.constant 416 : index
    %get3A_280 = tpu.vector_load %arg12[%get3A_279] {strides = array<i32>} : memref<2048xf32, #tpu.memory_space<vmem>>, vector<16xf32>,
    %get3A_281 = vector.shape_cast %get3A_280 : vector<16xf32> to vector<16xf32>
    %min3A_282 = arith.minimumf %min3A_278, %get3A_281 : vector<16xf32>
    %get3A_283 = arith.constant 544 : index
    %get3A_284 = tpu.vector_load %arg12[%get3A_283] {strides = array<i32>} : memref<2048xf32, #tpu.memory_space<vmem>>, vector<16xf32>,
    %get3A_285 = vector.shape_cast %get3A_284 : vector<16xf32> to vector<16xf32>
    %min3A_286 = arith.minimumf %min3A_282, %get3A_285 : vector<16xf32>
    %get3A_287 = arith.constant 672 : index
    %get3A_288 = tpu.vector_load %arg12[%get3A_287] {strides = array<i32>} : memref<2048xf32, #tpu.memory_space<vmem>>, vector<16xf32>,
    %get3A_289 = vector.shape_cast %get3A_288 : vector<16xf32> to vector<16xf32>
    %min3A_290 = arith.minimumf %min3A_286, %get3A_289 : vector<16xf32>
    %get3A_291 = arith.constant 800 : index
    %get3A_292 = tpu.vector_load %arg12[%get3A_291] {strides = array<i32>} : memref<2048xf32, #tpu.memory_space<vmem>>, vector<16xf32>,
    %get3A_293 = vector.shape_cast %get3A_292 : vector<16xf32> to vector<16xf32>
    %min3A_294 = arith.minimumf %min3A_290, %get3A_293 : vector<16xf32>
    %get3A_295 = arith.constant 928 : index
    %get3A_296 = tpu.vector_load %arg12[%get3A_295] {strides = array<i32>} : memref<2048xf32, #tpu.memory_space<vmem>>, vector<16xf32>,
    %get3A_297 = vector.shape_cast %get3A_296 : vector<16xf32> to vector<16xf32>
    %min3A_298 = arith.minimumf %min3A_294, %get3A_297 : vector<16xf32>
    %get3A_299 = arith.constant 1056 : index
    %get3A_300 = tpu.vector_load %arg12[%get3A_299] {strides = array<i32>} : memref<2048xf32, #tpu.memory_space<vmem>>, vector<16xf32>,
    %get3A_301 = vector.shape_cast %get3A_300 : vector<16xf32> to vector<16xf32>
    %min3A_302 = arith.minimumf %min3A_298, %get3A_301 : vector<16xf32>
    %get3A_303 = arith.constant 1184 : index
    %get3A_304 = tpu.vector_load %arg12[%get3A_303] {strides = array<i32>} : memref<2048xf32, #tpu.memory_space<vmem>>, vector<16xf32>,
    %get3A_305 = vector.shape_cast %get3A_304 : vector<16xf32> to vector<16xf32>
    %min3A_306 = arith.minimumf %min3A_302, %get3A_305 : vector<16xf32>
    %get3A_307 = arith.constant 1312 : index
    %get3A_308 = tpu.vector_load %arg12[%get3A_307] {strides = array<i32>} : memref<2048xf32, #tpu.memory_space<vmem>>, vector<16xf32>,
    %get3A_309 = vector.shape_cast %get3A_308 : vector<16xf32> to vector<16xf32>
    %min3A_310 = arith.minimumf %min3A_306, %get3A_309 : vector<16xf32>
    %get3A_311 = arith.constant 1440 : index
    %get3A_312 = tpu.vector_load %arg12[%get3A_311] {strides = array<i32>} : memref<2048xf32, #tpu.memory_space<vmem>>, vector<16xf32>,
    %get3A_313 = vector.shape_cast %get3A_312 : vector<16xf32> to vector<16xf32>
    %min3A_314 = arith.minimumf %min3A_310, %get3A_313 : vector<16xf32>
    %get3A_315 = arith.constant 1568 : index
    %get3A_316 = tpu.vector_load %arg12[%get3A_315] {strides = array<i32>} : memref<2048xf32, #tpu.memory_space<vmem>>, vector<16xf32>,
    %get3A_317 = vector.shape_cast %get3A_316 : vector<16xf32> to vector<16xf32>
    %min3A_318 = arith.minimumf %min3A_314, %get3A_317 : vector<16xf32>
    %get3A_319 = arith.constant 1696 : index
    %get3A_320 = tpu.vector_load %arg12[%get3A_319] {strides = array<i32>} : memref<2048xf32, #tpu.memory_space<vmem>>, vector<16xf32>,
    %get3A_321 = vector.shape_cast %get3A_320 : vector<16xf32> to vector<16xf32>
    %min3A_322 = arith.minimumf %min3A_318, %get3A_321 : vector<16xf32>
    %get3A_323 = arith.constant 1824 : index
    %get3A_324 = tpu.vector_load %arg12[%get3A_323] {strides = array<i32>} : memref<2048xf32, #tpu.memory_space<vmem>>, vector<16xf32>,
    %get3A_325 = vector.shape_cast %get3A_324 : vector<16xf32> to vector<16xf32>
    %min3A_326 = arith.minimumf %min3A_322, %get3A_325 : vector<16xf32>
    %get3A_327 = arith.constant 1952 : index
    %get3A_328 = tpu.vector_load %arg12[%get3A_327] {strides = array<i32>} : memref<2048xf32, #tpu.memory_space<vmem>>, vector<16xf32>,
    %get3A_329 = vector.shape_cast %get3A_328 : vector<16xf32> to vector<16xf32>
    %min3A_330 = arith.minimumf %min3A_326, %get3A_329 : vector<16xf32>
    %add3A_331 = arith.addf %add3A_267, %min3A_330 : vector<16xf32>
    %get3A_332 = arith.constant 48 : index
    %get3A_333 = tpu.vector_load %arg12[%get3A_332] {strides = array<i32>} : memref<2048xf32, #tpu.memory_space<vmem>>, vector<16xf32>,
    %get3A_334 = vector.shape_cast %get3A_333 : vector<16xf32> to vector<16xf32>
    %get3A_335 = arith.constant 176 : index
    %get3A_336 = tpu.vector_load %arg12[%get3A_335] {strides = array<i32>} : memref<2048xf32, #tpu.memory_space<vmem>>, vector<16xf32>,
    %get3A_337 = vector.shape_cast %get3A_336 : vector<16xf32> to vector<16xf32>
    %min3A_338 = arith.minimumf %get3A_334, %get3A_337 : vector<16xf32>
    %get3A_339 = arith.constant 304 : index
    %get3A_340 = tpu.vector_load %arg12[%get3A_339] {strides = array<i32>} : memref<2048xf32, #tpu.memory_space<vmem>>, vector<16xf32>,
    %get3A_341 = vector.shape_cast %get3A_340 : vector<16xf32> to vector<16xf32>
    %min3A_342 = arith.minimumf %min3A_338, %get3A_341 : vector<16xf32>
    %get3A_343 = arith.constant 432 : index
    %get3A_344 = tpu.vector_load %arg12[%get3A_343] {strides = array<i32>} : memref<2048xf32, #tpu.memory_space<vmem>>, vector<16xf32>,
    %get3A_345 = vector.shape_cast %get3A_344 : vector<16xf32> to vector<16xf32>
    %min3A_346 = arith.minimumf %min3A_342, %get3A_345 : vector<16xf32>
    %get3A_347 = arith.constant 560 : index
    %get3A_348 = tpu.vector_load %arg12[%get3A_347] {strides = array<i32>} : memref<2048xf32, #tpu.memory_space<vmem>>, vector<16xf32>,
    %get3A_349 = vector.shape_cast %get3A_348 : vector<16xf32> to vector<16xf32>
    %min3A_350 = arith.minimumf %min3A_346, %get3A_349 : vector<16xf32>
    %get3A_351 = arith.constant 688 : index
    %get3A_352 = tpu.vector_load %arg12[%get3A_351] {strides = array<i32>} : memref<2048xf32, #tpu.memory_space<vmem>>, vector<16xf32>,
    %get3A_353 = vector.shape_cast %get3A_352 : vector<16xf32> to vector<16xf32>
    %min3A_354 = arith.minimumf %min3A_350, %get3A_353 : vector<16xf32>
    %get3A_355 = arith.constant 816 : index
    %get3A_356 = tpu.vector_load %arg12[%get3A_355] {strides = array<i32>} : memref<2048xf32, #tpu.memory_space<vmem>>, vector<16xf32>,
    %get3A_357 = vector.shape_cast %get3A_356 : vector<16xf32> to vector<16xf32>
    %min3A_358 = arith.minimumf %min3A_354, %get3A_357 : vector<16xf32>
    %get3A_359 = arith.constant 944 : index
    %get3A_360 = tpu.vector_load %arg12[%get3A_359] {strides = array<i32>} : memref<2048xf32, #tpu.memory_space<vmem>>, vector<16xf32>,
    %get3A_361 = vector.shape_cast %get3A_360 : vector<16xf32> to vector<16xf32>
    %min3A_362 = arith.minimumf %min3A_358, %get3A_361 : vector<16xf32>
    %get3A_363 = arith.constant 1072 : index
    %get3A_364 = tpu.vector_load %arg12[%get3A_363] {strides = array<i32>} : memref<2048xf32, #tpu.memory_space<vmem>>, vector<16xf32>,
    %get3A_365 = vector.shape_cast %get3A_364 : vector<16xf32> to vector<16xf32>
    %min3A_366 = arith.minimumf %min3A_362, %get3A_365 : vector<16xf32>
    %get3A_367 = arith.constant 1200 : index
    %get3A_368 = tpu.vector_load %arg12[%get3A_367] {strides = array<i32>} : memref<2048xf32, #tpu.memory_space<vmem>>, vector<16xf32>,
    %get3A_369 = vector.shape_cast %get3A_368 : vector<16xf32> to vector<16xf32>
    %min3A_370 = arith.minimumf %min3A_366, %get3A_369 : vector<16xf32>
    %get3A_371 = arith.constant 1328 : index
    %get3A_372 = tpu.vector_load %arg12[%get3A_371] {strides = array<i32>} : memref<2048xf32, #tpu.memory_space<vmem>>, vector<16xf32>,
    %get3A_373 = vector.shape_cast %get3A_372 : vector<16xf32> to vector<16xf32>
    %min3A_374 = arith.minimumf %min3A_370, %get3A_373 : vector<16xf32>
    %get3A_375 = arith.constant 1456 : index
    %get3A_376 = tpu.vector_load %arg12[%get3A_375] {strides = array<i32>} : memref<2048xf32, #tpu.memory_space<vmem>>, vector<16xf32>,
    %get3A_377 = vector.shape_cast %get3A_376 : vector<16xf32> to vector<16xf32>
    %min3A_378 = arith.minimumf %min3A_374, %get3A_377 : vector<16xf32>
    %get3A_379 = arith.constant 1584 : index
    %get3A_380 = tpu.vector_load %arg12[%get3A_379] {strides = array<i32>} : memref<2048xf32, #tpu.memory_space<vmem>>, vector<16xf32>,
    %get3A_381 = vector.shape_cast %get3A_380 : vector<16xf32> to vector<16xf32>
    %min3A_382 = arith.minimumf %min3A_378, %get3A_381 : vector<16xf32>
    %get3A_383 = arith.constant 1712 : index
    %get3A_384 = tpu.vector_load %arg12[%get3A_383] {strides = array<i32>} : memref<2048xf32, #tpu.memory_space<vmem>>, vector<16xf32>,
    %get3A_385 = vector.shape_cast %get3A_384 : vector<16xf32> to vector<16xf32>
    %min3A_386 = arith.minimumf %min3A_382, %get3A_385 : vector<16xf32>
    %get3A_387 = arith.constant 1840 : index
    %get3A_388 = tpu.vector_load %arg12[%get3A_387] {strides = array<i32>} : memref<2048xf32, #tpu.memory_space<vmem>>, vector<16xf32>,
    %get3A_389 = vector.shape_cast %get3A_388 : vector<16xf32> to vector<16xf32>
    %min3A_390 = arith.minimumf %min3A_386, %get3A_389 : vector<16xf32>
    %get3A_391 = arith.constant 1968 : index
    %get3A_392 = tpu.vector_load %arg12[%get3A_391] {strides = array<i32>} : memref<2048xf32, #tpu.memory_space<vmem>>, vector<16xf32>,
    %get3A_393 = vector.shape_cast %get3A_392 : vector<16xf32> to vector<16xf32>
    %min3A_394 = arith.minimumf %min3A_390, %get3A_393 : vector<16xf32>
    %add3A_395 = arith.addf %add3A_331, %min3A_394 : vector<16xf32>
    %get3A_396 = arith.constant 64 : index
    %get3A_397 = tpu.vector_load %arg12[%get3A_396] {strides = array<i32>} : memref<2048xf32, #tpu.memory_space<vmem>>, vector<16xf32>,
    %get3A_398 = vector.shape_cast %get3A_397 : vector<16xf32> to vector<16xf32>
    %get3A_399 = arith.constant 192 : index
    %get3A_400 = tpu.vector_load %arg12[%get3A_399] {strides = array<i32>} : memref<2048xf32, #tpu.memory_space<vmem>>, vector<16xf32>,
    %get3A_401 = vector.shape_cast %get3A_400 : vector<16xf32> to vector<16xf32>
    %min3A_402 = arith.minimumf %get3A_398, %get3A_401 : vector<16xf32>
    %get3A_403 = arith.constant 320 : index
    %get3A_404 = tpu.vector_load %arg12[%get3A_403] {strides = array<i32>} : memref<2048xf32, #tpu.memory_space<vmem>>, vector<16xf32>,
    %get3A_405 = vector.shape_cast %get3A_404 : vector<16xf32> to vector<16xf32>
    %min3A_406 = arith.minimumf %min3A_402, %get3A_405 : vector<16xf32>
    %get3A_407 = arith.constant 448 : index
    %get3A_408 = tpu.vector_load %arg12[%get3A_407] {strides = array<i32>} : memref<2048xf32, #tpu.memory_space<vmem>>, vector<16xf32>,
    %get3A_409 = vector.shape_cast %get3A_408 : vector<16xf32> to vector<16xf32>
    %min3A_410 = arith.minimumf %min3A_406, %get3A_409 : vector<16xf32>
    %get3A_411 = arith.constant 576 : index
    %get3A_412 = tpu.vector_load %arg12[%get3A_411] {strides = array<i32>} : memref<2048xf32, #tpu.memory_space<vmem>>, vector<16xf32>,
    %get3A_413 = vector.shape_cast %get3A_412 : vector<16xf32> to vector<16xf32>
    %min3A_414 = arith.minimumf %min3A_410, %get3A_413 : vector<16xf32>
    %get3A_415 = arith.constant 704 : index
    %get3A_416 = tpu.vector_load %arg12[%get3A_415] {strides = array<i32>} : memref<2048xf32, #tpu.memory_space<vmem>>, vector<16xf32>,
    %get3A_417 = vector.shape_cast %get3A_416 : vector<16xf32> to vector<16xf32>
    %min3A_418 = arith.minimumf %min3A_414, %get3A_417 : vector<16xf32>
    %get3A_419 = arith.constant 832 : index
    %get3A_420 = tpu.vector_load %arg12[%get3A_419] {strides = array<i32>} : memref<2048xf32, #tpu.memory_space<vmem>>, vector<16xf32>,
    %get3A_421 = vector.shape_cast %get3A_420 : vector<16xf32> to vector<16xf32>
    %min3A_422 = arith.minimumf %min3A_418, %get3A_421 : vector<16xf32>
    %get3A_423 = arith.constant 960 : index
    %get3A_424 = tpu.vector_load %arg12[%get3A_423] {strides = array<i32>} : memref<2048xf32, #tpu.memory_space<vmem>>, vector<16xf32>,
    %get3A_425 = vector.shape_cast %get3A_424 : vector<16xf32> to vector<16xf32>
    %min3A_426 = arith.minimumf %min3A_422, %get3A_425 : vector<16xf32>
    %get3A_427 = arith.constant 1088 : index
    %get3A_428 = tpu.vector_load %arg12[%get3A_427] {strides = array<i32>} : memref<2048xf32, #tpu.memory_space<vmem>>, vector<16xf32>,
    %get3A_429 = vector.shape_cast %get3A_428 : vector<16xf32> to vector<16xf32>
    %min3A_430 = arith.minimumf %min3A_426, %get3A_429 : vector<16xf32>
    %get3A_431 = arith.constant 1216 : index
    %get3A_432 = tpu.vector_load %arg12[%get3A_431] {strides = array<i32>} : memref<2048xf32, #tpu.memory_space<vmem>>, vector<16xf32>,
    %get3A_433 = vector.shape_cast %get3A_432 : vector<16xf32> to vector<16xf32>
    %min3A_434 = arith.minimumf %min3A_430, %get3A_433 : vector<16xf32>
    %get3A_435 = arith.constant 1344 : index
    %get3A_436 = tpu.vector_load %arg12[%get3A_435] {strides = array<i32>} : memref<2048xf32, #tpu.memory_space<vmem>>, vector<16xf32>,
    %get3A_437 = vector.shape_cast %get3A_436 : vector<16xf32> to vector<16xf32>
    %min3A_438 = arith.minimumf %min3A_434, %get3A_437 : vector<16xf32>
    %get3A_439 = arith.constant 1472 : index
    %get3A_440 = tpu.vector_load %arg12[%get3A_439] {strides = array<i32>} : memref<2048xf32, #tpu.memory_space<vmem>>, vector<16xf32>,
    %get3A_441 = vector.shape_cast %get3A_440 : vector<16xf32> to vector<16xf32>
    %min3A_442 = arith.minimumf %min3A_438, %get3A_441 : vector<16xf32>
    %get3A_443 = arith.constant 1600 : index
    %get3A_444 = tpu.vector_load %arg12[%get3A_443] {strides = array<i32>} : memref<2048xf32, #tpu.memory_space<vmem>>, vector<16xf32>,
    %get3A_445 = vector.shape_cast %get3A_444 : vector<16xf32> to vector<16xf32>
    %min3A_446 = arith.minimumf %min3A_442, %get3A_445 : vector<16xf32>
    %get3A_447 = arith.constant 1728 : index
    %get3A_448 = tpu.vector_load %arg12[%get3A_447] {strides = array<i32>} : memref<2048xf32, #tpu.memory_space<vmem>>, vector<16xf32>,
    %get3A_449 = vector.shape_cast %get3A_448 : vector<16xf32> to vector<16xf32>
    %min3A_450 = arith.minimumf %min3A_446, %get3A_449 : vector<16xf32>
    %get3A_451 = arith.constant 1856 : index
    %get3A_452 = tpu.vector_load %arg12[%get3A_451] {strides = array<i32>} : memref<2048xf32, #tpu.memory_space<vmem>>, vector<16xf32>,
    %get3A_453 = vector.shape_cast %get3A_452 : vector<16xf32> to vector<16xf32>
    %min3A_454 = arith.minimumf %min3A_450, %get3A_453 : vector<16xf32>
    %get3A_455 = arith.constant 1984 : index
    %get3A_456 = tpu.vector_load %arg12[%get3A_455] {strides = array<i32>} : memref<2048xf32, #tpu.memory_space<vmem>>, vector<16xf32>,
    %get3A_457 = vector.shape_cast %get3A_456 : vector<16xf32> to vector<16xf32>
    %min3A_458 = arith.minimumf %min3A_454, %get3A_457 : vector<16xf32>
    %add3A_459 = arith.addf %add3A_395, %min3A_458 : vector<16xf32>
    %get3A_460 = arith.constant 80 : index
    %get3A_461 = tpu.vector_load %arg12[%get3A_460] {strides = array<i32>} : memref<2048xf32, #tpu.memory_space<vmem>>, vector<16xf32>,
    %get3A_462 = vector.shape_cast %get3A_461 : vector<16xf32> to vector<16xf32>
    %get3A_463 = arith.constant 208 : index
    %get3A_464 = tpu.vector_load %arg12[%get3A_463] {strides = array<i32>} : memref<2048xf32, #tpu.memory_space<vmem>>, vector<16xf32>,
    %get3A_465 = vector.shape_cast %get3A_464 : vector<16xf32> to vector<16xf32>
    %min3A_466 = arith.minimumf %get3A_462, %get3A_465 : vector<16xf32>
    %get3A_467 = arith.constant 336 : index
    %get3A_468 = tpu.vector_load %arg12[%get3A_467] {strides = array<i32>} : memref<2048xf32, #tpu.memory_space<vmem>>, vector<16xf32>,
    %get3A_469 = vector.shape_cast %get3A_468 : vector<16xf32> to vector<16xf32>
    %min3A_470 = arith.minimumf %min3A_466, %get3A_469 : vector<16xf32>
    %get3A_471 = arith.constant 464 : index
    %get3A_472 = tpu.vector_load %arg12[%get3A_471] {strides = array<i32>} : memref<2048xf32, #tpu.memory_space<vmem>>, vector<16xf32>,
    %get3A_473 = vector.shape_cast %get3A_472 : vector<16xf32> to vector<16xf32>
    %min3A_474 = arith.minimumf %min3A_470, %get3A_473 : vector<16xf32>
    %get3A_475 = arith.constant 592 : index
    %get3A_476 = tpu.vector_load %arg12[%get3A_475] {strides = array<i32>} : memref<2048xf32, #tpu.memory_space<vmem>>, vector<16xf32>,
    %get3A_477 = vector.shape_cast %get3A_476 : vector<16xf32> to vector<16xf32>
    %min3A_478 = arith.minimumf %min3A_474, %get3A_477 : vector<16xf32>
    %get3A_479 = arith.constant 720 : index
    %get3A_480 = tpu.vector_load %arg12[%get3A_479] {strides = array<i32>} : memref<2048xf32, #tpu.memory_space<vmem>>, vector<16xf32>,
    %get3A_481 = vector.shape_cast %get3A_480 : vector<16xf32> to vector<16xf32>
    %min3A_482 = arith.minimumf %min3A_478, %get3A_481 : vector<16xf32>
    %get3A_483 = arith.constant 848 : index
    %get3A_484 = tpu.vector_load %arg12[%get3A_483] {strides = array<i32>} : memref<2048xf32, #tpu.memory_space<vmem>>, vector<16xf32>,
    %get3A_485 = vector.shape_cast %get3A_484 : vector<16xf32> to vector<16xf32>
    %min3A_486 = arith.minimumf %min3A_482, %get3A_485 : vector<16xf32>
    %get3A_487 = arith.constant 976 : index
    %get3A_488 = tpu.vector_load %arg12[%get3A_487] {strides = array<i32>} : memref<2048xf32, #tpu.memory_space<vmem>>, vector<16xf32>,
    %get3A_489 = vector.shape_cast %get3A_488 : vector<16xf32> to vector<16xf32>
    %min3A_490 = arith.minimumf %min3A_486, %get3A_489 : vector<16xf32>
    %get3A_491 = arith.constant 1104 : index
    %get3A_492 = tpu.vector_load %arg12[%get3A_491] {strides = array<i32>} : memref<2048xf32, #tpu.memory_space<vmem>>, vector<16xf32>,
    %get3A_493 = vector.shape_cast %get3A_492 : vector<16xf32> to vector<16xf32>
    %min3A_494 = arith.minimumf %min3A_490, %get3A_493 : vector<16xf32>
    %get3A_495 = arith.constant 1232 : index
    %get3A_496 = tpu.vector_load %arg12[%get3A_495] {strides = array<i32>} : memref<2048xf32, #tpu.memory_space<vmem>>, vector<16xf32>,
    %get3A_497 = vector.shape_cast %get3A_496 : vector<16xf32> to vector<16xf32>
    %min3A_498 = arith.minimumf %min3A_494, %get3A_497 : vector<16xf32>
    %get3A_499 = arith.constant 1360 : index
    %get3A_500 = tpu.vector_load %arg12[%get3A_499] {strides = array<i32>} : memref<2048xf32, #tpu.memory_space<vmem>>, vector<16xf32>,
    %get3A_501 = vector.shape_cast %get3A_500 : vector<16xf32> to vector<16xf32>
    %min3A_502 = arith.minimumf %min3A_498, %get3A_501 : vector<16xf32>
    %get3A_503 = arith.constant 1488 : index
    %get3A_504 = tpu.vector_load %arg12[%get3A_503] {strides = array<i32>} : memref<2048xf32, #tpu.memory_space<vmem>>, vector<16xf32>,
    %get3A_505 = vector.shape_cast %get3A_504 : vector<16xf32> to vector<16xf32>
    %min3A_506 = arith.minimumf %min3A_502, %get3A_505 : vector<16xf32>
    %get3A_507 = arith.constant 1616 : index
    %get3A_508 = tpu.vector_load %arg12[%get3A_507] {strides = array<i32>} : memref<2048xf32, #tpu.memory_space<vmem>>, vector<16xf32>,
    %get3A_509 = vector.shape_cast %get3A_508 : vector<16xf32> to vector<16xf32>
    %min3A_510 = arith.minimumf %min3A_506, %get3A_509 : vector<16xf32>
    %get3A_511 = arith.constant 1744 : index
    %get3A_512 = tpu.vector_load %arg12[%get3A_511] {strides = array<i32>} : memref<2048xf32, #tpu.memory_space<vmem>>, vector<16xf32>,
    %get3A_513 = vector.shape_cast %get3A_512 : vector<16xf32> to vector<16xf32>
    %min3A_514 = arith.minimumf %min3A_510, %get3A_513 : vector<16xf32>
    %get3A_515 = arith.constant 1872 : index
    %get3A_516 = tpu.vector_load %arg12[%get3A_515] {strides = array<i32>} : memref<2048xf32, #tpu.memory_space<vmem>>, vector<16xf32>,
    %get3A_517 = vector.shape_cast %get3A_516 : vector<16xf32> to vector<16xf32>
    %min3A_518 = arith.minimumf %min3A_514, %get3A_517 : vector<16xf32>
    %get3A_519 = arith.constant 2000 : index
    %get3A_520 = tpu.vector_load %arg12[%get3A_519] {strides = array<i32>} : memref<2048xf32, #tpu.memory_space<vmem>>, vector<16xf32>,
    %get3A_521 = vector.shape_cast %get3A_520 : vector<16xf32> to vector<16xf32>
    %min3A_522 = arith.minimumf %min3A_518, %get3A_521 : vector<16xf32>
    %add3A_523 = arith.addf %add3A_459, %min3A_522 : vector<16xf32>
    %get3A_524 = arith.constant 96 : index
    %get3A_525 = tpu.vector_load %arg12[%get3A_524] {strides = array<i32>} : memref<2048xf32, #tpu.memory_space<vmem>>, vector<16xf32>,
    %get3A_526 = vector.shape_cast %get3A_525 : vector<16xf32> to vector<16xf32>
    %get3A_527 = arith.constant 224 : index
    %get3A_528 = tpu.vector_load %arg12[%get3A_527] {strides = array<i32>} : memref<2048xf32, #tpu.memory_space<vmem>>, vector<16xf32>,
    %get3A_529 = vector.shape_cast %get3A_528 : vector<16xf32> to vector<16xf32>
    %min3A_530 = arith.minimumf %get3A_526, %get3A_529 : vector<16xf32>
    %get3A_531 = arith.constant 352 : index
    %get3A_532 = tpu.vector_load %arg12[%get3A_531] {strides = array<i32>} : memref<2048xf32, #tpu.memory_space<vmem>>, vector<16xf32>,
    %get3A_533 = vector.shape_cast %get3A_532 : vector<16xf32> to vector<16xf32>
    %min3A_534 = arith.minimumf %min3A_530, %get3A_533 : vector<16xf32>
    %get3A_535 = arith.constant 480 : index
    %get3A_536 = tpu.vector_load %arg12[%get3A_535] {strides = array<i32>} : memref<2048xf32, #tpu.memory_space<vmem>>, vector<16xf32>,
    %get3A_537 = vector.shape_cast %get3A_536 : vector<16xf32> to vector<16xf32>
    %min3A_538 = arith.minimumf %min3A_534, %get3A_537 : vector<16xf32>
    %get3A_539 = arith.constant 608 : index
    %get3A_540 = tpu.vector_load %arg12[%get3A_539] {strides = array<i32>} : memref<2048xf32, #tpu.memory_space<vmem>>, vector<16xf32>,
    %get3A_541 = vector.shape_cast %get3A_540 : vector<16xf32> to vector<16xf32>
    %min3A_542 = arith.minimumf %min3A_538, %get3A_541 : vector<16xf32>
    %get3A_543 = arith.constant 736 : index
    %get3A_544 = tpu.vector_load %arg12[%get3A_543] {strides = array<i32>} : memref<2048xf32, #tpu.memory_space<vmem>>, vector<16xf32>,
    %get3A_545 = vector.shape_cast %get3A_544 : vector<16xf32> to vector<16xf32>
    %min3A_546 = arith.minimumf %min3A_542, %get3A_545 : vector<16xf32>
    %get3A_547 = arith.constant 864 : index
    %get3A_548 = tpu.vector_load %arg12[%get3A_547] {strides = array<i32>} : memref<2048xf32, #tpu.memory_space<vmem>>, vector<16xf32>,
    %get3A_549 = vector.shape_cast %get3A_548 : vector<16xf32> to vector<16xf32>
    %min3A_550 = arith.minimumf %min3A_546, %get3A_549 : vector<16xf32>
    %get3A_551 = arith.constant 992 : index
    %get3A_552 = tpu.vector_load %arg12[%get3A_551] {strides = array<i32>} : memref<2048xf32, #tpu.memory_space<vmem>>, vector<16xf32>,
    %get3A_553 = vector.shape_cast %get3A_552 : vector<16xf32> to vector<16xf32>
    %min3A_554 = arith.minimumf %min3A_550, %get3A_553 : vector<16xf32>
    %get3A_555 = arith.constant 1120 : index
    %get3A_556 = tpu.vector_load %arg12[%get3A_555] {strides = array<i32>} : memref<2048xf32, #tpu.memory_space<vmem>>, vector<16xf32>,
    %get3A_557 = vector.shape_cast %get3A_556 : vector<16xf32> to vector<16xf32>
    %min3A_558 = arith.minimumf %min3A_554, %get3A_557 : vector<16xf32>
    %get3A_559 = arith.constant 1248 : index
    %get3A_560 = tpu.vector_load %arg12[%get3A_559] {strides = array<i32>} : memref<2048xf32, #tpu.memory_space<vmem>>, vector<16xf32>,
    %get3A_561 = vector.shape_cast %get3A_560 : vector<16xf32> to vector<16xf32>
    %min3A_562 = arith.minimumf %min3A_558, %get3A_561 : vector<16xf32>
    %get3A_563 = arith.constant 1376 : index
    %get3A_564 = tpu.vector_load %arg12[%get3A_563] {strides = array<i32>} : memref<2048xf32, #tpu.memory_space<vmem>>, vector<16xf32>,
    %get3A_565 = vector.shape_cast %get3A_564 : vector<16xf32> to vector<16xf32>
    %min3A_566 = arith.minimumf %min3A_562, %get3A_565 : vector<16xf32>
    %get3A_567 = arith.constant 1504 : index
    %get3A_568 = tpu.vector_load %arg12[%get3A_567] {strides = array<i32>} : memref<2048xf32, #tpu.memory_space<vmem>>, vector<16xf32>,
    %get3A_569 = vector.shape_cast %get3A_568 : vector<16xf32> to vector<16xf32>
    %min3A_570 = arith.minimumf %min3A_566, %get3A_569 : vector<16xf32>
    %get3A_571 = arith.constant 1632 : index
    %get3A_572 = tpu.vector_load %arg12[%get3A_571] {strides = array<i32>} : memref<2048xf32, #tpu.memory_space<vmem>>, vector<16xf32>,
    %get3A_573 = vector.shape_cast %get3A_572 : vector<16xf32> to vector<16xf32>
    %min3A_574 = arith.minimumf %min3A_570, %get3A_573 : vector<16xf32>
    %get3A_575 = arith.constant 1760 : index
    %get3A_576 = tpu.vector_load %arg12[%get3A_575] {strides = array<i32>} : memref<2048xf32, #tpu.memory_space<vmem>>, vector<16xf32>,
    %get3A_577 = vector.shape_cast %get3A_576 : vector<16xf32> to vector<16xf32>
    %min3A_578 = arith.minimumf %min3A_574, %get3A_577 : vector<16xf32>
    %get3A_579 = arith.constant 1888 : index
    %get3A_580 = tpu.vector_load %arg12[%get3A_579] {strides = array<i32>} : memref<2048xf32, #tpu.memory_space<vmem>>, vector<16xf32>,
    %get3A_581 = vector.shape_cast %get3A_580 : vector<16xf32> to vector<16xf32>
    %min3A_582 = arith.minimumf %min3A_578, %get3A_581 : vector<16xf32>
    %get3A_583 = arith.constant 2016 : index
    %get3A_584 = tpu.vector_load %arg12[%get3A_583] {strides = array<i32>} : memref<2048xf32, #tpu.memory_space<vmem>>, vector<16xf32>,
    %get3A_585 = vector.shape_cast %get3A_584 : vector<16xf32> to vector<16xf32>
    %min3A_586 = arith.minimumf %min3A_582, %get3A_585 : vector<16xf32>
    %add3A_587 = arith.addf %add3A_523, %min3A_586 : vector<16xf32>
    %get3A_588 = arith.constant 112 : index
    %get3A_589 = tpu.vector_load %arg12[%get3A_588] {strides = array<i32>} : memref<2048xf32, #tpu.memory_space<vmem>>, vector<16xf32>,
    %get3A_590 = vector.shape_cast %get3A_589 : vector<16xf32> to vector<16xf32>
    %get3A_591 = arith.constant 240 : index
    %get3A_592 = tpu.vector_load %arg12[%get3A_591] {strides = array<i32>} : memref<2048xf32, #tpu.memory_space<vmem>>, vector<16xf32>,
    %get3A_593 = vector.shape_cast %get3A_592 : vector<16xf32> to vector<16xf32>
    %min3A_594 = arith.minimumf %get3A_590, %get3A_593 : vector<16xf32>
    %get3A_595 = arith.constant 368 : index
    %get3A_596 = tpu.vector_load %arg12[%get3A_595] {strides = array<i32>} : memref<2048xf32, #tpu.memory_space<vmem>>, vector<16xf32>,
    %get3A_597 = vector.shape_cast %get3A_596 : vector<16xf32> to vector<16xf32>
    %min3A_598 = arith.minimumf %min3A_594, %get3A_597 : vector<16xf32>
    %get3A_599 = arith.constant 496 : index
    %get3A_600 = tpu.vector_load %arg12[%get3A_599] {strides = array<i32>} : memref<2048xf32, #tpu.memory_space<vmem>>, vector<16xf32>,
    %get3A_601 = vector.shape_cast %get3A_600 : vector<16xf32> to vector<16xf32>
    %min3A_602 = arith.minimumf %min3A_598, %get3A_601 : vector<16xf32>
    %get3A_603 = arith.constant 624 : index
    %get3A_604 = tpu.vector_load %arg12[%get3A_603] {strides = array<i32>} : memref<2048xf32, #tpu.memory_space<vmem>>, vector<16xf32>,
    %get3A_605 = vector.shape_cast %get3A_604 : vector<16xf32> to vector<16xf32>
    %min3A_606 = arith.minimumf %min3A_602, %get3A_605 : vector<16xf32>
    %get3A_607 = arith.constant 752 : index
    %get3A_608 = tpu.vector_load %arg12[%get3A_607] {strides = array<i32>} : memref<2048xf32, #tpu.memory_space<vmem>>, vector<16xf32>,
    %get3A_609 = vector.shape_cast %get3A_608 : vector<16xf32> to vector<16xf32>
    %min3A_610 = arith.minimumf %min3A_606, %get3A_609 : vector<16xf32>
    %get3A_611 = arith.constant 880 : index
    %get3A_612 = tpu.vector_load %arg12[%get3A_611] {strides = array<i32>} : memref<2048xf32, #tpu.memory_space<vmem>>, vector<16xf32>,
    %get3A_613 = vector.shape_cast %get3A_612 : vector<16xf32> to vector<16xf32>
    %min3A_614 = arith.minimumf %min3A_610, %get3A_613 : vector<16xf32>
    %get3A_615 = arith.constant 1008 : index
    %get3A_616 = tpu.vector_load %arg12[%get3A_615] {strides = array<i32>} : memref<2048xf32, #tpu.memory_space<vmem>>, vector<16xf32>,
    %get3A_617 = vector.shape_cast %get3A_616 : vector<16xf32> to vector<16xf32>
    %min3A_618 = arith.minimumf %min3A_614, %get3A_617 : vector<16xf32>
    %get3A_619 = arith.constant 1136 : index
    %get3A_620 = tpu.vector_load %arg12[%get3A_619] {strides = array<i32>} : memref<2048xf32, #tpu.memory_space<vmem>>, vector<16xf32>,
    %get3A_621 = vector.shape_cast %get3A_620 : vector<16xf32> to vector<16xf32>
    %min3A_622 = arith.minimumf %min3A_618, %get3A_621 : vector<16xf32>
    %get3A_623 = arith.constant 1264 : index
    %get3A_624 = tpu.vector_load %arg12[%get3A_623] {strides = array<i32>} : memref<2048xf32, #tpu.memory_space<vmem>>, vector<16xf32>,
    %get3A_625 = vector.shape_cast %get3A_624 : vector<16xf32> to vector<16xf32>
    %min3A_626 = arith.minimumf %min3A_622, %get3A_625 : vector<16xf32>
    %get3A_627 = arith.constant 1392 : index
    %get3A_628 = tpu.vector_load %arg12[%get3A_627] {strides = array<i32>} : memref<2048xf32, #tpu.memory_space<vmem>>, vector<16xf32>,
    %get3A_629 = vector.shape_cast %get3A_628 : vector<16xf32> to vector<16xf32>
    %min3A_630 = arith.minimumf %min3A_626, %get3A_629 : vector<16xf32>
    %get3A_631 = arith.constant 1520 : index
    %get3A_632 = tpu.vector_load %arg12[%get3A_631] {strides = array<i32>} : memref<2048xf32, #tpu.memory_space<vmem>>, vector<16xf32>,
    %get3A_633 = vector.shape_cast %get3A_632 : vector<16xf32> to vector<16xf32>
    %min3A_634 = arith.minimumf %min3A_630, %get3A_633 : vector<16xf32>
    %get3A_635 = arith.constant 1648 : index
    %get3A_636 = tpu.vector_load %arg12[%get3A_635] {strides = array<i32>} : memref<2048xf32, #tpu.memory_space<vmem>>, vector<16xf32>,
    %get3A_637 = vector.shape_cast %get3A_636 : vector<16xf32> to vector<16xf32>
    %min3A_638 = arith.minimumf %min3A_634, %get3A_637 : vector<16xf32>
    %get3A_639 = arith.constant 1776 : index
    %get3A_640 = tpu.vector_load %arg12[%get3A_639] {strides = array<i32>} : memref<2048xf32, #tpu.memory_space<vmem>>, vector<16xf32>,
    %get3A_641 = vector.shape_cast %get3A_640 : vector<16xf32> to vector<16xf32>
    %min3A_642 = arith.minimumf %min3A_638, %get3A_641 : vector<16xf32>
    %get3A_643 = arith.constant 1904 : index
    %get3A_644 = tpu.vector_load %arg12[%get3A_643] {strides = array<i32>} : memref<2048xf32, #tpu.memory_space<vmem>>, vector<16xf32>,
    %get3A_645 = vector.shape_cast %get3A_644 : vector<16xf32> to vector<16xf32>
    %min3A_646 = arith.minimumf %min3A_642, %get3A_645 : vector<16xf32>
    %get3A_647 = arith.constant 2032 : index
    %get3A_648 = tpu.vector_load %arg12[%get3A_647] {strides = array<i32>} : memref<2048xf32, #tpu.memory_space<vmem>>, vector<16xf32>,
    %get3A_649 = vector.shape_cast %get3A_648 : vector<16xf32> to vector<16xf32>
    %min3A_650 = arith.minimumf %min3A_646, %get3A_649 : vector<16xf32>
    %add3A_651 = arith.addf %add3A_587, %min3A_650 : vector<16xf32>
    %swap3A_652 = arith.constant 0 : index
    %swap3A_653 = tpu.vector_load %arg14[%swap3A_652] {strides = array<i32>} : memref<32xf32, #tpu.memory_space<vmem>>, vector<16xf32>,
    %swap3A_654 = vector.shape_cast %swap3A_653 : vector<16xf32> to vector<16xf32>
    %swap3A_655 = vector.shape_cast %add3A_651 : vector<16xf32> to vector<16xf32>
    tpu.vector_store %arg14[%swap3A_652], %swap3A_655 {strides = array<i32>} : memref<32xf32, #tpu.memory_space<vmem>>, vector<16xf32>,
    %get3A_656 = arith.constant 8 : index
    %get3A_657 = tpu.vector_load %arg14[%get3A_656] {strides = array<i32>} : memref<32xf32, #tpu.memory_space<vmem>>, vector<16xf32>,
    %get3A_658 = vector.shape_cast %get3A_657 : vector<16xf32> to vector<16xf32>
    %add3A_659 = arith.addf %add3A_651, %get3A_658 : vector<16xf32>
    %swap3A_660 = arith.constant 0 : index
    %swap3A_661 = tpu.vector_load %arg14[%swap3A_660] {strides = array<i32>} : memref<32xf32, #tpu.memory_space<vmem>>, vector<16xf32>,
    %swap3A_662 = vector.shape_cast %swap3A_661 : vector<16xf32> to vector<16xf32>
    %swap3A_663 = vector.shape_cast %add3A_659 : vector<16xf32> to vector<16xf32>
    tpu.vector_store %arg14[%swap3A_660], %swap3A_663 {strides = array<i32>} : memref<32xf32, #tpu.memory_space<vmem>>, vector<16xf32>,
    %get3A_664 = arith.constant 4 : index
    %get3A_665 = tpu.vector_load %arg14[%get3A_664] {strides = array<i32>} : memref<32xf32, #tpu.memory_space<vmem>>, vector<16xf32>,
    %get3A_666 = vector.shape_cast %get3A_665 : vector<16xf32> to vector<16xf32>
    %add3A_667 = arith.addf %add3A_659, %get3A_666 : vector<16xf32>
    %swap3A_668 = arith.constant 0 : index
    %swap3A_669 = tpu.vector_load %arg14[%swap3A_668] {strides = array<i32>} : memref<32xf32, #tpu.memory_space<vmem>>, vector<16xf32>,
    %swap3A_670 = vector.shape_cast %swap3A_669 : vector<16xf32> to vector<16xf32>
    %swap3A_671 = vector.shape_cast %add3A_667 : vector<16xf32> to vector<16xf32>
    tpu.vector_store %arg14[%swap3A_668], %swap3A_671 {strides = array<i32>} : memref<32xf32, #tpu.memory_space<vmem>>, vector<16xf32>,
    %get3A_672 = arith.constant 2 : index
    %get3A_673 = tpu.vector_load %arg14[%get3A_672] {strides = array<i32>} : memref<32xf32, #tpu.memory_space<vmem>>, vector<16xf32>,
    %get3A_674 = vector.shape_cast %get3A_673 : vector<16xf32> to vector<16xf32>
    %add3A_675 = arith.addf %add3A_667, %get3A_674 : vector<16xf32>
    %swap3A_676 = arith.constant 0 : index
    %swap3A_677 = tpu.vector_load %arg14[%swap3A_676] {strides = array<i32>} : memref<32xf32, #tpu.memory_space<vmem>>, vector<16xf32>,
    %swap3A_678 = vector.shape_cast %swap3A_677 : vector<16xf32> to vector<16xf32>
    %swap3A_679 = vector.shape_cast %add3A_675 : vector<16xf32> to vector<16xf32>
    tpu.vector_store %arg14[%swap3A_676], %swap3A_679 {strides = array<i32>} : memref<32xf32, #tpu.memory_space<vmem>>, vector<16xf32>,
    %get3A_680 = arith.constant 1 : index
    %get3A_681 = tpu.vector_load %arg14[%get3A_680] {strides = array<i32>} : memref<32xf32, #tpu.memory_space<vmem>>, vector<16xf32>,
    %get3A_682 = vector.shape_cast %get3A_681 : vector<16xf32> to vector<16xf32>
    %add3A_683 = arith.addf %add3A_675, %get3A_682 : vector<16xf32>
    %swap3A_684 = arith.constant 0 : index
    %swap3A_685 = tpu.vector_load %arg15[%swap3A_684] {strides = array<i32>} : memref<16xf32, #tpu.memory_space<vmem>>, vector<16xf32>,
    %swap3A_686 = vector.shape_cast %swap3A_685 : vector<16xf32> to vector<16xf32>
    %swap3A_687 = vector.shape_cast %add3A_683 : vector<16xf32> to vector<16xf32>
    tpu.vector_store %arg15[%swap3A_684], %swap3A_687 {strides = array<i32>} : memref<16xf32, #tpu.memory_space<vmem>>, vector<16xf32>,
    "tpu.region"() ({
      %run_scoped3A_688 = tpu.sem_alloc : memref<!tpu.dma_semaphore, #tpu.memory_space<semaphore_mem>>
      %dma_start3A = arith.constant 0 : i32
      %dma_start3A_689 = tpu.memref_slice %arg7[%add3A, %dma_start3A] : memref<32x16xf32, #tpu.memory_space<hbm>> -> memref<1x16xf32, #tpu.memory_space<hbm>>
      %dma_start3A_690 = tpu.memref_squeeze %dma_start3A_689 : memref<1x16xf32, #tpu.memory_space<hbm>> -> memref<16xf32, #tpu.memory_space<hbm>>
      %dma_start3A_691 = arith.constant 0 : i32
      %dma_start3A_692 = tpu.memref_slice %arg7[%add3A, %dma_start3A_691] : memref<32x16xf32, #tpu.memory_space<hbm>> -> memref<1x16xf32, #tpu.memory_space<hbm>>
      %dma_start3A_693 = tpu.memref_squeeze %dma_start3A_692 : memref<1x16xf32, #tpu.memory_space<hbm>> -> memref<16xf32, #tpu.memory_space<hbm>>
      tpu.enqueue_dma source(%arg15 : memref<16xf32, #tpu.memory_space<vmem>>) target(%dma_start3A_693 : memref<16xf32, #tpu.memory_space<hbm>>) target_semaphore(%run_scoped3A_688 : memref<!tpu.dma_semaphore, #tpu.memory_space<semaphore_mem>>)
      %dma_wait3A = arith.constant 0 : i32
      %dma_wait3A_694 = tpu.memref_slice %arg7[%add3A, %dma_wait3A] : memref<32x16xf32, #tpu.memory_space<hbm>> -> memref<1x16xf32, #tpu.memory_space<hbm>>
      %dma_wait3A_695 = tpu.memref_squeeze %dma_wait3A_694 : memref<1x16xf32, #tpu.memory_space<hbm>> -> memref<16xf32, #tpu.memory_space<hbm>>
      %dma_wait3A_696 = arith.constant 0 : i32
      %dma_wait3A_697 = tpu.memref_slice %arg7[%add3A, %dma_wait3A_696] : memref<32x16xf32, #tpu.memory_space<hbm>> -> memref<1x16xf32, #tpu.memory_space<hbm>>
      %dma_wait3A_698 = tpu.memref_squeeze %dma_wait3A_697 : memref<1x16xf32, #tpu.memory_space<hbm>> -> memref<16xf32, #tpu.memory_space<hbm>>
      tpu.wait_dma2 semaphore(%run_scoped3A_688 : memref<!tpu.dma_semaphore, #tpu.memory_space<semaphore_mem>>) src(%arg15 : memref<16xf32, #tpu.memory_space<vmem>>) dst(%dma_wait3A_698 : memref<16xf32, #tpu.memory_space<hbm>>)
      tpu.yield
    }) : () -> ()
    return
  }
}

module attributes {stable_mosaic.version = 14 : i64} {
  func.func @_chamfer_tc_body(%arg0: i32, %arg1: memref<2048x6xf32, #tpu.memory_space<vmem>>, %arg2: memref<2048x6xf32, #tpu.memory_space<vmem>>, %arg3: memref<6x2048xf32, #tpu.memory_space<vmem>>, %arg4: memref<6x2048xf32, #tpu.memory_space<vmem>>, %arg5: memref<1x1xf32, #tpu.memory_space<smem>>, %arg6: memref<6x2048xf32, #tpu.memory_space<vmem>>) attributes {dimension_semantics = [#tpu.dimension_semantics<arbitrary>], iteration_bounds = array<i64: 1>, scalar_prefetch = 0 : i64, scratch_operands = 1 : i64, tpu.core_type = #tpu.core_type<tc>, window_params = [{transform_indices = @transform_0, window_bounds = array<i64: 2048, 6>}, {transform_indices = @transform_1, window_bounds = array<i64: 2048, 6>}, {pipeline_mode = #tpu.pipeline_mode<synchronous>, transform_indices = @transform_2, window_bounds = array<i64: 6, 2048>}, {pipeline_mode = #tpu.pipeline_mode<synchronous>, transform_indices = @transform_3, window_bounds = array<i64: 6, 2048>}, {transform_indices = @transform_4, window_bounds = array<i64: 1, 1>}]} {
    %get3A = arith.constant 0 : index
    %get3A_0 = arith.constant 0 : index
    %get3A_1 = vector.load %arg1[%get3A, %get3A_0] : memref<2048x6xf32, #tpu.memory_space<vmem>>, vector<2048x1xf32>
    %get3A_2 = arith.constant 0 : index
    %get3A_3 = arith.constant 0 : index
    %get3A_4 = vector.load %arg2[%get3A_2, %get3A_3] : memref<2048x6xf32, #tpu.memory_space<vmem>>, vector<2048x1xf32>
    %get3A_5 = arith.constant 0 : index
    %get3A_6 = arith.constant 0 : index
    %get3A_7 = vector.load %arg3[%get3A_5, %get3A_6] : memref<6x2048xf32, #tpu.memory_space<vmem>>, vector<1x2048xf32>
    %get3A_8 = arith.constant 0 : index
    %get3A_9 = arith.constant 0 : index
    %get3A_10 = vector.load %arg4[%get3A_8, %get3A_9] : memref<6x2048xf32, #tpu.memory_space<vmem>>, vector<1x2048xf32>
    %sub3A = vector.broadcast %get3A_1 : vector<2048x1xf32> to vector<2048x2048xf32>
    %sub3A_11 = vector.broadcast %get3A_7 : vector<1x2048xf32> to vector<2048x2048xf32>
    %sub3A_12 = arith.subf %sub3A, %sub3A_11 : vector<2048x2048xf32>
    %sub3A_13 = vector.broadcast %get3A_4 : vector<2048x1xf32> to vector<2048x2048xf32>
    %sub3A_14 = vector.broadcast %get3A_10 : vector<1x2048xf32> to vector<2048x2048xf32>
    %sub3A_15 = arith.subf %sub3A_13, %sub3A_14 : vector<2048x2048xf32>
    %mul3A = arith.mulf %sub3A_12, %sub3A_12 : vector<2048x2048xf32>
    %mul3A_16 = arith.mulf %sub3A_15, %sub3A_15 : vector<2048x2048xf32>
    %add3A = arith.addf %mul3A, %mul3A_16 : vector<2048x2048xf32>
    %reduce_min3A = arith.constant dense<0x7F800000> : vector<2048xf32>
    %reduce_min3A_17 = vector.multi_reduction <minimumf>, %add3A, %reduce_min3A [1] : vector<2048x2048xf32> to vector<2048xf32>
    %reduce_sum3A = vector.shape_cast %reduce_min3A_17 : vector<2048xf32> to vector<1x2048xf32>
    %reduce_sum3A_18 = arith.constant dense<0.000000e+00> : vector<1xf32>
    %reduce_sum3A_19 = vector.multi_reduction <add>, %reduce_sum3A, %reduce_sum3A_18 [1] : vector<1x2048xf32> to vector<1xf32>
    %reduce_sum3A_20 = vector.shape_cast %reduce_sum3A_19 : vector<1xf32> to vector<1x1xf32>
    %reduce_sum3A_21 = vector.extract %reduce_sum3A_20[0, 0] : f32 from vector<1x1xf32>
    %add3A_22 = arith.constant 0.000000e+00 : f32
    %add3A_23 = arith.addf %add3A_22, %reduce_sum3A_21 : f32
    %reduce_min3A_24 = arith.constant dense<0x7F800000> : vector<2048xf32>
    %reduce_min3A_25 = vector.multi_reduction <minimumf>, %add3A, %reduce_min3A_24 [0] : vector<2048x2048xf32> to vector<2048xf32>
    %broadcast_in_dim3A = vector.shape_cast %reduce_min3A_25 : vector<2048xf32> to vector<1x2048xf32>
    %eq3A = arith.constant 0 : i32
    %eq3A_26 = arith.cmpi eq, %arg0, %eq3A : i32
    %convert_element_type3A = arith.extui %eq3A_26 : i1 to i32
    %cond3A = arith.constant 0 : i32
    %cond3A_27 = arith.cmpi ne, %convert_element_type3A, %cond3A : i32
    scf.if %cond3A_27 {
      %swap3A_260 = arith.constant 0 : index
      %swap3A_261 = arith.constant 0 : index
      %swap3A_262 = vector.load %arg6[%swap3A_260, %swap3A_261] : memref<6x2048xf32, #tpu.memory_space<vmem>>, vector<1x2048xf32>
      tpu.vector_store %arg6[%swap3A_260, %swap3A_261], %broadcast_in_dim3A {strides = array<i32>} : memref<6x2048xf32, #tpu.memory_space<vmem>>, vector<1x2048xf32>,
    } else {
    }
    %ne3A = arith.constant 0 : i32
    %ne3A_28 = arith.cmpi ne, %arg0, %ne3A : i32
    %convert_element_type3A_29 = arith.extui %ne3A_28 : i1 to i32
    %cond3A_30 = arith.constant 0 : i32
    %cond3A_31 = arith.cmpi ne, %convert_element_type3A_29, %cond3A_30 : i32
    scf.if %cond3A_31 {
      %get3A_260 = arith.constant 0 : index
      %get3A_261 = arith.constant 0 : index
      %get3A_262 = vector.load %arg6[%get3A_260, %get3A_261] : memref<6x2048xf32, #tpu.memory_space<vmem>>, vector<1x2048xf32>
      %min3A = arith.minimumf %get3A_262, %broadcast_in_dim3A : vector<1x2048xf32>
      %swap3A_263 = arith.constant 0 : index
      %swap3A_264 = arith.constant 0 : index
      %swap3A_265 = vector.load %arg6[%swap3A_263, %swap3A_264] : memref<6x2048xf32, #tpu.memory_space<vmem>>, vector<1x2048xf32>
      tpu.vector_store %arg6[%swap3A_263, %swap3A_264], %min3A {strides = array<i32>} : memref<6x2048xf32, #tpu.memory_space<vmem>>, vector<1x2048xf32>,
    } else {
    }
    %get3A_32 = arith.constant 0 : index
    %get3A_33 = arith.constant 1 : index
    %get3A_34 = vector.load %arg1[%get3A_32, %get3A_33] : memref<2048x6xf32, #tpu.memory_space<vmem>>, vector<2048x1xf32>
    %get3A_35 = arith.constant 0 : index
    %get3A_36 = arith.constant 1 : index
    %get3A_37 = vector.load %arg2[%get3A_35, %get3A_36] : memref<2048x6xf32, #tpu.memory_space<vmem>>, vector<2048x1xf32>
    %get3A_38 = arith.constant 1 : index
    %get3A_39 = arith.constant 0 : index
    %get3A_40 = vector.load %arg3[%get3A_38, %get3A_39] : memref<6x2048xf32, #tpu.memory_space<vmem>>, vector<1x2048xf32>
    %get3A_41 = arith.constant 1 : index
    %get3A_42 = arith.constant 0 : index
    %get3A_43 = vector.load %arg4[%get3A_41, %get3A_42] : memref<6x2048xf32, #tpu.memory_space<vmem>>, vector<1x2048xf32>
    %sub3A_44 = vector.broadcast %get3A_34 : vector<2048x1xf32> to vector<2048x2048xf32>
    %sub3A_45 = vector.broadcast %get3A_40 : vector<1x2048xf32> to vector<2048x2048xf32>
    %sub3A_46 = arith.subf %sub3A_44, %sub3A_45 : vector<2048x2048xf32>
    %sub3A_47 = vector.broadcast %get3A_37 : vector<2048x1xf32> to vector<2048x2048xf32>
    %sub3A_48 = vector.broadcast %get3A_43 : vector<1x2048xf32> to vector<2048x2048xf32>
    %sub3A_49 = arith.subf %sub3A_47, %sub3A_48 : vector<2048x2048xf32>
    %mul3A_50 = arith.mulf %sub3A_46, %sub3A_46 : vector<2048x2048xf32>
    %mul3A_51 = arith.mulf %sub3A_49, %sub3A_49 : vector<2048x2048xf32>
    %add3A_52 = arith.addf %mul3A_50, %mul3A_51 : vector<2048x2048xf32>
    %reduce_min3A_53 = arith.constant dense<0x7F800000> : vector<2048xf32>
    %reduce_min3A_54 = vector.multi_reduction <minimumf>, %add3A_52, %reduce_min3A_53 [1] : vector<2048x2048xf32> to vector<2048xf32>
    %reduce_sum3A_55 = vector.shape_cast %reduce_min3A_54 : vector<2048xf32> to vector<1x2048xf32>
    %reduce_sum3A_56 = arith.constant dense<0.000000e+00> : vector<1xf32>
    %reduce_sum3A_57 = vector.multi_reduction <add>, %reduce_sum3A_55, %reduce_sum3A_56 [1] : vector<1x2048xf32> to vector<1xf32>
    %reduce_sum3A_58 = vector.shape_cast %reduce_sum3A_57 : vector<1xf32> to vector<1x1xf32>
    %reduce_sum3A_59 = vector.extract %reduce_sum3A_58[0, 0] : f32 from vector<1x1xf32>
    %add3A_60 = arith.addf %add3A_23, %reduce_sum3A_59 : f32
    %reduce_min3A_61 = arith.constant dense<0x7F800000> : vector<2048xf32>
    %reduce_min3A_62 = vector.multi_reduction <minimumf>, %add3A_52, %reduce_min3A_61 [0] : vector<2048x2048xf32> to vector<2048xf32>
    %broadcast_in_dim3A_63 = vector.shape_cast %reduce_min3A_62 : vector<2048xf32> to vector<1x2048xf32>
    %eq3A_64 = arith.constant 0 : i32
    %eq3A_65 = arith.cmpi eq, %arg0, %eq3A_64 : i32
    %convert_element_type3A_66 = arith.extui %eq3A_65 : i1 to i32
    %cond3A_67 = arith.constant 0 : i32
    %cond3A_68 = arith.cmpi ne, %convert_element_type3A_66, %cond3A_67 : i32
    scf.if %cond3A_68 {
      %swap3A_260 = arith.constant 1 : index
      %swap3A_261 = arith.constant 0 : index
      %swap3A_262 = vector.load %arg6[%swap3A_260, %swap3A_261] : memref<6x2048xf32, #tpu.memory_space<vmem>>, vector<1x2048xf32>
      tpu.vector_store %arg6[%swap3A_260, %swap3A_261], %broadcast_in_dim3A_63 {strides = array<i32>} : memref<6x2048xf32, #tpu.memory_space<vmem>>, vector<1x2048xf32>,
    } else {
    }
    %ne3A_69 = arith.constant 0 : i32
    %ne3A_70 = arith.cmpi ne, %arg0, %ne3A_69 : i32
    %convert_element_type3A_71 = arith.extui %ne3A_70 : i1 to i32
    %cond3A_72 = arith.constant 0 : i32
    %cond3A_73 = arith.cmpi ne, %convert_element_type3A_71, %cond3A_72 : i32
    scf.if %cond3A_73 {
      %get3A_260 = arith.constant 1 : index
      %get3A_261 = arith.constant 0 : index
      %get3A_262 = vector.load %arg6[%get3A_260, %get3A_261] : memref<6x2048xf32, #tpu.memory_space<vmem>>, vector<1x2048xf32>
      %min3A = arith.minimumf %get3A_262, %broadcast_in_dim3A_63 : vector<1x2048xf32>
      %swap3A_263 = arith.constant 1 : index
      %swap3A_264 = arith.constant 0 : index
      %swap3A_265 = vector.load %arg6[%swap3A_263, %swap3A_264] : memref<6x2048xf32, #tpu.memory_space<vmem>>, vector<1x2048xf32>
      tpu.vector_store %arg6[%swap3A_263, %swap3A_264], %min3A {strides = array<i32>} : memref<6x2048xf32, #tpu.memory_space<vmem>>, vector<1x2048xf32>,
    } else {
    }
    %get3A_74 = arith.constant 0 : index
    %get3A_75 = arith.constant 2 : index
    %get3A_76 = vector.load %arg1[%get3A_74, %get3A_75] : memref<2048x6xf32, #tpu.memory_space<vmem>>, vector<2048x1xf32>
    %get3A_77 = arith.constant 0 : index
    %get3A_78 = arith.constant 2 : index
    %get3A_79 = vector.load %arg2[%get3A_77, %get3A_78] : memref<2048x6xf32, #tpu.memory_space<vmem>>, vector<2048x1xf32>
    %get3A_80 = arith.constant 2 : index
    %get3A_81 = arith.constant 0 : index
    %get3A_82 = vector.load %arg3[%get3A_80, %get3A_81] : memref<6x2048xf32, #tpu.memory_space<vmem>>, vector<1x2048xf32>
    %get3A_83 = arith.constant 2 : index
    %get3A_84 = arith.constant 0 : index
    %get3A_85 = vector.load %arg4[%get3A_83, %get3A_84] : memref<6x2048xf32, #tpu.memory_space<vmem>>, vector<1x2048xf32>
    %sub3A_86 = vector.broadcast %get3A_76 : vector<2048x1xf32> to vector<2048x2048xf32>
    %sub3A_87 = vector.broadcast %get3A_82 : vector<1x2048xf32> to vector<2048x2048xf32>
    %sub3A_88 = arith.subf %sub3A_86, %sub3A_87 : vector<2048x2048xf32>
    %sub3A_89 = vector.broadcast %get3A_79 : vector<2048x1xf32> to vector<2048x2048xf32>
    %sub3A_90 = vector.broadcast %get3A_85 : vector<1x2048xf32> to vector<2048x2048xf32>
    %sub3A_91 = arith.subf %sub3A_89, %sub3A_90 : vector<2048x2048xf32>
    %mul3A_92 = arith.mulf %sub3A_88, %sub3A_88 : vector<2048x2048xf32>
    %mul3A_93 = arith.mulf %sub3A_91, %sub3A_91 : vector<2048x2048xf32>
    %add3A_94 = arith.addf %mul3A_92, %mul3A_93 : vector<2048x2048xf32>
    %reduce_min3A_95 = arith.constant dense<0x7F800000> : vector<2048xf32>
    %reduce_min3A_96 = vector.multi_reduction <minimumf>, %add3A_94, %reduce_min3A_95 [1] : vector<2048x2048xf32> to vector<2048xf32>
    %reduce_sum3A_97 = vector.shape_cast %reduce_min3A_96 : vector<2048xf32> to vector<1x2048xf32>
    %reduce_sum3A_98 = arith.constant dense<0.000000e+00> : vector<1xf32>
    %reduce_sum3A_99 = vector.multi_reduction <add>, %reduce_sum3A_97, %reduce_sum3A_98 [1] : vector<1x2048xf32> to vector<1xf32>
    %reduce_sum3A_100 = vector.shape_cast %reduce_sum3A_99 : vector<1xf32> to vector<1x1xf32>
    %reduce_sum3A_101 = vector.extract %reduce_sum3A_100[0, 0] : f32 from vector<1x1xf32>
    %add3A_102 = arith.addf %add3A_60, %reduce_sum3A_101 : f32
    %reduce_min3A_103 = arith.constant dense<0x7F800000> : vector<2048xf32>
    %reduce_min3A_104 = vector.multi_reduction <minimumf>, %add3A_94, %reduce_min3A_103 [0] : vector<2048x2048xf32> to vector<2048xf32>
    %broadcast_in_dim3A_105 = vector.shape_cast %reduce_min3A_104 : vector<2048xf32> to vector<1x2048xf32>
    %eq3A_106 = arith.constant 0 : i32
    %eq3A_107 = arith.cmpi eq, %arg0, %eq3A_106 : i32
    %convert_element_type3A_108 = arith.extui %eq3A_107 : i1 to i32
    %cond3A_109 = arith.constant 0 : i32
    %cond3A_110 = arith.cmpi ne, %convert_element_type3A_108, %cond3A_109 : i32
    scf.if %cond3A_110 {
      %swap3A_260 = arith.constant 2 : index
      %swap3A_261 = arith.constant 0 : index
      %swap3A_262 = vector.load %arg6[%swap3A_260, %swap3A_261] : memref<6x2048xf32, #tpu.memory_space<vmem>>, vector<1x2048xf32>
      tpu.vector_store %arg6[%swap3A_260, %swap3A_261], %broadcast_in_dim3A_105 {strides = array<i32>} : memref<6x2048xf32, #tpu.memory_space<vmem>>, vector<1x2048xf32>,
    } else {
    }
    %ne3A_111 = arith.constant 0 : i32
    %ne3A_112 = arith.cmpi ne, %arg0, %ne3A_111 : i32
    %convert_element_type3A_113 = arith.extui %ne3A_112 : i1 to i32
    %cond3A_114 = arith.constant 0 : i32
    %cond3A_115 = arith.cmpi ne, %convert_element_type3A_113, %cond3A_114 : i32
    scf.if %cond3A_115 {
      %get3A_260 = arith.constant 2 : index
      %get3A_261 = arith.constant 0 : index
      %get3A_262 = vector.load %arg6[%get3A_260, %get3A_261] : memref<6x2048xf32, #tpu.memory_space<vmem>>, vector<1x2048xf32>
      %min3A = arith.minimumf %get3A_262, %broadcast_in_dim3A_105 : vector<1x2048xf32>
      %swap3A_263 = arith.constant 2 : index
      %swap3A_264 = arith.constant 0 : index
      %swap3A_265 = vector.load %arg6[%swap3A_263, %swap3A_264] : memref<6x2048xf32, #tpu.memory_space<vmem>>, vector<1x2048xf32>
      tpu.vector_store %arg6[%swap3A_263, %swap3A_264], %min3A {strides = array<i32>} : memref<6x2048xf32, #tpu.memory_space<vmem>>, vector<1x2048xf32>,
    } else {
    }
    %get3A_116 = arith.constant 0 : index
    %get3A_117 = arith.constant 3 : index
    %get3A_118 = vector.load %arg1[%get3A_116, %get3A_117] : memref<2048x6xf32, #tpu.memory_space<vmem>>, vector<2048x1xf32>
    %get3A_119 = arith.constant 0 : index
    %get3A_120 = arith.constant 3 : index
    %get3A_121 = vector.load %arg2[%get3A_119, %get3A_120] : memref<2048x6xf32, #tpu.memory_space<vmem>>, vector<2048x1xf32>
    %get3A_122 = arith.constant 3 : index
    %get3A_123 = arith.constant 0 : index
    %get3A_124 = vector.load %arg3[%get3A_122, %get3A_123] : memref<6x2048xf32, #tpu.memory_space<vmem>>, vector<1x2048xf32>
    %get3A_125 = arith.constant 3 : index
    %get3A_126 = arith.constant 0 : index
    %get3A_127 = vector.load %arg4[%get3A_125, %get3A_126] : memref<6x2048xf32, #tpu.memory_space<vmem>>, vector<1x2048xf32>
    %sub3A_128 = vector.broadcast %get3A_118 : vector<2048x1xf32> to vector<2048x2048xf32>
    %sub3A_129 = vector.broadcast %get3A_124 : vector<1x2048xf32> to vector<2048x2048xf32>
    %sub3A_130 = arith.subf %sub3A_128, %sub3A_129 : vector<2048x2048xf32>
    %sub3A_131 = vector.broadcast %get3A_121 : vector<2048x1xf32> to vector<2048x2048xf32>
    %sub3A_132 = vector.broadcast %get3A_127 : vector<1x2048xf32> to vector<2048x2048xf32>
    %sub3A_133 = arith.subf %sub3A_131, %sub3A_132 : vector<2048x2048xf32>
    %mul3A_134 = arith.mulf %sub3A_130, %sub3A_130 : vector<2048x2048xf32>
    %mul3A_135 = arith.mulf %sub3A_133, %sub3A_133 : vector<2048x2048xf32>
    %add3A_136 = arith.addf %mul3A_134, %mul3A_135 : vector<2048x2048xf32>
    %reduce_min3A_137 = arith.constant dense<0x7F800000> : vector<2048xf32>
    %reduce_min3A_138 = vector.multi_reduction <minimumf>, %add3A_136, %reduce_min3A_137 [1] : vector<2048x2048xf32> to vector<2048xf32>
    %reduce_sum3A_139 = vector.shape_cast %reduce_min3A_138 : vector<2048xf32> to vector<1x2048xf32>
    %reduce_sum3A_140 = arith.constant dense<0.000000e+00> : vector<1xf32>
    %reduce_sum3A_141 = vector.multi_reduction <add>, %reduce_sum3A_139, %reduce_sum3A_140 [1] : vector<1x2048xf32> to vector<1xf32>
    %reduce_sum3A_142 = vector.shape_cast %reduce_sum3A_141 : vector<1xf32> to vector<1x1xf32>
    %reduce_sum3A_143 = vector.extract %reduce_sum3A_142[0, 0] : f32 from vector<1x1xf32>
    %add3A_144 = arith.addf %add3A_102, %reduce_sum3A_143 : f32
    %reduce_min3A_145 = arith.constant dense<0x7F800000> : vector<2048xf32>
    %reduce_min3A_146 = vector.multi_reduction <minimumf>, %add3A_136, %reduce_min3A_145 [0] : vector<2048x2048xf32> to vector<2048xf32>
    %broadcast_in_dim3A_147 = vector.shape_cast %reduce_min3A_146 : vector<2048xf32> to vector<1x2048xf32>
    %eq3A_148 = arith.constant 0 : i32
    %eq3A_149 = arith.cmpi eq, %arg0, %eq3A_148 : i32
    %convert_element_type3A_150 = arith.extui %eq3A_149 : i1 to i32
    %cond3A_151 = arith.constant 0 : i32
    %cond3A_152 = arith.cmpi ne, %convert_element_type3A_150, %cond3A_151 : i32
    scf.if %cond3A_152 {
      %swap3A_260 = arith.constant 3 : index
      %swap3A_261 = arith.constant 0 : index
      %swap3A_262 = vector.load %arg6[%swap3A_260, %swap3A_261] : memref<6x2048xf32, #tpu.memory_space<vmem>>, vector<1x2048xf32>
      tpu.vector_store %arg6[%swap3A_260, %swap3A_261], %broadcast_in_dim3A_147 {strides = array<i32>} : memref<6x2048xf32, #tpu.memory_space<vmem>>, vector<1x2048xf32>,
    } else {
    }
    %ne3A_153 = arith.constant 0 : i32
    %ne3A_154 = arith.cmpi ne, %arg0, %ne3A_153 : i32
    %convert_element_type3A_155 = arith.extui %ne3A_154 : i1 to i32
    %cond3A_156 = arith.constant 0 : i32
    %cond3A_157 = arith.cmpi ne, %convert_element_type3A_155, %cond3A_156 : i32
    scf.if %cond3A_157 {
      %get3A_260 = arith.constant 3 : index
      %get3A_261 = arith.constant 0 : index
      %get3A_262 = vector.load %arg6[%get3A_260, %get3A_261] : memref<6x2048xf32, #tpu.memory_space<vmem>>, vector<1x2048xf32>
      %min3A = arith.minimumf %get3A_262, %broadcast_in_dim3A_147 : vector<1x2048xf32>
      %swap3A_263 = arith.constant 3 : index
      %swap3A_264 = arith.constant 0 : index
      %swap3A_265 = vector.load %arg6[%swap3A_263, %swap3A_264] : memref<6x2048xf32, #tpu.memory_space<vmem>>, vector<1x2048xf32>
      tpu.vector_store %arg6[%swap3A_263, %swap3A_264], %min3A {strides = array<i32>} : memref<6x2048xf32, #tpu.memory_space<vmem>>, vector<1x2048xf32>,
    } else {
    }
    %get3A_158 = arith.constant 0 : index
    %get3A_159 = arith.constant 4 : index
    %get3A_160 = vector.load %arg1[%get3A_158, %get3A_159] : memref<2048x6xf32, #tpu.memory_space<vmem>>, vector<2048x1xf32>
    %get3A_161 = arith.constant 0 : index
    %get3A_162 = arith.constant 4 : index
    %get3A_163 = vector.load %arg2[%get3A_161, %get3A_162] : memref<2048x6xf32, #tpu.memory_space<vmem>>, vector<2048x1xf32>
    %get3A_164 = arith.constant 4 : index
    %get3A_165 = arith.constant 0 : index
    %get3A_166 = vector.load %arg3[%get3A_164, %get3A_165] : memref<6x2048xf32, #tpu.memory_space<vmem>>, vector<1x2048xf32>
    %get3A_167 = arith.constant 4 : index
    %get3A_168 = arith.constant 0 : index
    %get3A_169 = vector.load %arg4[%get3A_167, %get3A_168] : memref<6x2048xf32, #tpu.memory_space<vmem>>, vector<1x2048xf32>
    %sub3A_170 = vector.broadcast %get3A_160 : vector<2048x1xf32> to vector<2048x2048xf32>
    %sub3A_171 = vector.broadcast %get3A_166 : vector<1x2048xf32> to vector<2048x2048xf32>
    %sub3A_172 = arith.subf %sub3A_170, %sub3A_171 : vector<2048x2048xf32>
    %sub3A_173 = vector.broadcast %get3A_163 : vector<2048x1xf32> to vector<2048x2048xf32>
    %sub3A_174 = vector.broadcast %get3A_169 : vector<1x2048xf32> to vector<2048x2048xf32>
    %sub3A_175 = arith.subf %sub3A_173, %sub3A_174 : vector<2048x2048xf32>
    %mul3A_176 = arith.mulf %sub3A_172, %sub3A_172 : vector<2048x2048xf32>
    %mul3A_177 = arith.mulf %sub3A_175, %sub3A_175 : vector<2048x2048xf32>
    %add3A_178 = arith.addf %mul3A_176, %mul3A_177 : vector<2048x2048xf32>
    %reduce_min3A_179 = arith.constant dense<0x7F800000> : vector<2048xf32>
    %reduce_min3A_180 = vector.multi_reduction <minimumf>, %add3A_178, %reduce_min3A_179 [1] : vector<2048x2048xf32> to vector<2048xf32>
    %reduce_sum3A_181 = vector.shape_cast %reduce_min3A_180 : vector<2048xf32> to vector<1x2048xf32>
    %reduce_sum3A_182 = arith.constant dense<0.000000e+00> : vector<1xf32>
    %reduce_sum3A_183 = vector.multi_reduction <add>, %reduce_sum3A_181, %reduce_sum3A_182 [1] : vector<1x2048xf32> to vector<1xf32>
    %reduce_sum3A_184 = vector.shape_cast %reduce_sum3A_183 : vector<1xf32> to vector<1x1xf32>
    %reduce_sum3A_185 = vector.extract %reduce_sum3A_184[0, 0] : f32 from vector<1x1xf32>
    %add3A_186 = arith.addf %add3A_144, %reduce_sum3A_185 : f32
    %reduce_min3A_187 = arith.constant dense<0x7F800000> : vector<2048xf32>
    %reduce_min3A_188 = vector.multi_reduction <minimumf>, %add3A_178, %reduce_min3A_187 [0] : vector<2048x2048xf32> to vector<2048xf32>
    %broadcast_in_dim3A_189 = vector.shape_cast %reduce_min3A_188 : vector<2048xf32> to vector<1x2048xf32>
    %eq3A_190 = arith.constant 0 : i32
    %eq3A_191 = arith.cmpi eq, %arg0, %eq3A_190 : i32
    %convert_element_type3A_192 = arith.extui %eq3A_191 : i1 to i32
    %cond3A_193 = arith.constant 0 : i32
    %cond3A_194 = arith.cmpi ne, %convert_element_type3A_192, %cond3A_193 : i32
    scf.if %cond3A_194 {
      %swap3A_260 = arith.constant 4 : index
      %swap3A_261 = arith.constant 0 : index
      %swap3A_262 = vector.load %arg6[%swap3A_260, %swap3A_261] : memref<6x2048xf32, #tpu.memory_space<vmem>>, vector<1x2048xf32>
      tpu.vector_store %arg6[%swap3A_260, %swap3A_261], %broadcast_in_dim3A_189 {strides = array<i32>} : memref<6x2048xf32, #tpu.memory_space<vmem>>, vector<1x2048xf32>,
    } else {
    }
    %ne3A_195 = arith.constant 0 : i32
    %ne3A_196 = arith.cmpi ne, %arg0, %ne3A_195 : i32
    %convert_element_type3A_197 = arith.extui %ne3A_196 : i1 to i32
    %cond3A_198 = arith.constant 0 : i32
    %cond3A_199 = arith.cmpi ne, %convert_element_type3A_197, %cond3A_198 : i32
    scf.if %cond3A_199 {
      %get3A_260 = arith.constant 4 : index
      %get3A_261 = arith.constant 0 : index
      %get3A_262 = vector.load %arg6[%get3A_260, %get3A_261] : memref<6x2048xf32, #tpu.memory_space<vmem>>, vector<1x2048xf32>
      %min3A = arith.minimumf %get3A_262, %broadcast_in_dim3A_189 : vector<1x2048xf32>
      %swap3A_263 = arith.constant 4 : index
      %swap3A_264 = arith.constant 0 : index
      %swap3A_265 = vector.load %arg6[%swap3A_263, %swap3A_264] : memref<6x2048xf32, #tpu.memory_space<vmem>>, vector<1x2048xf32>
      tpu.vector_store %arg6[%swap3A_263, %swap3A_264], %min3A {strides = array<i32>} : memref<6x2048xf32, #tpu.memory_space<vmem>>, vector<1x2048xf32>,
    } else {
    }
    %get3A_200 = arith.constant 0 : index
    %get3A_201 = arith.constant 5 : index
    %get3A_202 = vector.load %arg1[%get3A_200, %get3A_201] : memref<2048x6xf32, #tpu.memory_space<vmem>>, vector<2048x1xf32>
    %get3A_203 = arith.constant 0 : index
    %get3A_204 = arith.constant 5 : index
    %get3A_205 = vector.load %arg2[%get3A_203, %get3A_204] : memref<2048x6xf32, #tpu.memory_space<vmem>>, vector<2048x1xf32>
    %get3A_206 = arith.constant 5 : index
    %get3A_207 = arith.constant 0 : index
    %get3A_208 = vector.load %arg3[%get3A_206, %get3A_207] : memref<6x2048xf32, #tpu.memory_space<vmem>>, vector<1x2048xf32>
    %get3A_209 = arith.constant 5 : index
    %get3A_210 = arith.constant 0 : index
    %get3A_211 = vector.load %arg4[%get3A_209, %get3A_210] : memref<6x2048xf32, #tpu.memory_space<vmem>>, vector<1x2048xf32>
    %sub3A_212 = vector.broadcast %get3A_202 : vector<2048x1xf32> to vector<2048x2048xf32>
    %sub3A_213 = vector.broadcast %get3A_208 : vector<1x2048xf32> to vector<2048x2048xf32>
    %sub3A_214 = arith.subf %sub3A_212, %sub3A_213 : vector<2048x2048xf32>
    %sub3A_215 = vector.broadcast %get3A_205 : vector<2048x1xf32> to vector<2048x2048xf32>
    %sub3A_216 = vector.broadcast %get3A_211 : vector<1x2048xf32> to vector<2048x2048xf32>
    %sub3A_217 = arith.subf %sub3A_215, %sub3A_216 : vector<2048x2048xf32>
    %mul3A_218 = arith.mulf %sub3A_214, %sub3A_214 : vector<2048x2048xf32>
    %mul3A_219 = arith.mulf %sub3A_217, %sub3A_217 : vector<2048x2048xf32>
    %add3A_220 = arith.addf %mul3A_218, %mul3A_219 : vector<2048x2048xf32>
    %reduce_min3A_221 = arith.constant dense<0x7F800000> : vector<2048xf32>
    %reduce_min3A_222 = vector.multi_reduction <minimumf>, %add3A_220, %reduce_min3A_221 [1] : vector<2048x2048xf32> to vector<2048xf32>
    %reduce_sum3A_223 = vector.shape_cast %reduce_min3A_222 : vector<2048xf32> to vector<1x2048xf32>
    %reduce_sum3A_224 = arith.constant dense<0.000000e+00> : vector<1xf32>
    %reduce_sum3A_225 = vector.multi_reduction <add>, %reduce_sum3A_223, %reduce_sum3A_224 [1] : vector<1x2048xf32> to vector<1xf32>
    %reduce_sum3A_226 = vector.shape_cast %reduce_sum3A_225 : vector<1xf32> to vector<1x1xf32>
    %reduce_sum3A_227 = vector.extract %reduce_sum3A_226[0, 0] : f32 from vector<1x1xf32>
    %add3A_228 = arith.addf %add3A_186, %reduce_sum3A_227 : f32
    %reduce_min3A_229 = arith.constant dense<0x7F800000> : vector<2048xf32>
    %reduce_min3A_230 = vector.multi_reduction <minimumf>, %add3A_220, %reduce_min3A_229 [0] : vector<2048x2048xf32> to vector<2048xf32>
    %broadcast_in_dim3A_231 = vector.shape_cast %reduce_min3A_230 : vector<2048xf32> to vector<1x2048xf32>
    %eq3A_232 = arith.constant 0 : i32
    %eq3A_233 = arith.cmpi eq, %arg0, %eq3A_232 : i32
    %convert_element_type3A_234 = arith.extui %eq3A_233 : i1 to i32
    %cond3A_235 = arith.constant 0 : i32
    %cond3A_236 = arith.cmpi ne, %convert_element_type3A_234, %cond3A_235 : i32
    scf.if %cond3A_236 {
      %swap3A_260 = arith.constant 5 : index
      %swap3A_261 = arith.constant 0 : index
      %swap3A_262 = vector.load %arg6[%swap3A_260, %swap3A_261] : memref<6x2048xf32, #tpu.memory_space<vmem>>, vector<1x2048xf32>
      tpu.vector_store %arg6[%swap3A_260, %swap3A_261], %broadcast_in_dim3A_231 {strides = array<i32>} : memref<6x2048xf32, #tpu.memory_space<vmem>>, vector<1x2048xf32>,
    } else {
    }
    %ne3A_237 = arith.constant 0 : i32
    %ne3A_238 = arith.cmpi ne, %arg0, %ne3A_237 : i32
    %convert_element_type3A_239 = arith.extui %ne3A_238 : i1 to i32
    %cond3A_240 = arith.constant 0 : i32
    %cond3A_241 = arith.cmpi ne, %convert_element_type3A_239, %cond3A_240 : i32
    scf.if %cond3A_241 {
      %get3A_260 = arith.constant 5 : index
      %get3A_261 = arith.constant 0 : index
      %get3A_262 = vector.load %arg6[%get3A_260, %get3A_261] : memref<6x2048xf32, #tpu.memory_space<vmem>>, vector<1x2048xf32>
      %min3A = arith.minimumf %get3A_262, %broadcast_in_dim3A_231 : vector<1x2048xf32>
      %swap3A_263 = arith.constant 5 : index
      %swap3A_264 = arith.constant 0 : index
      %swap3A_265 = vector.load %arg6[%swap3A_263, %swap3A_264] : memref<6x2048xf32, #tpu.memory_space<vmem>>, vector<1x2048xf32>
      tpu.vector_store %arg6[%swap3A_263, %swap3A_264], %min3A {strides = array<i32>} : memref<6x2048xf32, #tpu.memory_space<vmem>>, vector<1x2048xf32>,
    } else {
    }
    %eq3A_242 = arith.constant 0 : i32
    %eq3A_243 = arith.cmpi eq, %arg0, %eq3A_242 : i32
    %convert_element_type3A_244 = arith.extui %eq3A_243 : i1 to i32
    %cond3A_245 = arith.constant 0 : i32
    %cond3A_246 = arith.cmpi ne, %convert_element_type3A_244, %cond3A_245 : i32
    scf.if %cond3A_246 {
      %swap3A_260 = arith.constant 0.000000e+00 : f32
      %swap3A_261 = arith.constant 0 : index
      %swap3A_262 = arith.constant 0 : index
      %swap3A_263 = memref.load %arg5[%swap3A_261, %swap3A_262] : memref<1x1xf32, #tpu.memory_space<smem>>
      memref.store %swap3A_260, %arg5[%swap3A_261, %swap3A_262] : memref<1x1xf32, #tpu.memory_space<smem>>
    } else {
    }
    %get3A_247 = arith.constant 0 : index
    %get3A_248 = arith.constant 0 : index
    %get3A_249 = memref.load %arg5[%get3A_247, %get3A_248] : memref<1x1xf32, #tpu.memory_space<smem>>
    %mul3A_250 = arith.constant 6.10351563E-5 : f32
    %mul3A_251 = arith.mulf %add3A_228, %mul3A_250 : f32
    %add3A_252 = arith.addf %get3A_249, %mul3A_251 : f32
    %swap3A = arith.constant 0 : index
    %swap3A_253 = arith.constant 0 : index
    %swap3A_254 = memref.load %arg5[%swap3A, %swap3A_253] : memref<1x1xf32, #tpu.memory_space<smem>>
    memref.store %add3A_252, %arg5[%swap3A, %swap3A_253] : memref<1x1xf32, #tpu.memory_space<smem>>
    %eq3A_255 = arith.constant 0 : i32
    %eq3A_256 = arith.cmpi eq, %arg0, %eq3A_255 : i32
    %convert_element_type3A_257 = arith.extui %eq3A_256 : i1 to i32
    %cond3A_258 = arith.constant 0 : i32
    %cond3A_259 = arith.cmpi ne, %convert_element_type3A_257, %cond3A_258 : i32
    scf.if %cond3A_259 {
      %get3A_260 = arith.constant 0 : index
      %get3A_261 = arith.constant 0 : index
      %get3A_262 = memref.load %arg5[%get3A_260, %get3A_261] : memref<1x1xf32, #tpu.memory_space<smem>>
      %get3A_263 = arith.constant 0 : index
      %get3A_264 = arith.constant 0 : index
      %get3A_265 = vector.load %arg6[%get3A_263, %get3A_264] : memref<6x2048xf32, #tpu.memory_space<vmem>>, vector<6x2048xf32>
      %reduce_sum3A_266 = vector.shape_cast %get3A_265 : vector<6x2048xf32> to vector<1x6x2048xf32>
      %reduce_sum3A_267 = arith.constant dense<0.000000e+00> : vector<1xf32>
      %reduce_sum3A_268 = vector.multi_reduction <add>, %reduce_sum3A_266, %reduce_sum3A_267 [1, 2] : vector<1x6x2048xf32> to vector<1xf32>
      %reduce_sum3A_269 = vector.shape_cast %reduce_sum3A_268 : vector<1xf32> to vector<1x1x1xf32>
      %reduce_sum3A_270 = vector.extract %reduce_sum3A_269[0, 0, 0] : f32 from vector<1x1x1xf32>
      %mul3A_271 = arith.constant 6.10351563E-5 : f32
      %mul3A_272 = arith.mulf %reduce_sum3A_270, %mul3A_271 : f32
      %add3A_273 = arith.addf %get3A_262, %mul3A_272 : f32
      %swap3A_274 = arith.constant 0 : index
      %swap3A_275 = arith.constant 0 : index
      %swap3A_276 = memref.load %arg5[%swap3A_274, %swap3A_275] : memref<1x1xf32, #tpu.memory_space<smem>>
      memref.store %add3A_273, %arg5[%swap3A_274, %swap3A_275] : memref<1x1xf32, #tpu.memory_space<smem>>
    } else {
    }
    return
  }
  func.func @transform_0(%arg0: i32) -> (i32, i32) {
    %c0_i32 = arith.constant 0 : i32
    %c0_i32_0 = arith.constant 0 : i32
    return %arg0, %c0_i32 : i32, i32
  }
  func.func @transform_1(%arg0: i32) -> (i32, i32) {
    %c0_i32 = arith.constant 0 : i32
    %c0_i32_0 = arith.constant 0 : i32
    return %arg0, %c0_i32 : i32, i32
  }
  func.func @transform_2(%arg0: i32) -> (i32, i32) {
    %c0_i32 = arith.constant 0 : i32
    %c0_i32_0 = arith.constant 0 : i32
    %c0_i32_1 = arith.constant 0 : i32
    return %c0_i32, %c0_i32_0 : i32, i32
  }
  func.func @transform_3(%arg0: i32) -> (i32, i32) {
    %c0_i32 = arith.constant 0 : i32
    %c0_i32_0 = arith.constant 0 : i32
    %c0_i32_1 = arith.constant 0 : i32
    return %c0_i32, %c0_i32_0 : i32, i32
  }
  func.func @transform_4(%arg0: i32) -> (i32, i32) {
    %c0_i32 = arith.constant 0 : i32
    %c0_i32_0 = arith.constant 0 : i32
    %c0_i32_1 = arith.constant 0 : i32
    return %c0_i32, %c0_i32_0 : i32, i32
  }
}

</mosaic_0001>

<sc_bundles>
// kernel: _chamfer.4.cloned.1.call-start
scs
__scs_entry_jumppad:
0x0: {  	(pc) =	sbr.rel $0x88, $3  }
0x1: {  	(tag) =	ssettag $0x0;
	lr =	simm.s32 $0x1  }
0x2: {  	[smem:$0x3F9F] =	sst lr;
	_ =	strace $0xD0000000  }
0x3: {  	_ = 	snop  }
0x4: {  	_ = 	snop  }
0x5: {  	_ = 	snop  }
0x6: {  	_ = 	snop  }
0x7: {  	_ = 	snop  }
__scs_overlays_trampoline_lowered:
0x8: {  	[smem:$0x3FAE] =	sst s0  }
0x9: {  	[smem:$0x3FAF] =	sst s1  }
0xa: {  	[smem:$0x3FB0] =	sst s2  }
0xb: {  	[smem:$0x3FB1] =	sst s3  }
0xc: {  	[smem:$0x3FB2] =	sst s4  }
0xd: {  	[smem:$0x3FB3] =	sst s5  }
0xe: {  	[smem:$0x3FB4] =	sst s6  }
0xf: {  	[smem:$0x3FB5] =	sst s7  }
0x10: {  	[smem:$0x3FB6] =	sst s8  }
0x11: {  	[smem:$0x3FB7] =	sst s9;
	s0 =	simm.s32 @!p0 $0x0  }
0x12: {  	s1 =	sld [smem:$0x3F9D];
	s0 =	simm.s32 @p0 $0x1  }
0x13: {  	[smem:$0x3FB8] =	sst s0;
	s0 =	simm.s32 @!p1 $0x0  }
0x14: {  	s2 =	sld [smem:$0x3F9C];
	s0 =	simm.s32 @p1 $0x1  }
0x15: {  	[smem:$0x3FB9] =	sst s0;
	s0 =	simm.s32 @!p2 $0x0  }
0x16: {  	s3 =	sld [smem:$0x3FDB];
	s0 =	simm.s32 @p2 $0x1  }
0x17: {  	s4 =	simm.s32 $0x1BF5;
	[smem:$0x3FBB] =	sst s0  }
0x18: {  	s0 =	sld [smem:$0x3F9E];
	_ =	swait.ge [sflag:s4], $0x0  }
0x19: {  	s7 =	sld [smem:$0x3F9F]  }
0x1a: {  	s8 =	sadd.s32 $0xFFFFE003, lr  }
0x1b: {  	s9 =	sadd.s32 $0xFFFFFEF7, lr;
	s5 =	simm.s32 $0xFFFFFFFF;
	p2 =	slt.u32 s8, $0xFFFFF086  }
0x1c: {  	p1 =	slt.u32 s9, $0xF7A;
	s5 =	simm.s32 @!p2 $0x0  }
0x1d: {  	s5 =	simm.s32 @p1 $0x1;
	p0 =	seq.s32 s7, s2  }
0x1e: {  	s7 =	smul.u32 @!p0 $0xF7A, s2;
	p2 =	seq.s32 @!p0 s5, $0x0  }
0x1f: {  	s9 =	smul.u32 $0xF7A, s1;
	s8 =	simm.s32 @!p0 $0x1BF5;
	p2 =	por !p2, p0  }
0x20: {  	[sflag:s8] =	ssyncset.s32 @!p0 $0xFFFFF086;
	s6 =	sadd.s32 @!p0 s3, s7;
	s7 =	simm.s32 @!p0 $0x108  }
0x21: {  	s3 =	sadd.s32 s3, s9;
	s6 =	sadd.s32 @!p0 $0x88, s6;
	s7 =	simm.s32 @p2 $0x1082  }
0x22: {  	[simem:s7], [sflag:s8] =	dma.local @!p0 [hbm:s6], $0xF7A  }
0x23: {  	s9 =	sor.u32 $0xD0000000, s2;
	s6 =	simm.s32 $0x108;
	_ =	swait.ge @!p0 [sflag:s8], $0x0  }
0x24: {  	s3 =	sadd.s32 $0x88, s3;
	s6 =	simm.s32 @!p1 $0x1082;
	[sflag:s4] =	ssyncset.s32 $0xFFFFF086  }
0x25: {  	[simem:s6], [sflag:s4] =	dma.local [hbm:s3], $0xF7A  }
0x26: {  	[smem:$0x3F9F] =	sst s1;
	(tag) =	ssettag s2;
	_ =	strace s9  }
0x27: {  	s1 =	sld [smem:$0x3FAF]  }
0x28: {  	s2 =	sld [smem:$0x3FB0]  }
0x29: {  	s4 =	sld [smem:$0x3FB2]  }
0x2a: {  	p0 =	seq.s32 s5, $0x0;
	s5 =	sld [smem:$0x3FB3]  }
0x2b: {  	s6 =	sld [smem:$0x3FB4]  }
0x2c: {  	s7 =	sld [smem:$0x3FB5]  }
0x2d: {  	s3 =	simm.s32 $0x108;
	s8 =	sld [smem:$0x3FB6]  }
0x2e: {  	s3 =	simm.s32 @!p0 $0x1082;
	s9 =	sld [smem:$0x3FB7]  }
0x2f: {  	lr =	sadd.s32 s0, s3;
	s0 =	sld [smem:$0x3FAE]  }
0x30: {  	s3 =	sld [smem:$0x3FB1]  }
0x31: {  	[smem:$0x3FBA] =	sst s10  }
0x32: {  	s10 =	sld [smem:$0x3FB8];
	_ =	sdelay $0x3  }
0x33: {  	p0 =	seq.s32 s10, $0x1;
	s10 =	sld [smem:$0x3FBA];
	_ =	sdelay $0x3  }
0x34: {  	[smem:$0x3FBA] =	sst s10  }
0x35: {  	s10 =	sld [smem:$0x3FB9];
	_ =	sdelay $0x3  }
0x36: {  	p1 =	seq.s32 s10, $0x1;
	s10 =	sld [smem:$0x3FBA];
	_ =	sdelay $0x3  }
0x37: {  	[smem:$0x3FBA] =	sst s10  }
0x38: {  	s10 =	sld [smem:$0x3FBB]  }
0x39: {  	_ = 	snop;
	(pc) =	sbr.ind lr, $3  }
0x3a: {  	_ = 	snop  }
0x3b: {  	_ = 	snop  }
0x3c: {  	p2 =	seq.s32 s10, $0x1;
	s10 =	sld [smem:$0x3FBA]  }
0x3d: {  	_ =	shalt  }
0x3e: {  	_ =	shalt  }
0x3f: {  	_ =	shalt  }
0x40: {  	_ =	shalt  }
0x41: {  	_ =	shalt  }
0x42: {  	_ =	shalt  }
0x43: {  	_ =	shalt  }
0x44: {  	_ =	shalt  }
0x45: {  	_ =	shalt  }
0x46: {  	_ =	shalt  }
0x47: {  	_ =	shalt  }
0x48: {  	_ =	shalt  }
0x49: {  	_ =	shalt  }
0x4a: {  	_ =	shalt  }
0x4b: {  	_ =	shalt  }
0x4c: {  	_ =	shalt  }
0x4d: {  	_ =	shalt  }
0x4e: {  	_ =	shalt  }
0x4f: {  	_ =	shalt  }
0x50: {  	_ =	shalt  }
0x51: {  	_ =	shalt  }
0x52: {  	_ =	shalt  }
0x53: {  	_ =	shalt  }
0x54: {  	_ =	shalt  }
0x55: {  	_ =	shalt  }
0x56: {  	_ =	shalt  }
0x57: {  	_ =	shalt  }
0x58: {  	_ =	shalt  }
0x59: {  	_ =	shalt  }
0x5a: {  	_ =	shalt  }
0x5b: {  	_ =	shalt  }
0x5c: {  	_ =	shalt  }
0x5d: {  	_ =	shalt  }
0x5e: {  	_ =	shalt  }
0x5f: {  	_ =	shalt  }
0x60: {  	_ =	shalt  }
0x61: {  	_ =	shalt  }
0x62: {  	_ =	shalt  }
0x63: {  	_ =	shalt  }
0x64: {  	_ =	shalt  }
0x65: {  	_ =	shalt  }
0x66: {  	_ =	shalt  }
0x67: {  	_ =	shalt  }
0x68: {  	_ =	shalt  }
0x69: {  	_ =	shalt  }
0x6a: {  	_ =	shalt  }
0x6b: {  	_ =	shalt  }
0x6c: {  	_ =	shalt  }
0x6d: {  	_ =	shalt  }
0x6e: {  	_ =	shalt  }
0x6f: {  	_ =	shalt  }
0x70: {  	_ =	shalt  }
0x71: {  	_ =	shalt  }
0x72: {  	_ =	shalt  }
0x73: {  	_ =	shalt  }
0x74: {  	_ =	shalt  }
0x75: {  	_ =	shalt  }
0x76: {  	_ =	shalt  }
0x77: {  	_ =	shalt  }
0x78: {  	_ =	shalt  }
0x79: {  	_ =	shalt  }
0x7a: {  	_ =	shalt  }
0x7b: {  	_ =	shalt  }
0x7c: {  	_ =	shalt  }
0x7d: {  	_ =	shalt  }
0x7e: {  	_ =	shalt  }
0x7f: {  	_ =	shalt  }
0x80: {  	_ =	shalt  }
0x81: {  	_ =	shalt  }
0x82: {  	_ =	shalt  }
0x83: {  	_ =	shalt  }
0x84: {  	_ =	shalt  }
0x85: {  	_ =	shalt  }
0x86: {  	_ =	shalt  }
0x87: {  	_ =	shalt  }
.Lfunc_end0:
.L_simem_size_0:
called_computation_lowered:
.L_overlay_start_0:
0x88: {  	s2 =	sld [smem:$0x3FD9]  }
0x89: {  	s3 =	sld [smem:$0x3FFE];
	_ =	sdelay $0x1  }
0x8a: {  	s1 =	srdreg.scid  }
0x8b: {  	s0 =	sand.u32 $0x1, s1  }
0x8c: {  	s16 =	sshll.u32 s0, $0xA;
	s2 =	sadd.s32 s3, s2  }
0x8d: {  	s2 =	sadd.s32 s2, s16  }
0x8e: {  	[smem:$0x3FC6] =	sst s2  }
0x8f: {  	_ = 	snop  }
0x90: {  	(tm) =	ssettm $0x1  }
0x91: {  	s17 =	sld [smem:$0x3FFB];
	_ =	sdelay $0x3  }
0x92: {  	_ =	strace s17  }
0x93: {  	s2 =	sld [smem:$0x3FFC];
	_ =	sdelay $0x3  }
0x94: {  	_ =	strace s2  }
0x95: {  	s2 =	sld [smem:$0x3FFD];
	_ =	sdelay $0x3  }
0x96: {  	_ =	strace s2  }
0x97: {  	_ =	strace $0x8FFFFFFF  }
0x98: {  	s18 =	sld [smem:$0x3FDB];
	_ =	sdelay $0x1  }
0x99: {  	s19 =	simm.s32 $_scs_section_size  }
0x9a: {  	s4 =	simm.s32 $_size__tile_overlayer_lowered;
	s5 =	simm.s32 $_tile_overlayer_lowered  }
0x9b: {  	s22 =	simm.s32 $0x1BFF;
	s21 =	sshll.u32 s5, $0x1;
	s2 =	sadd.s32 s19, s18  }
0x9c: {  	s6 =	simm.s32 $0x0;
	s20 =	sshll.u32 s4, $0x1;
	s4 =	sadd.s32 s21, s2  }
0x9d: {  	[timem:s6], [sflag:s22] =	dma.local [hbm:s4], s20  }
0x9e: {  	_ =	swait.ge [sflag:s22], s20  }
0x9f: {  	s3 =	ssub.s32 $0x0, s20;
	[sflag:s22] =	ssyncset.done $0x0  }
0xa0: {  	[sflag:s22] =	ssyncadd.s32 s3;
	_ =	sdelay $0x1  }
0xa1: {  	s23 =	simm.s32 $0x1B8B  }
0xa2: {  	_ =	swait.ge [sflag:s23], $0x1  }
0xa3: {  	[sflag:s23] =	ssyncset.done $0x0  }
0xa4: {  	s25 =	simm.s32 $0x1B8E;
	s24 =	sld [smem:$0x3FFE];
	[sflag:s23] =	ssyncadd.s32 $0xFFFFFFFF  }
0xa5: {  	s26 =	simm.s32 $execute0_lowered;
	[smem:$0x3FD2] =	sst s25  }
0xa6: {  	s4 =	sshll.u32 s26, $0x1;
	_ =	strace $0x80000046;
	[dreg:$0x1] =	wrdreg $0xFFFFFFFF  }
0xa7: {  	s28 =	simm.s32 $_size_execute0_lowered;
	s2 =	sadd.s32 s2, s4;
	[dreg:$0x0] =	wrdreg $0x0  }
0xa8: {  	s4 =	sshll.u32 s28, $0x1;
	[dreg:$0x2] =	wrdreg s2  }
0xa9: {  	[dreg:$0x3] =	wrdreg s4  }
0xaa: {  	[dreg:$0x4] =	wrdreg $0xC0  }
0xab: {  	_ =	task [dreg:s6], $0x5FFFF  }
0xac: {  	[dreg:$0x1] =	wrdreg $0xFFFFFFFF  }
0xad: {  	[dreg:$0x0] =	wrdreg $0x60  }
0xae: {  	[dreg:$0x2] =	wrdreg s24  }
0xaf: {  	[dreg:$0x3] =	wrdreg $0x1B000  }
0xb0: {  	[dreg:$0x4] =	wrdreg $0x9  }
0xb1: {  	_ =	task.clear_ibuf [dreg:s6], $0x5FFFF;
	_ =	strace $0x90000046  }
0xb2: {  	s29 =	simm.s32 $0x9;
	_ =	strace $0x80000048  }
0xb3: {  	_ =	swait.ge [sflag:s29], $0x1  }
0xb4: {  	[sflag:s29] =	ssyncadd.s32 $0xFFFFFFFF  }
0xb5: {  	_ =	strace $0x90000048  }
0xb6: {  	_ =	sfence  }
0xb7: {  	s30 =	sld [smem:$0x0];
	_ =	sdelay $0x2  }
0xb8: {  	s31 =	sshll.u32 s1, $0xD;
	s1 =	sshrl.u32 s1, $0x2  }
0xb9: {  	s3 =	sand.u32 $0x4000, s31;
	s1 =	sadd.s32 s1, s30  }
0xba: {  	s0 =	sor.u32 s3, s0;
	s1 =	sshll.u32 s1, $0x11  }
0xbb: {  	s0 =	sor.u32 s1, s0  }
0xbc: {  	s0 =	sadd.s32 $0x8F2B, s0  }
0xbd: {  	[sflag:s0] =	ssyncadd.remote.s32 $0x1  }
0xbe: {  	_ =	sfence.sel $0xFFFF  }
0xbf: {  	[dreg:$0x0] =	wrdreg $0xFFFFFFFF;
	(pc) =	sbr.abs _section_cstart, $3  }
0xc0: {  	[dreg:$0x1] =	wrdreg $0xFFFFFFFF  }
0xc1: {  	_ =	task.clear_ibuf [dreg:s6], $0x2FFFF;
	_ =	strace $0x9FFFFFFF  }
0xc2: {  	(tm) =	ssettm $0x7FFFFFFF  }
0xc3: {  	_ =	shalt  }
tec
execute0_lowered:
.L_overlay_start_1:
0x0: {  	(tag) =	ssettag $0x1  }
0x1: {  	s0 =	rddreg [dreg:$0x0]  }
0x2: {  	s1 =	rddreg [dreg:$0x1];
	s3 =	srdreg.scid;
	s2 =	simm.s32 $0x0  }
0x3: {  	s9 =	stileid.u32;
	s28 =	simm.s32 $0x1;
	s30 =	simm.s32 $0x1100  }
0x4: {  	s3 =	sand.u32 $0x1, s3;
	[smem:$0x7FF] =	sst s2;
	s5 =	sshll.u32 s9, $0x7  }
0x5: {  	s25 =	sshll.u32 s9, $0xB;
	s29 =	sshll.u32 s9, $0xA;
	s4 =	sshll.u32 s3, $0xB  }
0x6: {  	_ =	strace $0x80000047;
	s7 =	sand.u32 $0x400, s5;
	s23 =	ssub.s32 $0x2, s3  }
0x7: {  	s3 =	sshll.u32 s3, $0x8;
	s6 =	sor.u32 s5, s4;
	s4 =	sor.u32 s7, s4  }
0x8: {  	s5 =	sand.u32 $0x380, s5;
	s8 =	sshrl.u32 s23, $0x1;
	s3 =	sadd.s32 s3, s0  }
0x9: {  	s7 =	sadd.s32 s29, s1;
	s6 =	sshrl.u32 s6, $0x3;
	s4 =	sor.u32 s5, s4  }
0xa: {  	s26 =	sadd.s32 $0x1400, s3;
	s3 =	sadd.s32 $0x1200, s3;
	s10 =	sadd.s32 $0x80, s7  }
0xb: {  	s11 =	sadd.s32 $0x100, s7;
	s12 =	sadd.s32 $0x180, s7;
	s13 =	sadd.s32 $0x200, s7  }
0xc: {  	s14 =	sadd.s32 $0x280, s7;
	s15 =	sadd.s32 $0x300, s7;
	s16 =	sadd.s32 $0x380, s7  }
0xd: {  	s17 =	sadd.s32 $0x4000, s7;
	s18 =	sadd.s32 $0x4080, s7;
	s19 =	sadd.s32 $0x4100, s7  }
0xe: {  	s20 =	sadd.s32 $0x4180, s7;
	s21 =	sadd.s32 $0x4200, s7;
	s22 =	sadd.s32 $0x4280, s7  }
0xf: {  	s6 =	sadd.s32 s6, s0;
	s4 =	sshrl.u32 s4, $0x3;
	[dreg:$0x5] =	wrdreg s26  }
0x10: {  	[dreg:$0x6] =	wrdreg s3;
	s26 =	sadd.s32 $0x4380, s7;
	s24 =	sadd.s32 $0x1000, s6  }
0x11: {  	s0 =	sadd.s32 s4, s0;
	s6 =	sadd.s32 $0xE00, s6;
	[dreg:$0x3] =	wrdreg s24  }
0x12: {  	s4 =	ssub.s32 s23, s8;
	s23 =	sadd.s32 $0x4300, s7;
	[dreg:$0x4] =	wrdreg s6  }
0x13: {  	s6 =	sand.u32 $0x4000, s25;
	s8 =	sadd.s32 $0x1600, s0;
	s24 =	sadd.s32 $0x1800, s0  }
0x14: {  	v0 =	vimm.f32 $3.000000010e+38;
	v12 =	vimm.s32 $0xB;
	v13 =	vimm.s32 $0xC;
	s25 =	smax.u32 s4, $0x1;
	s4 =	simm.s32 $0x80;
	s31 =	sadd.s32 s6, s1  }
0x15: {  	v14 =	vimm.s32 $0xD;
	v15 =	vimm.s32 $0xE;
	v16 =	vimm.s32 $0xF;
	s0 =	simm.s32 $0x1A80;
	s1 =	simm.s32 $0x0;
	s9 =	sadd.s32 s5, s31  }
.LBB2_1:
0x16: {  	s3 =	rddreg [dreg:$0x3]  }
0x17: {  	[tilespmem:s2], [sflag:$0x1] =	stream.linear.gather [hbm4b:s3+s2], $0x80, $0x38;
	[tilespmem:$0x2300] =	vst v63  }
0x18: {  	_ =	swait.ge [sflag:s28], $0x80  }
0x19: {  	[sflag:s28] =	ssyncset.done $0x0  }
0x1a: {  	s31 =	rddreg [dreg:$0x4];
	[sflag:s28] =	ssyncadd.s32 $0xFFFFFF80  }
0x1b: {  	[tilespmem:s4], [sflag:$0x1] =	stream.linear.gather [hbm4b:s31+s2], $0x80, $0x38;
	[tilespmem:$0x2300] =	vst v63  }
0x1c: {  	_ =	swait.ge [sflag:s28], $0x80  }
0x1d: {  	[sflag:s28] =	ssyncset.done $0x0  }
0x1e: {  	s6 =	simm.s32 $0x100;
	s5 =	rddreg [dreg:$0x5];
	[sflag:s28] =	ssyncadd.s32 $0xFFFFFF80  }
0x1f: {  	[tilespmem:s6], [sflag:$0x1] =	stream.linear.gather [hbm4b:s5+s2], $0x800, $0x38;
	[tilespmem:$0x2300] =	vst v63  }
0x20: {  	_ =	swait.ge [sflag:s28], $0x800  }
0x21: {  	[sflag:s28] =	ssyncset.done $0x0  }
0x22: {  	s31 =	simm.s32 $0x900;
	s29 =	rddreg [dreg:$0x6];
	[sflag:s28] =	ssyncadd.s32 $0xFFFFF800  }
0x23: {  	[tilespmem:s31], [sflag:$0x1] =	stream.linear.gather [hbm4b:s29+s2], $0x800, $0x38;
	[tilespmem:$0x2300] =	vst v63  }
0x24: {  	_ =	swait.ge [sflag:s28], $0x800  }
0x25: {  	[sflag:s28] =	ssyncset.done $0x0  }
0x26: {  	s3 =	simm.s32 $0x40;
	s4 =	simm.s32 $0x0;
	[sflag:s28] =	ssyncadd.s32 $0xFFFFF800  }
.LBB2_2:
0x27: {  	p0 =	sne.s32 s3, $0x1FC0;
	[tilespmem:s4+$0x1100] =	vst v0;
	s4 =	smov.u32 s3;
	s3 =	sadd.s32 $0x40, s3  }
.Ltmp0:
0x28: {  	(pc) =	sbr.rel @p0 .LBB2_2-.Ltmp0, $2  }
0x29: {  	_ =	sdelay $0x2  }
0x2a: {  	s4 =	sshra.s32 s4, $0x2  }
0x2b: {  	[tilespmem:s4+$0x1100] =	vst v0  }
0x2c: {  	[tilespmem:$0x1910] =	vst v0  }
0x2d: {  	[tilespmem:$0x1930] =	vst v0  }
0x2e: {  	[tilespmem:$0x1950] =	vst v0  }
0x2f: {  	[tilespmem:$0x1970] =	vst v0  }
0x30: {  	[tilespmem:$0x1990] =	vst v0  }
0x31: {  	[tilespmem:$0x19B0] =	vst v0  }
0x32: {  	[tilespmem:$0x19D0] =	vst v0  }
0x33: {  	v17 =	vimm.f32 $0.0e+00;
	[tilespmem:$0x19F0] =	vst v0  }
0x34: {  	s31 =	simm.s32 $0x0;
	[tilespmem:$0x1A10] =	vst v17  }
.LBB2_4:
0x35: {  	s3 =	sshll.u32 s31, $0x4  }
0x36: {  	v20 =	vld [tilespmem:s3+$0x0]  }
0x37: {  	v19 =	vld [tilespmem:s3+$0x80];
	_ =	sdelay $0x2  }
0x38: {  	v1 =	vimm.s32 $0x0  }
0x39: {  	v2 =	vimm.s32 $0x2;
	v18 =	vperm.xlane v20, v1  }
0x3a: {  	v3 =	vimm.s32 $0x4;
	v21 =	vperm.xlane v19, v1;
	v24 =	vperm.xlane v20, v2  }
0x3b: {  	s3 =	simm.s32 $0x910;
	v1 =	vimm.s32 $0x1;
	v25 =	vperm.xlane v19, v2;
	v29 =	vperm.xlane v20, v3  }
0x3c: {  	s5 =	simm.s32 $0x110;
	v2 =	vimm.s32 $0x3;
	v22 =	vperm.xlane v20, v1;
	v23 =	vperm.xlane v19, v1;
	v1 =	vld [tilespmem:s3+$0xFFFFFFF0]  }
0x3d: {  	v4 =	vimm.s32 $0x7;
	v26 =	vperm.xlane v20, v2;
	v28 =	vperm.xlane v19, v2;
	v2 =	vld [tilespmem:s5+$0xFFFFFFF0]  }
0x3e: {  	v31 =	vperm.xlane v19, v3;
	v3 =	vimm.s32 $0x5;
	v27 =	vperm.xlane v20, v4  }
0x3f: {  	v30 =	vperm.xlane v20, v3;
	v32 =	vperm.xlane v19, v3;
	v3 =	vimm.s32 $0x6  }
0x40: {  	v35 =	vperm.xlane v19, v4;
	v33 =	vperm.xlane v20, v3  }
0x41: {  	v34 =	vperm.xlane v19, v3;
	v3 =	vsub.f32 v21, v1;
	v4 =	vsub.f32 v32, v1  }
0x42: {  	v5 =	vsub.f32 v28, v1;
	v6 =	vsub.f32 v18, v2  }
0x43: {  	v7 =	vsub.f32 v22, v2;
	v8 =	vsub.f32 v25, v1  }
0x44: {  	v9 =	vsub.f32 v31, v1;
	v36 =	vsub.f32 v34, v1  }
0x45: {  	v37 =	vsub.f32 v24, v2;
	v38 =	vsub.f32 v26, v2  }
0x46: {  	v39 =	vsub.f32 v35, v1;
	v1 =	vsub.f32 v23, v1  }
0x47: {  	s4 =	simm.s32 $0x1110;
	v59 =	vsub.f32 v29, v2;
	v3 =	vmul.f32 v3, v3;
	v5 =	vmul.f32 v5, v5  }
0x48: {  	v40 =	vld [tilespmem:s4+$0xFFFFFFF0];
	v41 =	vsub.f32 v30, v2;
	v6 =	vmul.f32 v6, v6;
	v8 =	vmul.f32 v8, v8  }
0x49: {  	v60 =	vsub.f32 v33, v2;
	v9 =	vmul.f32 v9, v9;
	v58 =	vmul.f32 v38, v38  }
0x4a: {  	v2 =	vsub.f32 v27, v2;
	v7 =	vmul.f32 v7, v7;
	v1 =	vmul.f32 v1, v1  }
0x4b: {  	v39 =	vmul.f32 v39, v39;
	v37 =	vmul.f32 v37, v37;
	v3 =	vadd.f32 v3, v6  }
0x4c: {  	v61 =	vmul.f32 v59, v59;
	v4 =	vmul.f32 v4, v4;
	v1 =	vadd.f32 v1, v7  }
0x4d: {  	v6 =	vmul.f32 v36, v36;
	v8 =	vadd.f32 v8, v37;
	v40 =	vmin.f32 v40, v3  }
0x4e: {  	v5 =	vadd.f32 v5, v58;
	v7 =	vmul.f32 v41, v41;
	v62 =	vmin.f32 v40, v1  }
0x4f: {  	v9 =	vadd.f32 v9, v61;
	v36 =	vmul.f32 v60, v60;
	v38 =	vmin.f32 v62, v8  }
0x50: {  	v2 =	vmul.f32 v2, v2;
	v4 =	vadd.f32 v4, v7;
	v63 =	vmin.f32 v38, v5  }
0x51: {  	v6 =	vadd.f32 v6, v36;
	v7 =	vmin.f32 v63, v9  }
0x52: {  	v2 =	vadd.f32 v39, v2;
	v7 =	vmin.f32 v7, v4  }
0x53: {  	v7 =	vmin.f32 v7, v6  }
0x54: {  	v7 =	vmin.f32 v7, v2  }
0x55: {  	[tilespmem:s4+$0xFFFFFFF0] =	vst v7  }
0x56: {  	v44 =	vld [tilespmem:s5+$0x0];
	_ =	sdelay $0x1  }
0x57: {  	v7 =	vimm.f32 $3.000000010e+38;
	v51 =	vld [tilespmem:s3+$0x0]  }
0x58: {  	v37 =	vmin.f32 v7, v3  }
0x59: {  	v39 =	vmin.f32 v7, v1;
	v36 =	vmin.f32 v7, v8;
	v42 =	vmin.f32 v7, v5  }
0x5a: {  	v41 =	vmin.f32 v7, v9;
	v3 =	vsub.f32 v18, v44;
	v1 =	vsub.f32 v22, v44  }
0x5b: {  	v38 =	vmin.f32 v7, v4;
	v48 =	vsub.f32 v24, v44;
	v46 =	vsub.f32 v26, v44  }
0x5c: {  	v40 =	vmin.f32 v7, v2;
	v50 =	vsub.f32 v33, v44;
	v2 =	vsub.f32 v21, v51  }
0x5d: {  	v43 =	vmin.f32 v7, v6;
	v4 =	vsub.f32 v23, v51;
	v6 =	vsub.f32 v25, v51  }
0x5e: {  	v7 =	vsub.f32 v28, v51;
	v9 =	vsub.f32 v31, v51;
	v47 =	vmul.f32 v1, v1  }
0x5f: {  	v1 =	vsub.f32 v29, v44;
	v3 =	vmul.f32 v3, v3;
	v8 =	vmul.f32 v2, v2  }
0x60: {  	v5 =	vmul.f32 v4, v4;
	v2 =	vmul.f32 v6, v6;
	v4 =	vsub.f32 v32, v51  }
0x61: {  	v6 =	vmul.f32 v9, v9;
	v45 =	vadd.f32 v8, v3;
	v3 =	vmul.f32 v7, v7;
	v7 =	vld [tilespmem:s4+$0x0]  }
0x62: {  	s6 =	simm.s32 $0x0;
	s29 =	simm.s32 $0x130;
	s5 =	simm.s32 $0x1110;
	v49 =	vmul.f32 v4, v4;
	v8 =	vsub.f32 v34, v51;
	v4 =	vsub.f32 v35, v51  }
.LBB2_5:
0x63: {  	s6 =	sadd.s32 $0x2, s6;
	v1 =	vmul.f32 v1, v1;
	v9 =	vsub.f32 v30, v44;
	v50 =	vmul.f32 v50, v50;
	s4 =	sadd.s32 $0x20, s4;
	s3 =	sadd.s32 $0x20, s3  }
0x64: {  	v48 =	vmul.f32 v48, v48;
	v44 =	vsub.f32 v27, v44;
	p0 =	slt.u32 s6, $0x7E;
	v8 =	vmul.f32 v8, v8  }
0x65: {  	v5 =	vadd.f32 v5, v47;
	v46 =	vmul.f32 v46, v46;
	v1 =	vadd.f32 v6, v1  }
0x66: {  	v2 =	vadd.f32 v2, v48;
	v6 =	vmin.f32 v7, v45;
	v7 =	vmul.f32 v44, v44  }
0x67: {  	v3 =	vadd.f32 v3, v46;
	v9 =	vmul.f32 v9, v9;
	v6 =	vmin.f32 v6, v5  }
0x68: {  	v4 =	vmul.f32 v4, v4;
	v8 =	vadd.f32 v8, v50;
	v6 =	vmin.f32 v6, v2  }
0x69: {  	v42 =	vmin.f32 v42, v3;
	v3 =	vmin.f32 v6, v3;
	v6 =	vadd.f32 v49, v9  }
0x6a: {  	v9 =	vmin.f32 v41, v1;
	v1 =	vmin.f32 v3, v1;
	v3 =	vmin.f32 v43, v8  }
0x6b: {  	v5 =	vmin.f32 v39, v5;
	v4 =	vadd.f32 v4, v7;
	v1 =	vmin.f32 v1, v6  }
0x6c: {  	v2 =	vmin.f32 v36, v2;
	v6 =	vmin.f32 v38, v6;
	v1 =	vmin.f32 v1, v8  }
0x6d: {  	v7 =	vmin.f32 v37, v45;
	v8 =	vmin.f32 v40, v4;
	v1 =	vmin.f32 v1, v4  }
0x6e: {  	[tilespmem:s5+$0x0] =	vst v1;
	s5 =	smov.u32 s4  }
0x6f: {  	v1 =	vld [tilespmem:s3+$0xFFFFFFF0]  }
0x70: {  	v4 =	vld [tilespmem:s29+$0xFFFFFFF0];
	_ =	sdelay $0x3  }
0x71: {  	v36 =	vsub.f32 v21, v1;
	v37 =	vsub.f32 v32, v1  }
0x72: {  	v39 =	vsub.f32 v28, v1;
	v38 =	vsub.f32 v18, v4  }
0x73: {  	v41 =	vsub.f32 v25, v1;
	v40 =	vsub.f32 v22, v4;
	v36 =	vmul.f32 v36, v36  }
0x74: {  	v43 =	vsub.f32 v31, v1;
	v44 =	vsub.f32 v34, v1;
	v39 =	vmul.f32 v39, v39  }
0x75: {  	v45 =	vsub.f32 v24, v4;
	v41 =	vmul.f32 v41, v41;
	v38 =	vmul.f32 v38, v38  }
0x76: {  	v47 =	vsub.f32 v35, v1;
	v46 =	vsub.f32 v26, v4;
	v43 =	vmul.f32 v43, v43  }
0x77: {  	v1 =	vsub.f32 v23, v1;
	v36 =	vadd.f32 v36, v38;
	v38 =	vmul.f32 v44, v44;
	v48 =	vld [tilespmem:s4+$0xFFFFFFF0]  }
0x78: {  	v47 =	vmul.f32 v47, v47;
	v44 =	vmul.f32 v46, v46;
	v46 =	vsub.f32 v29, v4  }
0x79: {  	v49 =	vsub.f32 v30, v4;
	v1 =	vmul.f32 v1, v1;
	v40 =	vmul.f32 v40, v40  }
0x7a: {  	v45 =	vmul.f32 v45, v45;
	v50 =	vadd.f32 v39, v44;
	v39 =	vsub.f32 v33, v4  }
0x7b: {  	v1 =	vadd.f32 v1, v40;
	v40 =	vmul.f32 v49, v49;
	v4 =	vsub.f32 v27, v4  }
0x7c: {  	v41 =	vadd.f32 v41, v45;
	v45 =	vmul.f32 v46, v46;
	v44 =	vmin.f32 v48, v36  }
0x7d: {  	v37 =	vmul.f32 v37, v37;
	v44 =	vmin.f32 v44, v1  }
0x7e: {  	v43 =	vadd.f32 v43, v45;
	v39 =	vmul.f32 v39, v39;
	v44 =	vmin.f32 v44, v41  }
0x7f: {  	v40 =	vadd.f32 v37, v40;
	v4 =	vmul.f32 v4, v4;
	v44 =	vmin.f32 v44, v50  }
0x80: {  	v45 =	vadd.f32 v38, v39;
	v37 =	vmin.f32 v44, v43  }
0x81: {  	v4 =	vadd.f32 v47, v4;
	v37 =	vmin.f32 v37, v40  }
0x82: {  	v37 =	vmin.f32 v37, v45  }
0x83: {  	v37 =	vmin.f32 v37, v4  }
0x84: {  	[tilespmem:s4+$0xFFFFFFF0] =	vst v37  }
0x85: {  	v44 =	vld [tilespmem:s29+$0x0];
	_ =	sdelay $0x2  }
0x86: {  	v37 =	vmin.f32 v7, v36;
	v51 =	vld [tilespmem:s3+$0x0]  }
0x87: {  	v42 =	vmin.f32 v42, v50;
	v39 =	vmin.f32 v5, v1;
	v36 =	vmin.f32 v2, v41  }
0x88: {  	v41 =	vmin.f32 v9, v43;
	v2 =	vsub.f32 v18, v44;
	v1 =	vsub.f32 v22, v44  }
0x89: {  	v38 =	vmin.f32 v6, v40;
	v48 =	vsub.f32 v24, v44;
	v46 =	vsub.f32 v26, v44  }
0x8a: {  	v50 =	vsub.f32 v33, v44;
	v47 =	vmul.f32 v1, v1;
	v1 =	vsub.f32 v29, v44  }
0x8b: {  	v40 =	vmin.f32 v8, v4;
	v4 =	vsub.f32 v21, v51;
	v5 =	vsub.f32 v23, v51  }
.Ltmp1:
0x8c: {  	v43 =	vmin.f32 v3, v45;
	v3 =	vsub.f32 v25, v51;
	v6 =	vsub.f32 v28, v51;
	(pc) =	sbr.rel @p0 .LBB2_5-.Ltmp1, $4  }
0x8d: {  	v8 =	vmul.f32 v2, v2;
	v9 =	vsub.f32 v31, v51;
	v4 =	vmul.f32 v4, v4  }
0x8e: {  	v49 =	vsub.f32 v32, v51;
	v5 =	vmul.f32 v5, v5;
	v2 =	vmul.f32 v3, v3  }
0x8f: {  	v3 =	vmul.f32 v6, v6;
	v6 =	vmul.f32 v9, v9;
	v7 =	vld [tilespmem:s4+$0x0];
	v45 =	vadd.f32 v4, v8  }
0x90: {  	s29 =	sadd.s32 $0x20, s29;
	v49 =	vmul.f32 v49, v49;
	v8 =	vsub.f32 v34, v51;
	v4 =	vsub.f32 v35, v51  }
0x91: {  	v1 =	vmul.f32 v1, v1  }
0x92: {  	v9 =	vsub.f32 v30, v44;
	v18 =	vmul.f32 v50, v50;
	v21 =	vmul.f32 v48, v48  }
0x93: {  	v5 =	vadd.f32 v5, v47;
	v22 =	vmul.f32 v46, v46;
	v23 =	vsub.f32 v27, v44  }
0x94: {  	v8 =	vmul.f32 v8, v8;
	v2 =	vadd.f32 v2, v21;
	v7 =	vmin.f32 v7, v45  }
0x95: {  	v3 =	vadd.f32 v3, v22;
	v9 =	vmul.f32 v9, v9;
	v7 =	vmin.f32 v7, v5  }
0x96: {  	v4 =	vmul.f32 v4, v4;
	v1 =	vadd.f32 v6, v1;
	v7 =	vmin.f32 v7, v2  }
0x97: {  	v6 =	vmul.f32 v23, v23;
	v9 =	vadd.f32 v49, v9;
	v7 =	vmin.f32 v7, v3  }
0x98: {  	v8 =	vadd.f32 v8, v18;
	v7 =	vmin.f32 v7, v1  }
0x99: {  	v4 =	vadd.f32 v4, v6;
	v7 =	vmin.f32 v7, v9  }
0x9a: {  	v6 =	vmin.f32 v7, v8  }
0x9b: {  	v6 =	vmin.f32 v6, v4  }
0x9c: {  	v7 =	vmin.f32 v37, v45;
	[tilespmem:s5+$0x0] =	vst v6  }
0x9d: {  	[tilespmem:$0x1900] =	vst v7  }
0x9e: {  	v6 =	vld [tilespmem:$0x1908];
	_ =	sdelay $0x4  }
0x9f: {  	v6 =	vmin.f32 v7, v6  }
0xa0: {  	[tilespmem:$0x1900] =	vst v6  }
0xa1: {  	v7 =	vld [tilespmem:$0x1904];
	_ =	sdelay $0x4  }
0xa2: {  	v6 =	vmin.f32 v6, v7  }
0xa3: {  	v3 =	vmin.f32 v42, v3;
	[tilespmem:$0x1900] =	vst v6  }
0xa4: {  	v1 =	vmin.f32 v41, v1;
	[tilespmem:$0x1960] =	vst v3;
	v7 =	vld [tilespmem:$0x1902]  }
0xa5: {  	[tilespmem:$0x1980] =	vst v1;
	v21 =	vld [tilespmem:$0x1968]  }
0xa6: {  	v9 =	vmin.f32 v38, v9;
	v22 =	vld [tilespmem:$0x1988]  }
0xa7: {  	v5 =	vmin.f32 v39, v5;
	[tilespmem:$0x19A0] =	vst v9  }
0xa8: {  	v2 =	vmin.f32 v36, v2;
	[tilespmem:$0x1920] =	vst v5;
	v23 =	vld [tilespmem:$0x19A8]  }
0xa9: {  	[tilespmem:$0x1940] =	vst v2;
	v18 =	vmin.f32 v6, v7;
	v6 =	vld [tilespmem:$0x1928]  }
0xaa: {  	v3 =	vmin.f32 v3, v21;
	v7 =	vld [tilespmem:$0x1948]  }
0xab: {  	v1 =	vmin.f32 v1, v22;
	[tilespmem:$0x1960] =	vst v3  }
0xac: {  	v8 =	vmin.f32 v43, v8;
	[tilespmem:$0x1980] =	vst v1;
	v22 =	vld [tilespmem:$0x1964]  }
0xad: {  	v4 =	vmin.f32 v40, v4;
	[tilespmem:$0x19C0] =	vst v8;
	v9 =	vmin.f32 v9, v23;
	v23 =	vld [tilespmem:$0x1984]  }
0xae: {  	[tilespmem:$0x19E0] =	vst v4;
	v5 =	vmin.f32 v5, v6;
	v6 =	vld [tilespmem:$0x19C8]  }
0xaf: {  	v2 =	vmin.f32 v2, v7;
	v7 =	vld [tilespmem:$0x19E8];
	[tilespmem:$0x1920] =	vst v5  }
0xb0: {  	[tilespmem:$0x1940] =	vst v2;
	v24 =	vld [tilespmem:$0x1924]  }
0xb1: {  	v3 =	vmin.f32 v3, v22;
	v21 =	vld [tilespmem:$0x1944]  }
0xb2: {  	[tilespmem:$0x1960] =	vst v3  }
0xb3: {  	[tilespmem:$0x19A0] =	vst v9;
	v1 =	vmin.f32 v1, v23;
	v23 =	vld [tilespmem:$0x1962];
	v6 =	vmin.f32 v8, v6  }
0xb4: {  	v8 =	vld [tilespmem:$0x19A4];
	v4 =	vmin.f32 v4, v7;
	[tilespmem:$0x19C0] =	vst v6  }
0xb5: {  	[tilespmem:$0x19E0] =	vst v4;
	v5 =	vmin.f32 v5, v24;
	v7 =	vld [tilespmem:$0x19C4]  }
0xb6: {  	v2 =	vmin.f32 v2, v21;
	v21 =	vld [tilespmem:$0x19E4];
	[tilespmem:$0x1920] =	vst v5  }
0xb7: {  	[tilespmem:$0x1940] =	vst v2;
	v24 =	vld [tilespmem:$0x1922]  }
0xb8: {  	[tilespmem:$0x1980] =	vst v1;
	v22 =	vld [tilespmem:$0x1942]  }
0xb9: {  	[tilespmem:$0x1900] =	vst v18;
	v8 =	vmin.f32 v9, v8  }
0xba: {  	v9 =	vld [tilespmem:$0x1982];
	[tilespmem:$0x19A0] =	vst v8;
	v6 =	vmin.f32 v6, v7  }
0xbb: {  	v7 =	vld [tilespmem:$0x19A2];
	v4 =	vmin.f32 v4, v21;
	[tilespmem:$0x19C0] =	vst v6  }
0xbc: {  	v25 =	vmin.f32 v3, v23;
	[tilespmem:$0x19E0] =	vst v4;
	v27 =	vmin.f32 v5, v24;
	v5 =	vld [tilespmem:$0x19C2]  }
0xbd: {  	[tilespmem:$0x1960] =	vst v25;
	v26 =	vmin.f32 v2, v22;
	v2 =	vld [tilespmem:$0x19E2]  }
0xbe: {  	[tilespmem:$0x1920] =	vst v27  }
0xbf: {  	[tilespmem:$0x1940] =	vst v26;
	v24 =	vmin.f32 v1, v9  }
0xc0: {  	[tilespmem:$0x1980] =	vst v24;
	v23 =	vmin.f32 v8, v7  }
0xc1: {  	[tilespmem:$0x19A0] =	vst v23;
	v22 =	vmin.f32 v6, v5  }
0xc2: {  	v1 =	vimm.s32 $0x8;
	v21 =	vmin.f32 v4, v2;
	[tilespmem:$0x19C0] =	vst v22  }
0xc3: {  	s3 =	simm.s32 $0x910;
	v34 =	vperm.xlane v20, v1;
	v35 =	vperm.xlane v19, v1;
	v1 =	vimm.s32 $0x9;
	[tilespmem:$0x19E0] =	vst v21  }
0xc4: {  	v36 =	vperm.xlane v20, v1;
	v37 =	vperm.xlane v19, v1;
	v1 =	vld [tilespmem:s3+$0xFFFFFFF0]  }
0xc5: {  	s6 =	simm.s32 $0x110;
	v2 =	vimm.s32 $0xA  }
0xc6: {  	v38 =	vperm.xlane v20, v2;
	v39 =	vperm.xlane v19, v2;
	v2 =	vld [tilespmem:s6+$0xFFFFFFF0]  }
0xc7: {  	v44 =	vperm.xlane v20, v14;
	v46 =	vperm.xlane v19, v14  }
0xc8: {  	v47 =	vperm.xlane v20, v15;
	v42 =	vperm.xlane v19, v12  }
0xc9: {  	v48 =	vperm.xlane v19, v15;
	v49 =	vperm.xlane v19, v16;
	v3 =	vsub.f32 v35, v1  }
0xca: {  	v45 =	vperm.xlane v19, v13;
	v4 =	vsub.f32 v46, v1;
	v5 =	vsub.f32 v42, v1  }
0xcb: {  	v41 =	vperm.xlane v20, v16;
	v6 =	vsub.f32 v34, v2;
	v7 =	vsub.f32 v36, v2  }
0xcc: {  	v43 =	vperm.xlane v20, v13;
	v8 =	vsub.f32 v39, v1;
	v9 =	vsub.f32 v45, v1  }
0xcd: {  	v40 =	vperm.xlane v20, v12;
	v19 =	vsub.f32 v48, v1;
	v20 =	vsub.f32 v38, v2  }
0xce: {  	v29 =	vsub.f32 v49, v1;
	v3 =	vmul.f32 v3, v3;
	v5 =	vmul.f32 v5, v5  }
0xcf: {  	s4 =	simm.s32 $0x1110;
	v1 =	vsub.f32 v37, v1;
	v6 =	vmul.f32 v6, v6;
	v8 =	vmul.f32 v8, v8  }
0xd0: {  	v30 =	vld [tilespmem:s4+$0xFFFFFFF0];
	v28 =	vsub.f32 v40, v2;
	v9 =	vmul.f32 v9, v9;
	v7 =	vmul.f32 v7, v7  }
0xd1: {  	v31 =	vsub.f32 v44, v2;
	v1 =	vmul.f32 v1, v1;
	v20 =	vmul.f32 v20, v20  }
0xd2: {  	v3 =	vadd.f32 v3, v6;
	v6 =	vmul.f32 v19, v19;
	v19 =	vmul.f32 v28, v28  }
0xd3: {  	v63 =	vmul.f32 v29, v29;
	v28 =	vsub.f32 v43, v2;
	v1 =	vadd.f32 v1, v7  }
0xd4: {  	v4 =	vmul.f32 v4, v4;
	v8 =	vadd.f32 v8, v20;
	v5 =	vadd.f32 v5, v19  }
0xd5: {  	v19 =	vsub.f32 v47, v2;
	v29 =	vmin.f32 v30, v3;
	v20 =	vmul.f32 v28, v28  }
0xd6: {  	v33 =	vld [tilespmem:$0x1901];
	v7 =	vmul.f32 v31, v31;
	v2 =	vsub.f32 v41, v2;
	v28 =	vmin.f32 v29, v1  }
0xd7: {  	v32 =	vld [tilespmem:$0x1921];
	v28 =	vmin.f32 v28, v8;
	v9 =	vadd.f32 v9, v20;
	v19 =	vmul.f32 v19, v19  }
0xd8: {  	v31 =	vld [tilespmem:$0x1941];
	v4 =	vadd.f32 v4, v7;
	v2 =	vmul.f32 v2, v2;
	v20 =	vmin.f32 v28, v5  }
0xd9: {  	v30 =	vld [tilespmem:$0x1961];
	v7 =	vmin.f32 v20, v9;
	v6 =	vadd.f32 v6, v19  }
0xda: {  	v29 =	vld [tilespmem:$0x1981];
	v50 =	vadd.f32 v63, v2;
	v7 =	vmin.f32 v7, v4  }
0xdb: {  	v28 =	vld [tilespmem:$0x19A1];
	v2 =	vmin.f32 v7, v6  }
0xdc: {  	v20 =	vld [tilespmem:$0x19C1];
	v2 =	vmin.f32 v2, v50  }
0xdd: {  	v19 =	vld [tilespmem:$0x19E1];
	[tilespmem:s4+$0xFFFFFFF0] =	vst v2  }
0xde: {  	v58 =	vld [tilespmem:s6+$0x0];
	_ =	sdelay $0x1  }
0xdf: {  	v7 =	vimm.f32 $3.000000010e+38;
	v10 =	vld [tilespmem:s3+$0x0]  }
0xe0: {  	v53 =	vmin.f32 v7, v3  }
0xe1: {  	v54 =	vmin.f32 v7, v1;
	v52 =	vmin.f32 v7, v8;
	v56 =	vmin.f32 v7, v5  }
0xe2: {  	v55 =	vmin.f32 v7, v9;
	v3 =	vsub.f32 v34, v58;
	v1 =	vsub.f32 v36, v58  }
0xe3: {  	v51 =	vmin.f32 v7, v4;
	v62 =	vsub.f32 v38, v58;
	v60 =	vsub.f32 v40, v58  }
0xe4: {  	v50 =	vmin.f32 v7, v50;
	v2 =	vsub.f32 v43, v58;
	v4 =	vsub.f32 v35, v10  }
0xe5: {  	v57 =	vmin.f32 v7, v6;
	v5 =	vsub.f32 v37, v10;
	v7 =	vsub.f32 v39, v10  }
0xe6: {  	v8 =	vsub.f32 v42, v10;
	v63 =	vsub.f32 v45, v10;
	v61 =	vmul.f32 v1, v1  }
0xe7: {  	v1 =	vsub.f32 v47, v58;
	v9 =	vmul.f32 v3, v3;
	v4 =	vmul.f32 v4, v4  }
0xe8: {  	v6 =	vmul.f32 v5, v5;
	v3 =	vmul.f32 v7, v7;
	v5 =	vsub.f32 v46, v10  }
0xe9: {  	v7 =	vmul.f32 v63, v63;
	v59 =	vadd.f32 v4, v9;
	v4 =	vmul.f32 v8, v8;
	v8 =	vld [tilespmem:s4+$0x0]  }
0xea: {  	s29 =	simm.s32 $0x130;
	s5 =	simm.s32 $0x1110;
	s6 =	simm.s32 $0x0;
	v63 =	vmul.f32 v5, v5;
	v9 =	vsub.f32 v48, v10;
	v5 =	vsub.f32 v49, v10  }
.LBB2_7:
0xeb: {  	s6 =	sadd.s32 $0x2, s6;
	v2 =	vmul.f32 v2, v2;
	v10 =	vsub.f32 v44, v58;
	v1 =	vmul.f32 v1, v1;
	s4 =	sadd.s32 $0x20, s4;
	s3 =	sadd.s32 $0x20, s3  }
0xec: {  	v62 =	vmul.f32 v62, v62;
	v58 =	vsub.f32 v41, v58;
	p0 =	slt.u32 s6, $0x7E;
	v9 =	vmul.f32 v9, v9  }
0xed: {  	v6 =	vadd.f32 v6, v61;
	v60 =	vmul.f32 v60, v60;
	v2 =	vadd.f32 v7, v2  }
0xee: {  	v3 =	vadd.f32 v3, v62;
	v7 =	vmin.f32 v8, v59;
	v8 =	vmul.f32 v58, v58  }
0xef: {  	v4 =	vadd.f32 v4, v60;
	v10 =	vmul.f32 v10, v10;
	v7 =	vmin.f32 v7, v6  }
0xf0: {  	v5 =	vmul.f32 v5, v5;
	v1 =	vadd.f32 v9, v1;
	v7 =	vmin.f32 v7, v3  }
0xf1: {  	v9 =	vmin.f32 v56, v4;
	v4 =	vmin.f32 v7, v4;
	v7 =	vadd.f32 v63, v10  }
0xf2: {  	v10 =	vmin.f32 v55, v2;
	v2 =	vmin.f32 v4, v2;
	v4 =	vmin.f32 v57, v1  }
0xf3: {  	v6 =	vmin.f32 v54, v6;
	v5 =	vadd.f32 v5, v8;
	v2 =	vmin.f32 v2, v7  }
0xf4: {  	v3 =	vmin.f32 v52, v3;
	v7 =	vmin.f32 v51, v7;
	v1 =	vmin.f32 v2, v1  }
0xf5: {  	v8 =	vmin.f32 v50, v5;
	v2 =	vmin.f32 v53, v59;
	v1 =	vmin.f32 v1, v5  }
0xf6: {  	[tilespmem:s5+$0x0] =	vst v1;
	s5 =	smov.u32 s4  }
0xf7: {  	v1 =	vld [tilespmem:s3+$0xFFFFFFF0]  }
0xf8: {  	v5 =	vld [tilespmem:s29+$0xFFFFFFF0];
	_ =	sdelay $0x3  }
0xf9: {  	v50 =	vsub.f32 v35, v1;
	v51 =	vsub.f32 v46, v1  }
0xfa: {  	v53 =	vsub.f32 v42, v1;
	v52 =	vsub.f32 v34, v5  }
0xfb: {  	v55 =	vsub.f32 v39, v1;
	v54 =	vsub.f32 v36, v5;
	v50 =	vmul.f32 v50, v50  }
0xfc: {  	v56 =	vsub.f32 v45, v1;
	v57 =	vsub.f32 v48, v1;
	v53 =	vmul.f32 v53, v53  }
0xfd: {  	v58 =	vsub.f32 v38, v5;
	v55 =	vmul.f32 v55, v55;
	v52 =	vmul.f32 v52, v52  }
0xfe: {  	v60 =	vsub.f32 v49, v1;
	v59 =	vsub.f32 v40, v5;
	v56 =	vmul.f32 v56, v56  }
0xff: {  	v1 =	vsub.f32 v37, v1;
	v50 =	vadd.f32 v50, v52;
	v52 =	vmul.f32 v57, v57;
	v61 =	vld [tilespmem:s4+$0xFFFFFFF0]  }
0x100: {  	v60 =	vmul.f32 v60, v60;
	v57 =	vmul.f32 v59, v59;
	v59 =	vsub.f32 v43, v5  }
0x101: {  	v62 =	vsub.f32 v44, v5;
	v1 =	vmul.f32 v1, v1;
	v54 =	vmul.f32 v54, v54  }
0x102: {  	v58 =	vmul.f32 v58, v58;
	v57 =	vadd.f32 v53, v57;
	v53 =	vsub.f32 v47, v5  }
0x103: {  	v1 =	vadd.f32 v1, v54;
	v54 =	vmul.f32 v62, v62;
	v5 =	vsub.f32 v41, v5  }
0x104: {  	v55 =	vadd.f32 v55, v58;
	v58 =	vmul.f32 v59, v59;
	v61 =	vmin.f32 v61, v50  }
0x105: {  	v51 =	vmul.f32 v51, v51;
	v59 =	vmin.f32 v61, v1  }
0x106: {  	v53 =	vmul.f32 v53, v53;
	v61 =	vadd.f32 v56, v58;
	v59 =	vmin.f32 v59, v55  }
0x107: {  	v51 =	vadd.f32 v51, v54;
	v5 =	vmul.f32 v5, v5;
	v56 =	vmin.f32 v59, v57  }
0x108: {  	v59 =	vadd.f32 v52, v53;
	v54 =	vmin.f32 v56, v61  }
0x109: {  	v5 =	vadd.f32 v60, v5;
	v52 =	vmin.f32 v54, v51  }
0x10a: {  	v52 =	vmin.f32 v52, v59  }
0x10b: {  	v52 =	vmin.f32 v52, v5  }
0x10c: {  	[tilespmem:s4+$0xFFFFFFF0] =	vst v52  }
0x10d: {  	v58 =	vld [tilespmem:s29+$0x0];
	_ =	sdelay $0x2  }
0x10e: {  	v53 =	vmin.f32 v2, v50;
	v11 =	vld [tilespmem:s3+$0x0]  }
0x10f: {  	v56 =	vmin.f32 v9, v57;
	v54 =	vmin.f32 v6, v1;
	v52 =	vmin.f32 v3, v55  }
0x110: {  	v55 =	vmin.f32 v10, v61;
	v3 =	vsub.f32 v34, v58;
	v1 =	vsub.f32 v36, v58  }
0x111: {  	v51 =	vmin.f32 v7, v51;
	v62 =	vsub.f32 v38, v58;
	v60 =	vsub.f32 v40, v58  }
0x112: {  	v2 =	vsub.f32 v43, v58;
	v61 =	vmul.f32 v1, v1;
	v1 =	vsub.f32 v47, v58  }
0x113: {  	v50 =	vmin.f32 v8, v5;
	v5 =	vsub.f32 v35, v11;
	v6 =	vsub.f32 v37, v11  }
.Ltmp2:
0x114: {  	v57 =	vmin.f32 v4, v59;
	v4 =	vsub.f32 v39, v11;
	v7 =	vsub.f32 v42, v11;
	(pc) =	sbr.rel @p0 .LBB2_7-.Ltmp2, $4  }
0x115: {  	v9 =	vmul.f32 v3, v3;
	v10 =	vsub.f32 v45, v11;
	v5 =	vmul.f32 v5, v5  }
0x116: {  	v63 =	vsub.f32 v46, v11;
	v6 =	vmul.f32 v6, v6;
	v3 =	vmul.f32 v4, v4  }
0x117: {  	v4 =	vmul.f32 v7, v7;
	v7 =	vmul.f32 v10, v10;
	v8 =	vld [tilespmem:s4+$0x0];
	v59 =	vadd.f32 v5, v9  }
0x118: {  	s29 =	sadd.s32 $0x20, s29;
	v63 =	vmul.f32 v63, v63;
	v9 =	vsub.f32 v48, v11;
	v5 =	vsub.f32 v49, v11  }
0x119: {  	v2 =	vmul.f32 v2, v2  }
0x11a: {  	v10 =	vsub.f32 v44, v58;
	v1 =	vmul.f32 v1, v1;
	v11 =	vmul.f32 v62, v62  }
0x11b: {  	v6 =	vadd.f32 v6, v61;
	v34 =	vmul.f32 v60, v60;
	v35 =	vsub.f32 v41, v58  }
0x11c: {  	v9 =	vmul.f32 v9, v9;
	v3 =	vadd.f32 v3, v11;
	v8 =	vmin.f32 v8, v59  }
0x11d: {  	v4 =	vadd.f32 v4, v34;
	v10 =	vmul.f32 v10, v10;
	v8 =	vmin.f32 v8, v6  }
0x11e: {  	v5 =	vmul.f32 v5, v5;
	v2 =	vadd.f32 v7, v2;
	v8 =	vmin.f32 v8, v3  }
0x11f: {  	v62 =	vmul.f32 v35, v35;
	v10 =	vadd.f32 v63, v10;
	v8 =	vmin.f32 v8, v4  }
0x120: {  	v1 =	vadd.f32 v9, v1;
	v8 =	vmin.f32 v8, v2  }
0x121: {  	v5 =	vadd.f32 v5, v62;
	v8 =	vmin.f32 v8, v10  }
0x122: {  	v34 =	vmin.f32 v8, v1  }
0x123: {  	v7 =	vmin.f32 v34, v5  }
0x124: {  	v35 =	vmin.f32 v53, v59;
	[tilespmem:s5+$0x0] =	vst v7  }
0x125: {  	[tilespmem:$0x1900] =	vst v35  }
0x126: {  	v6 =	vmin.f32 v54, v6;
	v7 =	vld [tilespmem:$0x1908]  }
0x127: {  	v3 =	vmin.f32 v52, v3;
	[tilespmem:$0x1920] =	vst v6  }
0x128: {  	v4 =	vmin.f32 v56, v4;
	[tilespmem:$0x1940] =	vst v3;
	v38 =	vld [tilespmem:$0x1928]  }
0x129: {  	v2 =	vmin.f32 v55, v2;
	[tilespmem:$0x1960] =	vst v4;
	v39 =	vld [tilespmem:$0x1948]  }
0x12a: {  	v42 =	vmin.f32 v51, v10;
	[tilespmem:$0x1980] =	vst v2;
	v40 =	vld [tilespmem:$0x1968]  }
0x12b: {  	[tilespmem:$0x19A0] =	vst v42;
	v43 =	vld [tilespmem:$0x1988];
	v7 =	vmin.f32 v35, v7  }
0x12c: {  	v45 =	vmin.f32 v18, v33;
	v1 =	vmin.f32 v57, v1;
	v18 =	vld [tilespmem:$0x19A8];
	[tilespmem:$0x1900] =	vst v7  }
0x12d: {  	[tilespmem:$0x19C0] =	vst v1;
	v6 =	vmin.f32 v6, v38;
	v36 =	vld [tilespmem:$0x1904]  }
0x12e: {  	v5 =	vmin.f32 v50, v5;
	v47 =	vld [tilespmem:$0x19C8];
	[tilespmem:$0x1920] =	vst v6  }
0x12f: {  	[tilespmem:$0x19E0] =	vst v5;
	v3 =	vmin.f32 v3, v39;
	v44 =	vld [tilespmem:$0x1924]  }
0x130: {  	v50 =	vld [tilespmem:$0x19E8];
	v4 =	vmin.f32 v4, v40;
	[tilespmem:$0x1940] =	vst v3  }
0x131: {  	v11 =	vadd.f32 v45, v17;
	v2 =	vmin.f32 v2, v43;
	[tilespmem:$0x1960] =	vst v4;
	v17 =	vld [tilespmem:$0x1944]  }
0x132: {  	v46 =	vmin.f32 v27, v32;
	[tilespmem:$0x1980] =	vst v2;
	v48 =	vld [tilespmem:$0x1964];
	v7 =	vmin.f32 v7, v36  }
0x133: {  	v8 =	vadd.f32 v46, v11;
	v1 =	vmin.f32 v1, v47;
	v51 =	vld [tilespmem:$0x1984];
	[tilespmem:$0x1900] =	vst v7  }
0x134: {  	v49 =	vmin.f32 v26, v31;
	[tilespmem:$0x19C0] =	vst v1;
	v6 =	vmin.f32 v6, v44;
	v37 =	vld [tilespmem:$0x1902]  }
0x135: {  	v8 =	vadd.f32 v49, v8;
	v9 =	vmin.f32 v42, v18;
	v54 =	vld [tilespmem:$0x19C4];
	[tilespmem:$0x1920] =	vst v6  }
0x136: {  	v18 =	vmin.f32 v25, v30;
	[tilespmem:$0x19A0] =	vst v9;
	v3 =	vmin.f32 v3, v17;
	v52 =	vld [tilespmem:$0x1922]  }
0x137: {  	v5 =	vmin.f32 v5, v50;
	v8 =	vadd.f32 v18, v8;
	v17 =	vld [tilespmem:$0x19A4];
	[tilespmem:$0x1940] =	vst v3  }
0x138: {  	v18 =	vmin.f32 v24, v29;
	[tilespmem:$0x19E0] =	vst v5;
	v4 =	vmin.f32 v4, v48;
	v53 =	vld [tilespmem:$0x1942]  }
0x139: {  	v56 =	vld [tilespmem:$0x19E4];
	v8 =	vadd.f32 v18, v8;
	[tilespmem:$0x1960] =	vst v4;
	v7 =	vmin.f32 v7, v37  }
0x13a: {  	v18 =	vmin.f32 v23, v28;
	v2 =	vmin.f32 v2, v51;
	v55 =	vld [tilespmem:$0x1962];
	[tilespmem:$0x1900] =	vst v7  }
0x13b: {  	v8 =	vadd.f32 v18, v8;
	[tilespmem:$0x1980] =	vst v2;
	v6 =	vmin.f32 v6, v52;
	v41 =	vld [tilespmem:$0x1901]  }
0x13c: {  	v18 =	vmin.f32 v22, v20;
	v57 =	vld [tilespmem:$0x1982];
	v9 =	vmin.f32 v9, v17;
	[tilespmem:$0x1920] =	vst v6  }
0x13d: {  	v8 =	vadd.f32 v18, v8;
	[tilespmem:$0x19A0] =	vst v9;
	v3 =	vmin.f32 v3, v53;
	v17 =	vld [tilespmem:$0x1921]  }
0x13e: {  	v18 =	vmin.f32 v21, v19;
	v1 =	vmin.f32 v1, v54;
	v19 =	vld [tilespmem:$0x19A2];
	[tilespmem:$0x1940] =	vst v3  }
0x13f: {  	[tilespmem:$0x19C0] =	vst v1;
	v8 =	vadd.f32 v18, v8;
	v4 =	vmin.f32 v4, v55;
	v58 =	vld [tilespmem:$0x1941]  }
0x140: {  	v5 =	vmin.f32 v5, v56;
	v18 =	vld [tilespmem:$0x19C2];
	[tilespmem:$0x1960] =	vst v4;
	v7 =	vmin.f32 v7, v41  }
0x141: {  	[tilespmem:$0x19E0] =	vst v5;
	v2 =	vmin.f32 v2, v57;
	v59 =	vld [tilespmem:$0x1961];
	v7 =	vadd.f32 v7, v8  }
0x142: {  	v60 =	vld [tilespmem:$0x19E2];
	[tilespmem:$0x1980] =	vst v2;
	v6 =	vmin.f32 v6, v17  }
0x143: {  	v61 =	vld [tilespmem:$0x1981];
	v9 =	vmin.f32 v9, v19;
	v6 =	vadd.f32 v6, v7  }
0x144: {  	[tilespmem:$0x19A0] =	vst v9;
	v3 =	vmin.f32 v3, v58  }
0x145: {  	v1 =	vmin.f32 v1, v18;
	v62 =	vld [tilespmem:$0x19A1];
	v3 =	vadd.f32 v3, v6  }
0x146: {  	[tilespmem:$0x19C0] =	vst v1;
	v4 =	vmin.f32 v4, v59  }
0x147: {  	v5 =	vmin.f32 v5, v60;
	v63 =	vld [tilespmem:$0x19C1];
	v3 =	vadd.f32 v4, v3  }
0x148: {  	[tilespmem:$0x19E0] =	vst v5;
	v2 =	vmin.f32 v2, v61  }
0x149: {  	s31 =	sadd.s32 $0x1, s31;
	v2 =	vadd.f32 v2, v3;
	v3 =	vld [tilespmem:$0x19E1]  }
0x14a: {  	p0 =	sne.s32 s31, $0x8;
	v6 =	vmin.f32 v9, v62  }
.Ltmp3:
0x14b: {  	v2 =	vadd.f32 v6, v2;
	(pc) =	sbr.rel @p0 .LBB2_4-.Ltmp3, $4  }
0x14c: {  	v1 =	vmin.f32 v1, v63  }
0x14d: {  	v1 =	vadd.f32 v1, v2  }
0x14e: {  	v2 =	vmin.f32 v5, v3  }
0x14f: {  	v17 =	vadd.f32 v2, v1  }
0x150: {  	_ = 	snop  }
0x151: {  	[tilespmem:$0x1A80] =	vst v17  }
0x152: {  	[hbm4b:s8+s2] =	stream.linear.scatter [tilespmem:s0], [sflag:$0x1], $0x80, $0x38;
	[tilespmem:$0x2300] =	vst v63  }
0x153: {  	_ =	swait.ge [sflag:s28], $0x80  }
0x154: {  	[sflag:s28] =	ssyncset.done $0x0  }
0x155: {  	s4 =	simm.s32 $0x80;
	s3 =	simm.s32 $0x400;
	[sflag:s28] =	ssyncadd.s32 $0xFFFFFF80  }
0x156: {  	[spmem:s9] =	stream.strided.scatter [tilespmem:s30], [sflag:$0x1], $0x800, s3, s4, $0x38;
	[tilespmem:$0x2300] =	vst v63  }
0x157: {  	_ =	swait.ge [sflag:s28], $0x800  }
0x158: {  	[sflag:s28] =	ssyncset.done $0x0  }
0x159: {  	[sflag:s28] =	ssyncadd.s32 $0xFFFFF800  }
0x15a: {  	[bflag:$0x0] =	sbarrier.arrive $0xFFFF  }
0x15b: {  	[tilespmem:s30], [sflag:$0x1] =	stream.linear.gather [spmem:s7], $0x80, $0x38;
	[tilespmem:$0x2300] =	vst v63  }
0x15c: {  	_ =	swait.ge [sflag:s28], $0x80  }
0x15d: {  	[sflag:s28] =	ssyncset.done $0x0  }
0x15e: {  	s6 =	simm.s32 $0x1180;
	[sflag:s28] =	ssyncadd.s32 $0xFFFFFF80  }
0x15f: {  	[tilespmem:s6], [sflag:$0x1] =	stream.linear.gather [spmem:s10], $0x80, $0x38;
	[tilespmem:$0x2300] =	vst v63  }
0x160: {  	_ =	swait.ge [sflag:s28], $0x80  }
0x161: {  	[sflag:s28] =	ssyncset.done $0x0  }
0x162: {  	s29 =	simm.s32 $0x1200;
	[sflag:s28] =	ssyncadd.s32 $0xFFFFFF80  }
0x163: {  	[tilespmem:s29], [sflag:$0x1] =	stream.linear.gather [spmem:s11], $0x80, $0x38;
	[tilespmem:$0x2300] =	vst v63  }
0x164: {  	_ =	swait.ge [sflag:s28], $0x80  }
0x165: {  	[sflag:s28] =	ssyncset.done $0x0  }
0x166: {  	s31 =	simm.s32 $0x1280;
	[sflag:s28] =	ssyncadd.s32 $0xFFFFFF80  }
0x167: {  	[tilespmem:s31], [sflag:$0x1] =	stream.linear.gather [spmem:s12], $0x80, $0x38;
	[tilespmem:$0x2300] =	vst v63  }
0x168: {  	_ =	swait.ge [sflag:s28], $0x80  }
0x169: {  	[sflag:s28] =	ssyncset.done $0x0  }
0x16a: {  	s5 =	simm.s32 $0x1300;
	[sflag:s28] =	ssyncadd.s32 $0xFFFFFF80  }
0x16b: {  	[tilespmem:s5], [sflag:$0x1] =	stream.linear.gather [spmem:s13], $0x80, $0x38;
	[tilespmem:$0x2300] =	vst v63  }
0x16c: {  	_ =	swait.ge [sflag:s28], $0x80  }
0x16d: {  	[sflag:s28] =	ssyncset.done $0x0  }
0x16e: {  	s6 =	simm.s32 $0x1380;
	[sflag:s28] =	ssyncadd.s32 $0xFFFFFF80  }
0x16f: {  	[tilespmem:s6], [sflag:$0x1] =	stream.linear.gather [spmem:s14], $0x80, $0x38;
	[tilespmem:$0x2300] =	vst v63  }
0x170: {  	_ =	swait.ge [sflag:s28], $0x80  }
0x171: {  	[sflag:s28] =	ssyncset.done $0x0  }
0x172: {  	s29 =	simm.s32 $0x1400;
	[sflag:s28] =	ssyncadd.s32 $0xFFFFFF80  }
0x173: {  	[tilespmem:s29], [sflag:$0x1] =	stream.linear.gather [spmem:s15], $0x80, $0x38;
	[tilespmem:$0x2300] =	vst v63  }
0x174: {  	_ =	swait.ge [sflag:s28], $0x80  }
0x175: {  	[sflag:s28] =	ssyncset.done $0x0  }
0x176: {  	s31 =	simm.s32 $0x1480;
	[sflag:s28] =	ssyncadd.s32 $0xFFFFFF80  }
0x177: {  	[tilespmem:s31], [sflag:$0x1] =	stream.linear.gather [spmem:s16], $0x80, $0x38;
	[tilespmem:$0x2300] =	vst v63  }
0x178: {  	_ =	swait.ge [sflag:s28], $0x80  }
0x179: {  	[sflag:s28] =	ssyncset.done $0x0  }
0x17a: {  	s5 =	simm.s32 $0x1500;
	[sflag:s28] =	ssyncadd.s32 $0xFFFFFF80  }
0x17b: {  	[tilespmem:s5], [sflag:$0x1] =	stream.linear.gather [spmem:s17], $0x80, $0x38;
	[tilespmem:$0x2300] =	vst v63  }
0x17c: {  	_ =	swait.ge [sflag:s28], $0x80  }
0x17d: {  	[sflag:s28] =	ssyncset.done $0x0  }
0x17e: {  	s6 =	simm.s32 $0x1580;
	[sflag:s28] =	ssyncadd.s32 $0xFFFFFF80  }
0x17f: {  	[tilespmem:s6], [sflag:$0x1] =	stream.linear.gather [spmem:s18], $0x80, $0x38;
	[tilespmem:$0x2300] =	vst v63  }
0x180: {  	_ =	swait.ge [sflag:s28], $0x80  }
0x181: {  	[sflag:s28] =	ssyncset.done $0x0  }
0x182: {  	s29 =	simm.s32 $0x1600;
	[sflag:s28] =	ssyncadd.s32 $0xFFFFFF80  }
0x183: {  	[tilespmem:s29], [sflag:$0x1] =	stream.linear.gather [spmem:s19], $0x80, $0x38;
	[tilespmem:$0x2300] =	vst v63  }
0x184: {  	_ =	swait.ge [sflag:s28], $0x80  }
0x185: {  	[sflag:s28] =	ssyncset.done $0x0  }
0x186: {  	s31 =	simm.s32 $0x1680;
	[sflag:s28] =	ssyncadd.s32 $0xFFFFFF80  }
0x187: {  	[tilespmem:s31], [sflag:$0x1] =	stream.linear.gather [spmem:s20], $0x80, $0x38;
	[tilespmem:$0x2300] =	vst v63  }
0x188: {  	_ =	swait.ge [sflag:s28], $0x80  }
0x189: {  	[sflag:s28] =	ssyncset.done $0x0  }
0x18a: {  	s5 =	simm.s32 $0x1700;
	[sflag:s28] =	ssyncadd.s32 $0xFFFFFF80  }
0x18b: {  	[tilespmem:s5], [sflag:$0x1] =	stream.linear.gather [spmem:s21], $0x80, $0x38;
	[tilespmem:$0x2300] =	vst v63  }
0x18c: {  	_ =	swait.ge [sflag:s28], $0x80  }
0x18d: {  	[sflag:s28] =	ssyncset.done $0x0  }
0x18e: {  	s6 =	simm.s32 $0x1780;
	[sflag:s28] =	ssyncadd.s32 $0xFFFFFF80  }
0x18f: {  	[tilespmem:s6], [sflag:$0x1] =	stream.linear.gather [spmem:s22], $0x80, $0x38;
	[tilespmem:$0x2300] =	vst v63  }
0x190: {  	_ =	swait.ge [sflag:s28], $0x80  }
0x191: {  	[sflag:s28] =	ssyncset.done $0x0  }
0x192: {  	s29 =	simm.s32 $0x1800;
	[sflag:s28] =	ssyncadd.s32 $0xFFFFFF80  }
0x193: {  	[tilespmem:s29], [sflag:$0x1] =	stream.linear.gather [spmem:s23], $0x80, $0x38;
	[tilespmem:$0x2300] =	vst v63  }
0x194: {  	_ =	swait.ge [sflag:s28], $0x80  }
0x195: {  	[sflag:s28] =	ssyncset.done $0x0  }
0x196: {  	s31 =	simm.s32 $0x1880;
	[sflag:s28] =	ssyncadd.s32 $0xFFFFFF80  }
0x197: {  	[tilespmem:s31], [sflag:$0x1] =	stream.linear.gather [spmem:s26], $0x80, $0x38;
	[tilespmem:$0x2300] =	vst v63  }
0x198: {  	_ =	swait.ge [sflag:s28], $0x80  }
0x199: {  	[sflag:s28] =	ssyncset.done $0x0  }
0x19a: {  	[sflag:s28] =	ssyncadd.s32 $0xFFFFFF80  }
0x19b: {  	v6 =	vld [tilespmem:$0x1100]  }
0x19c: {  	v4 =	vld [tilespmem:$0x1180]  }
0x19d: {  	v7 =	vld [tilespmem:$0x1200]  }
0x19e: {  	v8 =	vld [tilespmem:$0x1280]  }
0x19f: {  	v10 =	vld [tilespmem:$0x1300]  }
0x1a0: {  	v11 =	vld [tilespmem:$0x1380]  }
0x1a1: {  	v18 =	vld [tilespmem:$0x1400]  }
0x1a2: {  	v20 =	vld [tilespmem:$0x1480]  }
0x1a3: {  	v21 =	vld [tilespmem:$0x1500]  }
0x1a4: {  	v23 =	vld [tilespmem:$0x1580]  }
0x1a5: {  	v44 =	vld [tilespmem:$0x1600]  }
0x1a6: {  	v45 =	vld [tilespmem:$0x1680]  }
0x1a7: {  	v50 =	vld [tilespmem:$0x1700]  }
0x1a8: {  	v52 =	vld [tilespmem:$0x1780]  }
0x1a9: {  	v1 =	vld [tilespmem:$0x1800]  }
0x1aa: {  	v24 =	vld [tilespmem:$0x1110]  }
0x1ab: {  	v25 =	vld [tilespmem:$0x1190]  }
0x1ac: {  	v26 =	vld [tilespmem:$0x1210]  }
0x1ad: {  	v27 =	vld [tilespmem:$0x1290]  }
0x1ae: {  	v28 =	vld [tilespmem:$0x1310]  }
0x1af: {  	v29 =	vld [tilespmem:$0x1390]  }
0x1b0: {  	v30 =	vld [tilespmem:$0x1410]  }
0x1b1: {  	v31 =	vld [tilespmem:$0x1490]  }
0x1b2: {  	v32 =	vld [tilespmem:$0x1510]  }
0x1b3: {  	v33 =	vld [tilespmem:$0x1590]  }
0x1b4: {  	v34 =	vld [tilespmem:$0x1610]  }
0x1b5: {  	v35 =	vld [tilespmem:$0x1690]  }
0x1b6: {  	v36 =	vld [tilespmem:$0x1710]  }
0x1b7: {  	v37 =	vld [tilespmem:$0x1790]  }
0x1b8: {  	v38 =	vld [tilespmem:$0x1810]  }
0x1b9: {  	v46 =	vld [tilespmem:$0x1890]  }
0x1ba: {  	v40 =	vld [tilespmem:$0x1120]  }
0x1bb: {  	v41 =	vld [tilespmem:$0x11A0]  }
0x1bc: {  	v42 =	vld [tilespmem:$0x1220]  }
0x1bd: {  	[tilespmem:$0x1FE60] =	vst v1;
	v1 =	vld [tilespmem:$0x1880]  }
0x1be: {  	v43 =	vld [tilespmem:$0x12A0]  }
0x1bf: {  	v47 =	vld [tilespmem:$0x1320]  }
0x1c0: {  	v49 =	vld [tilespmem:$0x13A0]  }
0x1c1: {  	v53 =	vld [tilespmem:$0x1420]  }
0x1c2: {  	[tilespmem:$0x1FE70] =	vst v1;
	v1 =	vld [tilespmem:$0x14A0]  }
0x1c3: {  	v54 =	vld [tilespmem:$0x1130]  }
0x1c4: {  	v55 =	vld [tilespmem:$0x11B0]  }
0x1c5: {  	v56 =	vld [tilespmem:$0x1230]  }
0x1c6: {  	v57 =	vld [tilespmem:$0x12B0]  }
0x1c7: {  	[tilespmem:$0x1FE80] =	vst v1;
	v1 =	vld [tilespmem:$0x1520]  }
0x1c8: {  	v58 =	vld [tilespmem:$0x1330]  }
0x1c9: {  	v59 =	vld [tilespmem:$0x13B0]  }
0x1ca: {  	v60 =	vld [tilespmem:$0x1430]  }
0x1cb: {  	v61 =	vld [tilespmem:$0x14B0]  }
0x1cc: {  	[tilespmem:$0x1FE90] =	vst v1;
	v1 =	vld [tilespmem:$0x15A0]  }
0x1cd: {  	v62 =	vld [tilespmem:$0x1530]  }
0x1ce: {  	v2 =	vld [tilespmem:$0x1140]  }
0x1cf: {  	v3 =	vld [tilespmem:$0x1240]  }
0x1d0: {  	v5 =	vld [tilespmem:$0x12C0]  }
0x1d1: {  	[tilespmem:$0x1FEA0] =	vst v1;
	v1 =	vld [tilespmem:$0x1620]  }
0x1d2: {  	v9 =	vld [tilespmem:$0x1340]  }
0x1d3: {  	v17 =	vld [tilespmem:$0x13C0]  }
0x1d4: {  	v19 =	vld [tilespmem:$0x1440]  }
0x1d5: {  	v22 =	vld [tilespmem:$0x14C0]  }
0x1d6: {  	[tilespmem:$0x1FEB0] =	vst v1;
	v1 =	vld [tilespmem:$0x16A0]  }
0x1d7: {  	v63 =	vld [tilespmem:$0x16C0]  }
0x1d8: {  	v39 =	vld [tilespmem:$0x1540]  }
0x1d9: {  	v48 =	vld [tilespmem:$0x15C0]  }
0x1da: {  	v51 =	vld [tilespmem:$0x1640]  }
0x1db: {  	[tilespmem:$0x1FEC0] =	vst v1;
	v1 =	vld [tilespmem:$0x1720]  }
0x1dc: {  	[tilespmem:$0x1FF60] =	vst v63;
	v63 =	vld [tilespmem:$0x1740]  }
0x1dd: {  	v4 =	vmin.f32 v6, v4;
	v6 =	vld [tilespmem:$0x1350]  }
0x1de: {  	v4 =	vmin.f32 v4, v7;
	v7 =	vld [tilespmem:$0x13D0]  }
0x1df: {  	v4 =	vmin.f32 v4, v8;
	v8 =	vmin.f32 v24, v25;
	v24 =	vld [tilespmem:$0x1450]  }
0x1e0: {  	[tilespmem:$0x1FEE0] =	vst v1;
	v1 =	vld [tilespmem:$0x17A0]  }
0x1e1: {  	v25 =	vld [tilespmem:$0x17D0]  }
0x1e2: {  	v4 =	vmin.f32 v4, v10;
	v10 =	vld [tilespmem:$0x14D0]  }
0x1e3: {  	v8 =	vmin.f32 v8, v26;
	v26 =	vld [tilespmem:$0x1850]  }
0x1e4: {  	v4 =	vmin.f32 v4, v11;
	v11 =	vld [tilespmem:$0x1550]  }
0x1e5: {  	[tilespmem:$0x1FF00] =	vst v1;
	v1 =	vld [tilespmem:$0x1820]  }
0x1e6: {  	v8 =	vmin.f32 v8, v27;
	v27 =	vld [tilespmem:$0x18D0]  }
0x1e7: {  	[tilespmem:$0x1FF80] =	vst v63;
	v63 =	vld [tilespmem:$0x17C0]  }
0x1e8: {  	v4 =	vmin.f32 v4, v18;
	v18 =	vld [tilespmem:$0x15D0]  }
0x1e9: {  	v8 =	vmin.f32 v8, v28;
	v28 =	vld [tilespmem:$0x1160]  }
0x1ea: {  	[tilespmem:$0x1FF20] =	vst v1;
	v1 =	vld [tilespmem:$0x18A0]  }
0x1eb: {  	v4 =	vmin.f32 v4, v20;
	v20 =	vld [tilespmem:$0x1650]  }
0x1ec: {  	v8 =	vmin.f32 v8, v29;
	v29 =	vld [tilespmem:$0x11E0]  }
0x1ed: {  	v4 =	vmin.f32 v4, v21;
	v21 =	vld [tilespmem:$0x16D0]  }
0x1ee: {  	v4 =	vmin.f32 v4, v23;
	v23 =	vld [tilespmem:$0x1750]  }
0x1ef: {  	v8 =	vmin.f32 v8, v30;
	[tilespmem:$0x1FF40] =	vst v1;
	v1 =	vld [tilespmem:$0x15B0]  }
0x1f0: {  	v8 =	vmin.f32 v8, v31;
	v31 =	vld [tilespmem:$0x1260]  }
0x1f1: {  	v8 =	vmin.f32 v8, v32;
	v32 =	vld [tilespmem:$0x12E0]  }
0x1f2: {  	v4 =	vmin.f32 v4, v44;
	[tilespmem:$0x1FFA0] =	vst v63;
	v63 =	vld [tilespmem:$0x1840]  }
0x1f3: {  	v4 =	vmin.f32 v4, v45;
	v45 =	vld [tilespmem:$0x1FE60]  }
0x1f4: {  	[tilespmem:$0x1FED0] =	vst v1;
	v1 =	vld [tilespmem:$0x1630]  }
0x1f5: {  	v8 =	vmin.f32 v8, v33;
	v33 =	vld [tilespmem:$0x13E0]  }
0x1f6: {  	v4 =	vmin.f32 v4, v50;
	v50 =	vld [tilespmem:$0x1FE70]  }
0x1f7: {  	v8 =	vmin.f32 v8, v34;
	v34 =	vld [tilespmem:$0x1360]  }
0x1f8: {  	v8 =	vmin.f32 v8, v35;
	v35 =	vld [tilespmem:$0x17E0]  }
0x1f9: {  	v54 =	vmin.f32 v54, v55;
	[tilespmem:$0x1FEF0] =	vst v1;
	v1 =	vld [tilespmem:$0x16B0]  }
0x1fa: {  	v8 =	vmin.f32 v8, v36;
	v36 =	vmin.f32 v54, v56;
	v54 =	vld [tilespmem:$0x1170]  }
0x1fb: {  	v56 =	vld [tilespmem:$0x1FF80]  }
0x1fc: {  	v4 =	vmin.f32 v4, v52;
	v52 =	vmin.f32 v40, v41;
	v8 =	vmin.f32 v8, v37;
	v37 =	vld [tilespmem:$0x1FE80]  }
0x1fd: {  	v30 =	vmin.f32 v52, v42;
	[tilespmem:$0x1FFD0] =	vst v63;
	v63 =	vld [tilespmem:$0x18C0]  }
0x1fe: {  	v30 =	vmin.f32 v30, v43;
	[tilespmem:$0x1FF10] =	vst v1;
	v1 =	vld [tilespmem:$0x1730]  }
0x1ff: {  	v55 =	vmin.f32 v30, v47;
	v30 =	vmin.f32 v36, v57;
	v36 =	vld [tilespmem:$0x1860]  }
0x200: {  	v4 =	vmin.f32 v4, v45;
	v57 =	vld [tilespmem:$0x11F0]  }
0x201: {  	v8 =	vmin.f32 v8, v38;
	v4 =	vmin.f32 v4, v50;
	v30 =	vmin.f32 v30, v58;
	v38 =	vld [tilespmem:$0x1FE90]  }
0x202: {  	v4 =	vadd.f32 $0.0e+00, v4;
	v30 =	vmin.f32 v30, v59;
	v59 =	vld [tilespmem:$0x1FFA0]  }
0x203: {  	v8 =	vmin.f32 v8, v46;
	[tilespmem:$0x1FF30] =	vst v1;
	v1 =	vld [tilespmem:$0x17B0]  }
0x204: {  	v30 =	vmin.f32 v30, v60;
	v4 =	vadd.f32 v8, v4;
	v8 =	vmin.f32 v55, v49;
	[tilespmem:$0x1FFF0] =	vst v63;
	v63 =	vld [tilespmem:$0x1150]  }
0x205: {  	v30 =	vmin.f32 v30, v61;
	v8 =	vmin.f32 v8, v53;
	v53 =	vld [tilespmem:$0x1FF60]  }
0x206: {  	v30 =	vmin.f32 v30, v62;
	v62 =	vld [tilespmem:$0x1270]  }
0x207: {  	v40 =	vld [tilespmem:$0x1FEA0]  }
0x208: {  	[tilespmem:$0x1FF50] =	vst v1;
	v1 =	vld [tilespmem:$0x1830]  }
0x209: {  	[tilespmem:$0x1FFB0] =	vst v63;
	v63 =	vld [tilespmem:$0x11D0]  }
0x20a: {  	v8 =	vmin.f32 v8, v37;
	v37 =	vld [tilespmem:$0x18E0]  }
0x20b: {  	v41 =	vld [tilespmem:$0x1FEB0]  }
0x20c: {  	v60 =	vld [tilespmem:$0x1FFB0]  }
0x20d: {  	[tilespmem:$0x1FF70] =	vst v1;
	v1 =	vld [tilespmem:$0x18B0]  }
0x20e: {  	[tilespmem:$0x1FFC0] =	vst v63;
	v63 =	vld [tilespmem:$0x1250]  }
0x20f: {  	v42 =	vld [tilespmem:$0x1FEC0]  }
0x210: {  	v44 =	vld [tilespmem:$0x1FEE0]  }
0x211: {  	v8 =	vmin.f32 v8, v38;
	v61 =	vld [tilespmem:$0x1FFC0]  }
0x212: {  	v8 =	vmin.f32 v8, v40;
	[tilespmem:$0x1FF90] =	vst v1;
	v1 =	vld [tilespmem:$0x11C0]  }
0x213: {  	v8 =	vmin.f32 v8, v41;
	[tilespmem:$0x1FFE0] =	vst v63;
	v63 =	vld [tilespmem:$0x12D0]  }
0x214: {  	v8 =	vmin.f32 v8, v42;
	v46 =	vld [tilespmem:$0x1FF00]  }
0x215: {  	v8 =	vmin.f32 v8, v44;
	v44 =	vld [tilespmem:$0x1FFD0]  }
0x216: {  	v49 =	vld [tilespmem:$0x1FF20]  }
0x217: {  	v43 =	vld [tilespmem:$0x1FED0];
	v1 =	vmin.f32 v2, v1  }
0x218: {  	v45 =	vld [tilespmem:$0x1FEF0];
	v1 =	vmin.f32 v1, v3  }
0x219: {  	v47 =	vld [tilespmem:$0x1FF10];
	v1 =	vmin.f32 v1, v5  }
0x21a: {  	v8 =	vmin.f32 v8, v46;
	v46 =	vld [tilespmem:$0x12F0];
	v1 =	vmin.f32 v1, v9  }
0x21b: {  	v50 =	vld [tilespmem:$0x1FF30];
	v1 =	vmin.f32 v1, v17  }
0x21c: {  	v30 =	vmin.f32 v30, v43;
	v52 =	vld [tilespmem:$0x1FF50];
	v1 =	vmin.f32 v1, v19  }
0x21d: {  	v30 =	vmin.f32 v30, v45;
	v45 =	vld [tilespmem:$0x1FFE0];
	v1 =	vmin.f32 v1, v22  }
0x21e: {  	v30 =	vmin.f32 v30, v47;
	v47 =	vld [tilespmem:$0x1FFF0];
	v1 =	vmin.f32 v1, v39  }
0x21f: {  	v55 =	vld [tilespmem:$0x1FF70];
	v1 =	vmin.f32 v1, v48  }
0x220: {  	v30 =	vmin.f32 v30, v50;
	v1 =	vmin.f32 v1, v51;
	v51 =	vld [tilespmem:$0x1FF40]  }
0x221: {  	v30 =	vmin.f32 v30, v52;
	v52 =	vmin.f32 v54, v57;
	v54 =	vld [tilespmem:$0x14F0]  }
0x222: {  	v58 =	vld [tilespmem:$0x1FF90]  }
0x223: {  	v57 =	vld [tilespmem:$0x15F0]  }
0x224: {  	v8 =	vmin.f32 v8, v49;
	v2 =	vld [tilespmem:$0x1460]  }
0x225: {  	v3 =	vld [tilespmem:$0x14E0];
	v8 =	vmin.f32 v8, v51  }
0x226: {  	v5 =	vld [tilespmem:$0x1560];
	v1 =	vmin.f32 v1, v53;
	v4 =	vadd.f32 v8, v4;
	v8 =	vmin.f32 v30, v55  }
0x227: {  	v9 =	vld [tilespmem:$0x15E0];
	v39 =	vmin.f32 v60, v61;
	v1 =	vmin.f32 v1, v56;
	v8 =	vmin.f32 v8, v58  }
0x228: {  	v17 =	vld [tilespmem:$0x1660];
	v1 =	vmin.f32 v1, v59;
	v4 =	vadd.f32 v8, v4;
	v8 =	vmin.f32 v39, v45  }
0x229: {  	v28 =	vmin.f32 v28, v29;
	v48 =	vld [tilespmem:$0x1370];
	v1 =	vmin.f32 v1, v44;
	v8 =	vmin.f32 v8, v63  }
0x22a: {  	v50 =	vmin.f32 v28, v31;
	v1 =	vmin.f32 v1, v47;
	v51 =	vld [tilespmem:$0x13F0];
	v49 =	vmin.f32 v8, v6  }
0x22b: {  	v53 =	vld [tilespmem:$0x1470];
	v1 =	vadd.f32 v1, v4;
	v6 =	vmin.f32 v50, v32;
	v4 =	vmin.f32 v49, v7  }
0x22c: {  	v19 =	vld [tilespmem:$0x16E0];
	v6 =	vmin.f32 v6, v34;
	v7 =	vmin.f32 v52, v62;
	v4 =	vmin.f32 v4, v24  }
0x22d: {  	v55 =	vld [tilespmem:$0x1570];
	v6 =	vmin.f32 v6, v33;
	v7 =	vmin.f32 v7, v46;
	v4 =	vmin.f32 v4, v10  }
0x22e: {  	v22 =	vld [tilespmem:$0x1760];
	v2 =	vmin.f32 v6, v2;
	v56 =	vmin.f32 v7, v48;
	v4 =	vmin.f32 v4, v11  }
0x22f: {  	v58 =	vld [tilespmem:$0x1670];
	v2 =	vmin.f32 v2, v3;
	v3 =	vmin.f32 v56, v51;
	v4 =	vmin.f32 v4, v18  }
0x230: {  	v59 =	vld [tilespmem:$0x16F0];
	v2 =	vmin.f32 v2, v5;
	v3 =	vmin.f32 v3, v53;
	v4 =	vmin.f32 v4, v20  }
0x231: {  	v60 =	vld [tilespmem:$0x1770];
	v2 =	vmin.f32 v2, v9;
	v3 =	vmin.f32 v3, v54;
	v4 =	vmin.f32 v4, v21  }
0x232: {  	v61 =	vld [tilespmem:$0x17F0];
	v2 =	vmin.f32 v2, v17;
	v3 =	vmin.f32 v3, v55;
	v4 =	vmin.f32 v4, v23  }
0x233: {  	v62 =	vld [tilespmem:$0x1870];
	v2 =	vmin.f32 v2, v19;
	v3 =	vmin.f32 v3, v57;
	v4 =	vmin.f32 v4, v25  }
0x234: {  	v63 =	vld [tilespmem:$0x18F0];
	v2 =	vmin.f32 v2, v22;
	v3 =	vmin.f32 v3, v58;
	v4 =	vmin.f32 v4, v26  }
0x235: {  	v2 =	vmin.f32 v2, v35;
	v3 =	vmin.f32 v3, v59;
	v4 =	vmin.f32 v4, v27  }
0x236: {  	v2 =	vmin.f32 v2, v36;
	v3 =	vmin.f32 v3, v60;
	v1 =	vadd.f32 v4, v1  }
0x237: {  	v2 =	vmin.f32 v2, v37;
	v3 =	vmin.f32 v3, v61  }
0x238: {  	v1 =	vadd.f32 v2, v1;
	v2 =	vmin.f32 v3, v62  }
0x239: {  	v2 =	vmin.f32 v2, v63  }
0x23a: {  	v1 =	vadd.f32 v2, v1;
	_ =	sdelay $0x1  }
0x23b: {  	[tilespmem:$0x1A00] =	vst v1  }
0x23c: {  	v2 =	vld [tilespmem:$0x1A08];
	_ =	sdelay $0x4  }
0x23d: {  	v1 =	vadd.f32 v2, v1;
	_ =	sdelay $0x1  }
0x23e: {  	[tilespmem:$0x1A00] =	vst v1  }
0x23f: {  	v2 =	vld [tilespmem:$0x1A04];
	_ =	sdelay $0x4  }
0x240: {  	v1 =	vadd.f32 v2, v1;
	_ =	sdelay $0x1  }
0x241: {  	[tilespmem:$0x1A00] =	vst v1  }
0x242: {  	v2 =	vld [tilespmem:$0x1A02];
	_ =	sdelay $0x4  }
0x243: {  	v1 =	vadd.f32 v2, v1;
	_ =	sdelay $0x1  }
0x244: {  	[tilespmem:$0x1A00] =	vst v1  }
0x245: {  	v2 =	vld [tilespmem:$0x1A01];
	_ =	sdelay $0x4  }
0x246: {  	s1 =	sadd.s32 $0x1, s1;
	v1 =	vadd.f32 v2, v1  }
0x247: {  	p0 =	sne.s32 s1, s25  }
.Ltmp4:
0x248: {  	[tilespmem:$0x1A80] =	vst v1;
	(pc) =	sbr.rel @p0 .LBB2_1-.Ltmp4, $4  }
0x249: {  	[hbm4b:s24+s2] =	stream.linear.scatter [tilespmem:s0], [sflag:$0x1], $0x80, $0x38;
	[tilespmem:$0x2300] =	vst v63  }
0x24a: {  	_ =	swait.ge [sflag:s28], $0x80  }
0x24b: {  	[sflag:s28] =	ssyncset.done $0x0  }
0x24c: {  	[sflag:s28] =	ssyncadd.s32 $0xFFFFFF80  }
0x24d: {  	_ =	sfence.sel $0x180000  }
0x24e: {  	[bflag:$0x0] =	sbarrier.arrive $0xFFFF  }
0x24f: {  	_ =	strace $0x90000047  }
0x250: {  	s0 =	stileid.u32;
	[bflag:$0x2] =	sbarrier.arrive $0xFFFF  }
0x251: {  	p0 =	sne.s32 s0, $0x0;
	s0 =	rddreg [dreg:$0x2]  }
0x252: {  	s0 =	sadd.s32 @!p0 $0x100000, s0  }
0x253: {  	[sflag:s0] =	ssyncadd.tile.s32 @!p0 $0x1;
	_ =	shalt  }
.Lfunc_end2:
_tile_overlayer_lowered:
.L_overlay_start_2:
0x254: {  	(tag) =	ssettag $0x2  }
0x255: {  	s0 =	rddreg [dreg:$0x0];
	s2 =	stileid.u32  }
0x256: {  	s1 =	rddreg [dreg:$0x1];
	p0 =	sne.s32 s2, $0x0  }
0x257: {  	s3 =	rddreg [dreg:$0x2];
	[bflag:$0x3] =	sbarrier.arrive $0xFFFF;
	s2 =	simm.s32 @!p0 $0x1C01  }
0x258: {  	[timem:s3], [sflag:s2] =	dma.local @!p0 [hbm:s0], s1  }
0x259: {  	s0 =	simm.s32 @!p0 $0x1  }
0x25a: {  	_ =	swait.ge @!p0 [sflag:s0], s1  }
0x25b: {  	s1 =	ssub.s32 @!p0 $0x0, s1;
	[sflag:s0] =	ssyncset.done @!p0 $0x0  }
0x25c: {  	[sflag:s0] =	ssyncadd.s32 @!p0 s1  }
0x25d: {  	[bflag:$0x3] =	sbarrier.arrive $0xFFFF  }
0x25e: {  	_ =	shalt  }

</sc_bundles>
